<compile_context>
chip_gen: v7x
topology: tpu7x:2x2x1
jax: 0.10.2.dev20260603
libtpu: 0.0.44.dev20260713+nightly
codegen_flags: <defaults>
</compile_context>

<pallas_src>
import jax
import jax.numpy as jnp
from jax import lax
from jax.experimental import pallas as pl
from jax.experimental.pallas import tpu as pltpu
from jax.experimental.pallas import tpu_sc as plsc

B, N, L = 64, 4096, 5
NC, NS, LANES = 2, 16, 16
NW = NC * NS
BPW = 1
NCHUNK = N // LANES
TBL = 65536
MAXROUND = 10


def _body(lo_hbm, hi_hbm, mask_hbm, flags_hbm,
          tbl, lov, hiv, gv, maskv, flagv, s16):
    cid = lax.axis_index("c")
    sid = lax.axis_index("s")
    wid = sid * NC + cid
    iota = lax.iota(jnp.int32, LANES)

    for bb in range(BPW):
        b = wid * BPW + bb
        pltpu.sync_copy(lo_hbm.at[b], lov)
        pltpu.sync_copy(hi_hbm.at[b], hiv)
        pltpu.sync_copy(mask_hbm.at[b], maskv)

        @plsc.parallel_loop(0, NCHUNK, unroll=4)
        def _keys(i):
            lo = lov[pl.ds(i * LANES, LANES)]
            plsc.store_scatter(tbl, [lo & 0xFFFF], i * LANES + iota)

        @plsc.parallel_loop(0, NCHUNK, unroll=4,
                            carry=(jnp.int32(0), jnp.int32(0)))
        def _r0b(i, c):
            bad, dup = c
            n = i * LANES + iota
            lo = lov[pl.ds(i * LANES, LANES)]
            hi = hiv[pl.ds(i * LANES, LANES)]
            g = plsc.load_gather(tbl, [lo & 0xFFFF])
            gv[pl.ds(i * LANES, LANES)] = g
            neq = (plsc.load_gather(lov, [g]) != lo) | \
                  (plsc.load_gather(hiv, [g]) != hi)
            return (bad | jnp.max(jnp.where(neq, 1, 0)),
                    dup | jnp.max(jnp.where(g != n, 1, 0)))
        bad0, dup0 = _r0b

        def rcond(carry):
            r, bad, dup = carry
            return (r < MAXROUND) & (bad > 0)

        def rbody(carry):
            r, _, _ = carry
            use_lo = r < 5
            shamt = jnp.where(use_lo, 12 + 4 * r, 4 * r - 20).astype(jnp.int32)

            @plsc.parallel_loop(0, NCHUNK, unroll=4)
            def _pa(i):
                lo = lov[pl.ds(i * LANES, LANES)]
                hi = hiv[pl.ds(i * LANES, LANES)]
                piece = (jnp.where(use_lo, lo, hi) >> shamt) & 15
                slot = gv[pl.ds(i * LANES, LANES)] * 16 + piece
                plsc.store_scatter(tbl, [slot], i * LANES + iota)

            @plsc.parallel_loop(0, NCHUNK, unroll=4,
                                carry=(jnp.int32(0), jnp.int32(0)))
            def _pb(i, c):
                bad, dup = c
                n = i * LANES + iota
                lo = lov[pl.ds(i * LANES, LANES)]
                hi = hiv[pl.ds(i * LANES, LANES)]
                piece = (jnp.where(use_lo, lo, hi) >> shamt) & 15
                slot = gv[pl.ds(i * LANES, LANES)] * 16 + piece
                g = plsc.load_gather(tbl, [slot])
                gv[pl.ds(i * LANES, LANES)] = g
                neq = (plsc.load_gather(lov, [g]) != lo) | \
                      (plsc.load_gather(hiv, [g]) != hi)
                return (bad | jnp.max(jnp.where(neq, 1, 0)),
                        dup | jnp.max(jnp.where(g != n, 1, 0)))
            badr, dupr = _pb
            return r + 1, badr, dupr

        _, _, anydup = lax.while_loop(rcond, rbody,
                                      (jnp.int32(1), bad0, dup0))

        @pl.when(anydup == 0)
        def _fast():
            @plsc.parallel_loop(0, NCHUNK, unroll=4)
            def _fl0(i):
                mk = maskv[pl.ds(i * LANES, LANES)]
                flagv[pl.ds(i * LANES, LANES)] = jnp.where(mk != 0, 1.0, 0.0)

        @pl.when(anydup > 0)
        def _slow():
            def mins(j, c):
                i = NCHUNK - 1 - j
                n = i * LANES + iota
                g = gv[pl.ds(i * LANES, LANES)]
                s = lax.sort((g << 12) | n, dimension=0)
                s16[...] = s
                prev = plsc.load_gather(s16, [jnp.maximum(iota - 1, 0)])
                first = (iota == 0) | ((s >> 12) != (prev >> 12))
                plsc.store_scatter(tbl, [s >> 12], s & 4095, mask=first)
                return c
            lax.fori_loop(0, NCHUNK, mins, 0)

            @plsc.parallel_loop(0, NCHUNK, unroll=4)
            def _fl(i):
                n = i * LANES + iota
                g = gv[pl.ds(i * LANES, LANES)]
                keep = (plsc.load_gather(tbl, [g]) == n) & \
                       (maskv[pl.ds(i * LANES, LANES)] != 0)
                flagv[pl.ds(i * LANES, LANES)] = jnp.where(keep, 1.0, 0.0)

        pltpu.sync_copy(flagv, flags_hbm.at[b])


def _paths_mask(lo, hi, mk):
    run = pl.kernel(
        _body,
        out_type=jax.ShapeDtypeStruct((NW, N), jnp.float32),
        mesh=plsc.VectorSubcoreMesh(core_axis_name="c", subcore_axis_name="s",
                                    num_cores=NC, num_subcores=NS),
        scratch_types=[
            pltpu.VMEM((TBL,), jnp.int32),
            pltpu.VMEM((N,), jnp.int32),
            pltpu.VMEM((N,), jnp.int32),
            pltpu.VMEM((N,), jnp.int32),
            pltpu.VMEM((N,), jnp.int32),
            pltpu.VMEM((N,), jnp.float32),
            pltpu.VMEM((LANES,), jnp.int32),
        ],
        compiler_params=pltpu.CompilerParams(needs_layout_passes=False),
    )
    return run(lo, hi, mk)


def kernel(vertices, objects, mask):
    lo = objects[:, :, 0] | (objects[:, :, 1] << 10) | (objects[:, :, 2] << 20)
    hi = objects[:, :, 3] | (objects[:, :, 4] << 10)
    mk = mask.astype(jnp.int32)
    h = NW
    f1 = _paths_mask(lo[:h], hi[:h], mk[:h])
    f2 = _paths_mask(lo[h:], hi[h:], mk[h:])
    o1 = vertices[:h] * f1[:, :, None, None]
    o2 = vertices[h:] * f2[:, :, None, None]
    return jnp.concatenate([o1, o2], axis=0)

# --- scband reference (transcript-rebuilt; emitter-appended) ---
"""Pipeline reference for scband-paths-44684839747681 (READ-ONLY COPY).

The authoritative reference and input builder live on the scoring server;
editing this copy changes nothing except your own understanding.
"""

import jax, jax.numpy as jnp
import numpy as np


def setup_inputs(seed: int = 0) -> dict:
    key = jax.random.key(seed)
    k1, k2 = jax.random.split(key)
    B, N, L = 64, 4096, 5
    vertices = jax.random.normal(k1, (B, N, L, 3), dtype=jnp.float32)
    objects = jax.random.randint(k2, (B, N, L), 0, 1000, dtype=jnp.int32)
    mask = jnp.ones((B, N), dtype=bool)
    return {"vertices": vertices, "objects": objects, "mask": mask}


def reference(vertices, objects, mask):
    # Faithful translation of Paths.mask_duplicate_objects(axis=-1) followed by
    # applying the resulting mask to the path vertices (masked_vertices semantics,
    # kept dense so batch dims are preserved, as in the original class).
    B, N, L = objects.shape
    indices = jnp.arange(N, dtype=objects.dtype)

    def f(obj):
        # obj: [N, L] -> bool [N], True where row is the first occurrence
        _, index = jnp.unique(obj, axis=0, size=N, return_index=True)
        return jnp.isin(indices, index)

    dup_mask = jnp.stack([f(objects[b]) for b in range(B)], axis=0)  # [B, N]
    final_mask = dup_mask & mask  # combine with existing validity mask
    out = vertices * final_mask[:, :, None, None].astype(vertices.dtype)
    return out

if __name__ == "__main__":
    import jax
    _d = setup_inputs()
    print(jax.jit(kernel)(*tuple(_d.values())))

</pallas_src>

<mosaic_0001>
#map = affine_map<(d0, d1) -> (0, 0)>
module attributes {stable_mosaic.version = 14 : i64} {
  func.func @_body(%arg0: i32, %arg1: i32, %arg2: memref<32x4096xi32, #tpu.memory_space<hbm>>, %arg3: memref<32x4096xi32, #tpu.memory_space<hbm>>, %arg4: memref<32x4096xi32, #tpu.memory_space<hbm>>, %arg5: memref<32x4096xf32, #tpu.memory_space<hbm>>, %arg6: memref<65536xi32, #tpu.memory_space<vmem>>, %arg7: memref<4096xi32, #tpu.memory_space<vmem>>, %arg8: memref<4096xi32, #tpu.memory_space<vmem>>, %arg9: memref<4096xi32, #tpu.memory_space<vmem>>, %arg10: memref<4096xi32, #tpu.memory_space<vmem>>, %arg11: memref<4096xf32, #tpu.memory_space<vmem>>, %arg12: memref<16xi32, #tpu.memory_space<vmem>>) attributes {dimension_semantics = [#tpu.dimension_semantics<core_parallel>, #tpu.dimension_semantics<subcore_parallel>], iteration_bounds = array<i64: 2, 16>, scalar_prefetch = 0 : i64, scratch_operands = 7 : i64, tpu.core_type = #tpu.core_type<sc_vector_subcore>, window_params = [{transform_indices = #map}, {transform_indices = #map}, {transform_indices = #map}, {transform_indices = #map}]} {
    %mul3A = arith.constant 2 : i32
    %mul3A_0 = arith.muli %arg1, %mul3A : i32
    %add3A = arith.addi %mul3A_0, %arg0 : i32
    %iota3A = tpu.iota {dimensions = array<i32: 0>} : vector<16xi32>
    %mul3A_1 = arith.constant 1 : i32
    %mul3A_2 = arith.muli %add3A, %mul3A_1 : i32
    %add3A_3 = arith.constant 0 : i32
    %add3A_4 = arith.addi %mul3A_2, %add3A_3 : i32
    "tpu.region"() ({
      %run_scoped3A = tpu.sem_alloc : memref<!tpu.dma_semaphore, #tpu.memory_space<semaphore_mem>>
      %dma_start3A = arith.constant 0 : i32
      %dma_start3A_20 = tpu.memref_slice %arg2[%add3A_4, %dma_start3A] : memref<32x4096xi32, #tpu.memory_space<hbm>> -> memref<1x4096xi32, #tpu.memory_space<hbm>>
      %dma_start3A_21 = tpu.memref_squeeze %dma_start3A_20 : memref<1x4096xi32, #tpu.memory_space<hbm>> -> memref<4096xi32, #tpu.memory_space<hbm>>
      %dma_start3A_22 = arith.constant 0 : i32
      %dma_start3A_23 = tpu.memref_slice %arg2[%add3A_4, %dma_start3A_22] : memref<32x4096xi32, #tpu.memory_space<hbm>> -> memref<1x4096xi32, #tpu.memory_space<hbm>>
      %dma_start3A_24 = tpu.memref_squeeze %dma_start3A_23 : memref<1x4096xi32, #tpu.memory_space<hbm>> -> memref<4096xi32, #tpu.memory_space<hbm>>
      tpu.enqueue_dma source(%dma_start3A_24 : memref<4096xi32, #tpu.memory_space<hbm>>) target(%arg7 : memref<4096xi32, #tpu.memory_space<vmem>>) target_semaphore(%run_scoped3A : memref<!tpu.dma_semaphore, #tpu.memory_space<semaphore_mem>>)
      %dma_wait3A = arith.constant 0 : i32
      %dma_wait3A_25 = tpu.memref_slice %arg2[%add3A_4, %dma_wait3A] : memref<32x4096xi32, #tpu.memory_space<hbm>> -> memref<1x4096xi32, #tpu.memory_space<hbm>>
      %dma_wait3A_26 = tpu.memref_squeeze %dma_wait3A_25 : memref<1x4096xi32, #tpu.memory_space<hbm>> -> memref<4096xi32, #tpu.memory_space<hbm>>
      %dma_wait3A_27 = arith.constant 0 : i32
      %dma_wait3A_28 = tpu.memref_slice %arg2[%add3A_4, %dma_wait3A_27] : memref<32x4096xi32, #tpu.memory_space<hbm>> -> memref<1x4096xi32, #tpu.memory_space<hbm>>
      %dma_wait3A_29 = tpu.memref_squeeze %dma_wait3A_28 : memref<1x4096xi32, #tpu.memory_space<hbm>> -> memref<4096xi32, #tpu.memory_space<hbm>>
      tpu.wait_dma2 semaphore(%run_scoped3A : memref<!tpu.dma_semaphore, #tpu.memory_space<semaphore_mem>>) src(%dma_wait3A_29 : memref<4096xi32, #tpu.memory_space<hbm>>) dst(%arg7 : memref<4096xi32, #tpu.memory_space<vmem>>)
      tpu.yield
    }) : () -> ()
    "tpu.region"() ({
      %run_scoped3A = tpu.sem_alloc : memref<!tpu.dma_semaphore, #tpu.memory_space<semaphore_mem>>
      %dma_start3A = arith.constant 0 : i32
      %dma_start3A_20 = tpu.memref_slice %arg3[%add3A_4, %dma_start3A] : memref<32x4096xi32, #tpu.memory_space<hbm>> -> memref<1x4096xi32, #tpu.memory_space<hbm>>
      %dma_start3A_21 = tpu.memref_squeeze %dma_start3A_20 : memref<1x4096xi32, #tpu.memory_space<hbm>> -> memref<4096xi32, #tpu.memory_space<hbm>>
      %dma_start3A_22 = arith.constant 0 : i32
      %dma_start3A_23 = tpu.memref_slice %arg3[%add3A_4, %dma_start3A_22] : memref<32x4096xi32, #tpu.memory_space<hbm>> -> memref<1x4096xi32, #tpu.memory_space<hbm>>
      %dma_start3A_24 = tpu.memref_squeeze %dma_start3A_23 : memref<1x4096xi32, #tpu.memory_space<hbm>> -> memref<4096xi32, #tpu.memory_space<hbm>>
      tpu.enqueue_dma source(%dma_start3A_24 : memref<4096xi32, #tpu.memory_space<hbm>>) target(%arg8 : memref<4096xi32, #tpu.memory_space<vmem>>) target_semaphore(%run_scoped3A : memref<!tpu.dma_semaphore, #tpu.memory_space<semaphore_mem>>)
      %dma_wait3A = arith.constant 0 : i32
      %dma_wait3A_25 = tpu.memref_slice %arg3[%add3A_4, %dma_wait3A] : memref<32x4096xi32, #tpu.memory_space<hbm>> -> memref<1x4096xi32, #tpu.memory_space<hbm>>
      %dma_wait3A_26 = tpu.memref_squeeze %dma_wait3A_25 : memref<1x4096xi32, #tpu.memory_space<hbm>> -> memref<4096xi32, #tpu.memory_space<hbm>>
      %dma_wait3A_27 = arith.constant 0 : i32
      %dma_wait3A_28 = tpu.memref_slice %arg3[%add3A_4, %dma_wait3A_27] : memref<32x4096xi32, #tpu.memory_space<hbm>> -> memref<1x4096xi32, #tpu.memory_space<hbm>>
      %dma_wait3A_29 = tpu.memref_squeeze %dma_wait3A_28 : memref<1x4096xi32, #tpu.memory_space<hbm>> -> memref<4096xi32, #tpu.memory_space<hbm>>
      tpu.wait_dma2 semaphore(%run_scoped3A : memref<!tpu.dma_semaphore, #tpu.memory_space<semaphore_mem>>) src(%dma_wait3A_29 : memref<4096xi32, #tpu.memory_space<hbm>>) dst(%arg8 : memref<4096xi32, #tpu.memory_space<vmem>>)
      tpu.yield
    }) : () -> ()
    "tpu.region"() ({
      %run_scoped3A = tpu.sem_alloc : memref<!tpu.dma_semaphore, #tpu.memory_space<semaphore_mem>>
      %dma_start3A = arith.constant 0 : i32
      %dma_start3A_20 = tpu.memref_slice %arg4[%add3A_4, %dma_start3A] : memref<32x4096xi32, #tpu.memory_space<hbm>> -> memref<1x4096xi32, #tpu.memory_space<hbm>>
      %dma_start3A_21 = tpu.memref_squeeze %dma_start3A_20 : memref<1x4096xi32, #tpu.memory_space<hbm>> -> memref<4096xi32, #tpu.memory_space<hbm>>
      %dma_start3A_22 = arith.constant 0 : i32
      %dma_start3A_23 = tpu.memref_slice %arg4[%add3A_4, %dma_start3A_22] : memref<32x4096xi32, #tpu.memory_space<hbm>> -> memref<1x4096xi32, #tpu.memory_space<hbm>>
      %dma_start3A_24 = tpu.memref_squeeze %dma_start3A_23 : memref<1x4096xi32, #tpu.memory_space<hbm>> -> memref<4096xi32, #tpu.memory_space<hbm>>
      tpu.enqueue_dma source(%dma_start3A_24 : memref<4096xi32, #tpu.memory_space<hbm>>) target(%arg10 : memref<4096xi32, #tpu.memory_space<vmem>>) target_semaphore(%run_scoped3A : memref<!tpu.dma_semaphore, #tpu.memory_space<semaphore_mem>>)
      %dma_wait3A = arith.constant 0 : i32
      %dma_wait3A_25 = tpu.memref_slice %arg4[%add3A_4, %dma_wait3A] : memref<32x4096xi32, #tpu.memory_space<hbm>> -> memref<1x4096xi32, #tpu.memory_space<hbm>>
      %dma_wait3A_26 = tpu.memref_squeeze %dma_wait3A_25 : memref<1x4096xi32, #tpu.memory_space<hbm>> -> memref<4096xi32, #tpu.memory_space<hbm>>
      %dma_wait3A_27 = arith.constant 0 : i32
      %dma_wait3A_28 = tpu.memref_slice %arg4[%add3A_4, %dma_wait3A_27] : memref<32x4096xi32, #tpu.memory_space<hbm>> -> memref<1x4096xi32, #tpu.memory_space<hbm>>
      %dma_wait3A_29 = tpu.memref_squeeze %dma_wait3A_28 : memref<1x4096xi32, #tpu.memory_space<hbm>> -> memref<4096xi32, #tpu.memory_space<hbm>>
      tpu.wait_dma2 semaphore(%run_scoped3A : memref<!tpu.dma_semaphore, #tpu.memory_space<semaphore_mem>>) src(%dma_wait3A_29 : memref<4096xi32, #tpu.memory_space<hbm>>) dst(%arg10 : memref<4096xi32, #tpu.memory_space<vmem>>)
      tpu.yield
    }) : () -> ()
    %parallel_loop3A = arith.constant 0 : i32
    %parallel_loop3A_5 = arith.constant 256 : i32
    %parallel_loop3A_6 = arith.constant 1 : i32
    scf.for %parallel_loop3A_20 = %parallel_loop3A to %parallel_loop3A_5 step %parallel_loop3A_6  : i32 {
      %parallel_loop3A_21 = arith.constant 16 : i32
      %parallel_loop3A_22 = arith.muli %parallel_loop3A_20, %parallel_loop3A_21 : i32
      %parallel_loop3A_23 = arith.index_cast %parallel_loop3A_22 : i32 to index
      %parallel_loop3A_24 = tpu.vector_load %arg7[%parallel_loop3A_23] {strides = array<i32>} : memref<4096xi32, #tpu.memory_space<vmem>>, vector<16xi32>,
      %parallel_loop3A_25 = arith.constant 65535 : i32
      %parallel_loop3A_26 = vector.broadcast %parallel_loop3A_25 : i32 to vector<16xi32>
      %parallel_loop3A_27 = arith.andi %parallel_loop3A_24, %parallel_loop3A_26 : vector<16xi32>
      %parallel_loop3A_28 = arith.constant 16 : i32
      %parallel_loop3A_29 = arith.muli %parallel_loop3A_20, %parallel_loop3A_28 : i32
      %parallel_loop3A_30 = vector.broadcast %parallel_loop3A_29 : i32 to vector<16xi32>
      %parallel_loop3A_31 = arith.addi %parallel_loop3A_30, %iota3A : vector<16xi32>
      tpu.vector_store_idx %arg6[%parallel_loop3A_27], %parallel_loop3A_31 : memref<65536xi32, #tpu.memory_space<vmem>>[vector<16xi32>], vector<16xi32>,
    } {sc.loop_unroll_factor = 4 : i64, sc.parallel_access}
    %parallel_loop3A_7 = arith.constant 0 : i32
    %parallel_loop3A_8 = arith.constant 256 : i32
    %parallel_loop3A_9 = arith.constant 1 : i32
    %parallel_loop3A_10 = arith.constant 0 : i32
    %parallel_loop3A_11 = arith.constant 0 : i32
    %parallel_loop3A_12:2 = scf.for %parallel_loop3A_20 = %parallel_loop3A_7 to %parallel_loop3A_8 step %parallel_loop3A_9 iter_args(%parallel_loop3A_21 = %parallel_loop3A_10, %parallel_loop3A_22 = %parallel_loop3A_11) -> (i32, i32)  : i32 {
      %parallel_loop3A_23 = arith.constant 16 : i32
      %parallel_loop3A_24 = arith.muli %parallel_loop3A_20, %parallel_loop3A_23 : i32
      %parallel_loop3A_25 = vector.broadcast %parallel_loop3A_24 : i32 to vector<16xi32>
      %parallel_loop3A_26 = arith.addi %parallel_loop3A_25, %iota3A : vector<16xi32>
      %parallel_loop3A_27 = arith.constant 16 : i32
      %parallel_loop3A_28 = arith.muli %parallel_loop3A_20, %parallel_loop3A_27 : i32
      %parallel_loop3A_29 = arith.index_cast %parallel_loop3A_28 : i32 to index
      %parallel_loop3A_30 = tpu.vector_load %arg7[%parallel_loop3A_29] {strides = array<i32>} : memref<4096xi32, #tpu.memory_space<vmem>>, vector<16xi32>,
      %parallel_loop3A_31 = arith.constant 16 : i32
      %parallel_loop3A_32 = arith.muli %parallel_loop3A_20, %parallel_loop3A_31 : i32
      %parallel_loop3A_33 = arith.index_cast %parallel_loop3A_32 : i32 to index
      %parallel_loop3A_34 = tpu.vector_load %arg8[%parallel_loop3A_33] {strides = array<i32>} : memref<4096xi32, #tpu.memory_space<vmem>>, vector<16xi32>,
      %parallel_loop3A_35 = arith.constant 65535 : i32
      %parallel_loop3A_36 = vector.broadcast %parallel_loop3A_35 : i32 to vector<16xi32>
      %parallel_loop3A_37 = arith.andi %parallel_loop3A_30, %parallel_loop3A_36 : vector<16xi32>
      %parallel_loop3A_38 = tpu.vector_load_idx %arg6[%parallel_loop3A_37] : memref<65536xi32, #tpu.memory_space<vmem>>[vector<16xi32>], vector<16xi32>,
      %parallel_loop3A_39 = arith.constant 16 : i32
      %parallel_loop3A_40 = arith.muli %parallel_loop3A_20, %parallel_loop3A_39 : i32
      %parallel_loop3A_41 = arith.index_cast %parallel_loop3A_40 : i32 to index
      %parallel_loop3A_42 = tpu.vector_load %arg9[%parallel_loop3A_41] {strides = array<i32>} : memref<4096xi32, #tpu.memory_space<vmem>>, vector<16xi32>,
      tpu.vector_store %arg9[%parallel_loop3A_41], %parallel_loop3A_38 {strides = array<i32>} : memref<4096xi32, #tpu.memory_space<vmem>>, vector<16xi32>,
      %parallel_loop3A_43 = tpu.vector_load_idx %arg7[%parallel_loop3A_38] : memref<4096xi32, #tpu.memory_space<vmem>>[vector<16xi32>], vector<16xi32>,
      %parallel_loop3A_44 = arith.cmpi ne, %parallel_loop3A_43, %parallel_loop3A_30 : vector<16xi32>
      %parallel_loop3A_45 = tpu.vector_load_idx %arg8[%parallel_loop3A_38] : memref<4096xi32, #tpu.memory_space<vmem>>[vector<16xi32>], vector<16xi32>,
      %parallel_loop3A_46 = arith.cmpi ne, %parallel_loop3A_45, %parallel_loop3A_34 : vector<16xi32>
      %parallel_loop3A_47 = arith.ori %parallel_loop3A_44, %parallel_loop3A_46 : vector<16xi1>
      %parallel_loop3A_48 = arith.constant 1 : i32
      %parallel_loop3A_49 = arith.constant 0 : i32
      %parallel_loop3A_50 = vector.broadcast %parallel_loop3A_48 : i32 to vector<16xi32>
      %parallel_loop3A_51 = vector.broadcast %parallel_loop3A_49 : i32 to vector<16xi32>
      %parallel_loop3A_52 = arith.select %parallel_loop3A_47, %parallel_loop3A_50, %parallel_loop3A_51 : vector<16xi1>, vector<16xi32>
      %parallel_loop3A_53 = arith.constant true
      %parallel_loop3A_54 = vector.broadcast %parallel_loop3A_53 : i1 to vector<16xi1>
      %parallel_loop3A_55 = arith.constant -2147483648 : i32
      %parallel_loop3A_56 = vector.broadcast %parallel_loop3A_55 : i32 to vector<16xi32>
      %parallel_loop3A_57 = arith.xori %parallel_loop3A_52, %parallel_loop3A_56 : vector<16xi32>
      %parallel_loop3A_58 = tpu.scan <max>, %parallel_loop3A_57 masked %parallel_loop3A_54 : vector<16xi32>, vector<16xi1> -> vector<16xi32>
      %parallel_loop3A_59 = arith.xori %parallel_loop3A_58, %parallel_loop3A_56 : vector<16xi32>
      %parallel_loop3A_60 = vector.extract %parallel_loop3A_59[15] : i32 from vector<16xi32>
      %parallel_loop3A_61 = arith.ori %parallel_loop3A_21, %parallel_loop3A_60 : i32
      %parallel_loop3A_62 = arith.cmpi ne, %parallel_loop3A_38, %parallel_loop3A_26 : vector<16xi32>
      %parallel_loop3A_63 = arith.constant 1 : i32
      %parallel_loop3A_64 = arith.constant 0 : i32
      %parallel_loop3A_65 = vector.broadcast %parallel_loop3A_63 : i32 to vector<16xi32>
      %parallel_loop3A_66 = vector.broadcast %parallel_loop3A_64 : i32 to vector<16xi32>
      %parallel_loop3A_67 = arith.select %parallel_loop3A_62, %parallel_loop3A_65, %parallel_loop3A_66 : vector<16xi1>, vector<16xi32>
      %parallel_loop3A_68 = arith.constant true
      %parallel_loop3A_69 = vector.broadcast %parallel_loop3A_68 : i1 to vector<16xi1>
      %parallel_loop3A_70 = arith.constant -2147483648 : i32
      %parallel_loop3A_71 = vector.broadcast %parallel_loop3A_70 : i32 to vector<16xi32>
      %parallel_loop3A_72 = arith.xori %parallel_loop3A_67, %parallel_loop3A_71 : vector<16xi32>
      %parallel_loop3A_73 = tpu.scan <max>, %parallel_loop3A_72 masked %parallel_loop3A_69 : vector<16xi32>, vector<16xi1> -> vector<16xi32>
      %parallel_loop3A_74 = arith.xori %parallel_loop3A_73, %parallel_loop3A_71 : vector<16xi32>
      %parallel_loop3A_75 = vector.extract %parallel_loop3A_74[15] : i32 from vector<16xi32>
      %parallel_loop3A_76 = arith.ori %parallel_loop3A_22, %parallel_loop3A_75 : i32
      scf.yield %parallel_loop3A_61, %parallel_loop3A_76 : i32, i32
    } {sc.loop_unroll_factor = 4 : i64, sc.parallel_access}
    %while3A = arith.constant 1 : i32
    %while3A_13:3 = scf.while (%while3A_20 = %while3A, %while3A_21 = %parallel_loop3A_12#0, %while3A_22 = %parallel_loop3A_12#1) : (i32, i32, i32) -> (i32, i32, i32) {
      %lt3A = arith.constant 10 : i32
      %lt3A_23 = arith.cmpi slt, %while3A_20, %lt3A : i32
      %gt3A_24 = arith.constant 0 : i32
      %gt3A_25 = arith.cmpi sgt, %while3A_21, %gt3A_24 : i32
      %and3A = arith.andi %lt3A_23, %gt3A_25 : i1
      scf.condition(%and3A) %while3A_20, %while3A_21, %while3A_22 : i32, i32, i32
    } do {
    ^bb0(%while3A_20: i32, %while3A_21: i32, %while3A_22: i32):
      %lt3A = arith.constant 5 : i32
      %lt3A_23 = arith.cmpi slt, %while3A_20, %lt3A : i32
      %mul3A_24 = arith.constant 4 : i32
      %mul3A_25 = arith.muli %mul3A_24, %while3A_20 : i32
      %add3A_26 = arith.constant 12 : i32
      %add3A_27 = arith.addi %add3A_26, %mul3A_25 : i32
      %mul3A_28 = arith.constant 4 : i32
      %mul3A_29 = arith.muli %mul3A_28, %while3A_20 : i32
      %sub3A = arith.constant 20 : i32
      %sub3A_30 = arith.subi %mul3A_29, %sub3A : i32
      %select_n3A = arith.select %lt3A_23, %add3A_27, %sub3A_30 : i32
      %parallel_loop3A_31 = arith.constant 0 : i32
      %parallel_loop3A_32 = arith.constant 256 : i32
      %parallel_loop3A_33 = arith.constant 1 : i32
      scf.for %parallel_loop3A_42 = %parallel_loop3A_31 to %parallel_loop3A_32 step %parallel_loop3A_33  : i32 {
        %parallel_loop3A_43 = arith.constant 16 : i32
        %parallel_loop3A_44 = arith.muli %parallel_loop3A_42, %parallel_loop3A_43 : i32
        %parallel_loop3A_45 = arith.index_cast %parallel_loop3A_44 : i32 to index
        %parallel_loop3A_46 = tpu.vector_load %arg7[%parallel_loop3A_45] {strides = array<i32>} : memref<4096xi32, #tpu.memory_space<vmem>>, vector<16xi32>,
        %parallel_loop3A_47 = arith.constant 16 : i32
        %parallel_loop3A_48 = arith.muli %parallel_loop3A_42, %parallel_loop3A_47 : i32
        %parallel_loop3A_49 = arith.index_cast %parallel_loop3A_48 : i32 to index
        %parallel_loop3A_50 = tpu.vector_load %arg8[%parallel_loop3A_49] {strides = array<i32>} : memref<4096xi32, #tpu.memory_space<vmem>>, vector<16xi32>,
        %parallel_loop3A_51 = arith.select %lt3A_23, %parallel_loop3A_46, %parallel_loop3A_50 : vector<16xi32>
        %parallel_loop3A_52 = vector.broadcast %select_n3A : i32 to vector<16xi32>
        %parallel_loop3A_53 = arith.shrsi %parallel_loop3A_51, %parallel_loop3A_52 : vector<16xi32>
        %parallel_loop3A_54 = arith.constant 15 : i32
        %parallel_loop3A_55 = vector.broadcast %parallel_loop3A_54 : i32 to vector<16xi32>
        %parallel_loop3A_56 = arith.andi %parallel_loop3A_53, %parallel_loop3A_55 : vector<16xi32>
        %parallel_loop3A_57 = arith.constant 16 : i32
        %parallel_loop3A_58 = arith.muli %parallel_loop3A_42, %parallel_loop3A_57 : i32
        %parallel_loop3A_59 = arith.index_cast %parallel_loop3A_58 : i32 to index
        %parallel_loop3A_60 = tpu.vector_load %arg9[%parallel_loop3A_59] {strides = array<i32>} : memref<4096xi32, #tpu.memory_space<vmem>>, vector<16xi32>,
        %parallel_loop3A_61 = arith.constant 16 : i32
        %parallel_loop3A_62 = vector.broadcast %parallel_loop3A_61 : i32 to vector<16xi32>
        %parallel_loop3A_63 = arith.muli %parallel_loop3A_60, %parallel_loop3A_62 : vector<16xi32>
        %parallel_loop3A_64 = arith.addi %parallel_loop3A_63, %parallel_loop3A_56 : vector<16xi32>
        %parallel_loop3A_65 = arith.constant 16 : i32
        %parallel_loop3A_66 = arith.muli %parallel_loop3A_42, %parallel_loop3A_65 : i32
        %parallel_loop3A_67 = vector.broadcast %parallel_loop3A_66 : i32 to vector<16xi32>
        %parallel_loop3A_68 = arith.addi %parallel_loop3A_67, %iota3A : vector<16xi32>
        tpu.vector_store_idx %arg6[%parallel_loop3A_64], %parallel_loop3A_68 : memref<65536xi32, #tpu.memory_space<vmem>>[vector<16xi32>], vector<16xi32>,
      } {sc.loop_unroll_factor = 4 : i64, sc.parallel_access}
      %parallel_loop3A_34 = arith.constant 0 : i32
      %parallel_loop3A_35 = arith.constant 256 : i32
      %parallel_loop3A_36 = arith.constant 1 : i32
      %parallel_loop3A_37 = arith.constant 0 : i32
      %parallel_loop3A_38 = arith.constant 0 : i32
      %parallel_loop3A_39:2 = scf.for %parallel_loop3A_42 = %parallel_loop3A_34 to %parallel_loop3A_35 step %parallel_loop3A_36 iter_args(%parallel_loop3A_43 = %parallel_loop3A_37, %parallel_loop3A_44 = %parallel_loop3A_38) -> (i32, i32)  : i32 {
        %parallel_loop3A_45 = arith.constant 16 : i32
        %parallel_loop3A_46 = arith.muli %parallel_loop3A_42, %parallel_loop3A_45 : i32
        %parallel_loop3A_47 = vector.broadcast %parallel_loop3A_46 : i32 to vector<16xi32>
        %parallel_loop3A_48 = arith.addi %parallel_loop3A_47, %iota3A : vector<16xi32>
        %parallel_loop3A_49 = arith.constant 16 : i32
        %parallel_loop3A_50 = arith.muli %parallel_loop3A_42, %parallel_loop3A_49 : i32
        %parallel_loop3A_51 = arith.index_cast %parallel_loop3A_50 : i32 to index
        %parallel_loop3A_52 = tpu.vector_load %arg7[%parallel_loop3A_51] {strides = array<i32>} : memref<4096xi32, #tpu.memory_space<vmem>>, vector<16xi32>,
        %parallel_loop3A_53 = arith.constant 16 : i32
        %parallel_loop3A_54 = arith.muli %parallel_loop3A_42, %parallel_loop3A_53 : i32
        %parallel_loop3A_55 = arith.index_cast %parallel_loop3A_54 : i32 to index
        %parallel_loop3A_56 = tpu.vector_load %arg8[%parallel_loop3A_55] {strides = array<i32>} : memref<4096xi32, #tpu.memory_space<vmem>>, vector<16xi32>,
        %parallel_loop3A_57 = arith.select %lt3A_23, %parallel_loop3A_52, %parallel_loop3A_56 : vector<16xi32>
        %parallel_loop3A_58 = vector.broadcast %select_n3A : i32 to vector<16xi32>
        %parallel_loop3A_59 = arith.shrsi %parallel_loop3A_57, %parallel_loop3A_58 : vector<16xi32>
        %parallel_loop3A_60 = arith.constant 15 : i32
        %parallel_loop3A_61 = vector.broadcast %parallel_loop3A_60 : i32 to vector<16xi32>
        %parallel_loop3A_62 = arith.andi %parallel_loop3A_59, %parallel_loop3A_61 : vector<16xi32>
        %parallel_loop3A_63 = arith.constant 16 : i32
        %parallel_loop3A_64 = arith.muli %parallel_loop3A_42, %parallel_loop3A_63 : i32
        %parallel_loop3A_65 = arith.index_cast %parallel_loop3A_64 : i32 to index
        %parallel_loop3A_66 = tpu.vector_load %arg9[%parallel_loop3A_65] {strides = array<i32>} : memref<4096xi32, #tpu.memory_space<vmem>>, vector<16xi32>,
        %parallel_loop3A_67 = arith.constant 16 : i32
        %parallel_loop3A_68 = vector.broadcast %parallel_loop3A_67 : i32 to vector<16xi32>
        %parallel_loop3A_69 = arith.muli %parallel_loop3A_66, %parallel_loop3A_68 : vector<16xi32>
        %parallel_loop3A_70 = arith.addi %parallel_loop3A_69, %parallel_loop3A_62 : vector<16xi32>
        %parallel_loop3A_71 = tpu.vector_load_idx %arg6[%parallel_loop3A_70] : memref<65536xi32, #tpu.memory_space<vmem>>[vector<16xi32>], vector<16xi32>,
        %parallel_loop3A_72 = arith.constant 16 : i32
        %parallel_loop3A_73 = arith.muli %parallel_loop3A_42, %parallel_loop3A_72 : i32
        %parallel_loop3A_74 = arith.index_cast %parallel_loop3A_73 : i32 to index
        %parallel_loop3A_75 = tpu.vector_load %arg9[%parallel_loop3A_74] {strides = array<i32>} : memref<4096xi32, #tpu.memory_space<vmem>>, vector<16xi32>,
        tpu.vector_store %arg9[%parallel_loop3A_74], %parallel_loop3A_71 {strides = array<i32>} : memref<4096xi32, #tpu.memory_space<vmem>>, vector<16xi32>,
        %parallel_loop3A_76 = tpu.vector_load_idx %arg7[%parallel_loop3A_71] : memref<4096xi32, #tpu.memory_space<vmem>>[vector<16xi32>], vector<16xi32>,
        %parallel_loop3A_77 = arith.cmpi ne, %parallel_loop3A_76, %parallel_loop3A_52 : vector<16xi32>
        %parallel_loop3A_78 = tpu.vector_load_idx %arg8[%parallel_loop3A_71] : memref<4096xi32, #tpu.memory_space<vmem>>[vector<16xi32>], vector<16xi32>,
        %parallel_loop3A_79 = arith.cmpi ne, %parallel_loop3A_78, %parallel_loop3A_56 : vector<16xi32>
        %parallel_loop3A_80 = arith.ori %parallel_loop3A_77, %parallel_loop3A_79 : vector<16xi1>
        %parallel_loop3A_81 = arith.constant 1 : i32
        %parallel_loop3A_82 = arith.constant 0 : i32
        %parallel_loop3A_83 = vector.broadcast %parallel_loop3A_81 : i32 to vector<16xi32>
        %parallel_loop3A_84 = vector.broadcast %parallel_loop3A_82 : i32 to vector<16xi32>
        %parallel_loop3A_85 = arith.select %parallel_loop3A_80, %parallel_loop3A_83, %parallel_loop3A_84 : vector<16xi1>, vector<16xi32>
        %parallel_loop3A_86 = arith.constant true
        %parallel_loop3A_87 = vector.broadcast %parallel_loop3A_86 : i1 to vector<16xi1>
        %parallel_loop3A_88 = arith.constant -2147483648 : i32
        %parallel_loop3A_89 = vector.broadcast %parallel_loop3A_88 : i32 to vector<16xi32>
        %parallel_loop3A_90 = arith.xori %parallel_loop3A_85, %parallel_loop3A_89 : vector<16xi32>
        %parallel_loop3A_91 = tpu.scan <max>, %parallel_loop3A_90 masked %parallel_loop3A_87 : vector<16xi32>, vector<16xi1> -> vector<16xi32>
        %parallel_loop3A_92 = arith.xori %parallel_loop3A_91, %parallel_loop3A_89 : vector<16xi32>
        %parallel_loop3A_93 = vector.extract %parallel_loop3A_92[15] : i32 from vector<16xi32>
        %parallel_loop3A_94 = arith.ori %parallel_loop3A_43, %parallel_loop3A_93 : i32
        %parallel_loop3A_95 = arith.cmpi ne, %parallel_loop3A_71, %parallel_loop3A_48 : vector<16xi32>
        %parallel_loop3A_96 = arith.constant 1 : i32
        %parallel_loop3A_97 = arith.constant 0 : i32
        %parallel_loop3A_98 = vector.broadcast %parallel_loop3A_96 : i32 to vector<16xi32>
        %parallel_loop3A_99 = vector.broadcast %parallel_loop3A_97 : i32 to vector<16xi32>
        %parallel_loop3A_100 = arith.select %parallel_loop3A_95, %parallel_loop3A_98, %parallel_loop3A_99 : vector<16xi1>, vector<16xi32>
        %parallel_loop3A_101 = arith.constant true
        %parallel_loop3A_102 = vector.broadcast %parallel_loop3A_101 : i1 to vector<16xi1>
        %parallel_loop3A_103 = arith.constant -2147483648 : i32
        %parallel_loop3A_104 = vector.broadcast %parallel_loop3A_103 : i32 to vector<16xi32>
        %parallel_loop3A_105 = arith.xori %parallel_loop3A_100, %parallel_loop3A_104 : vector<16xi32>
        %parallel_loop3A_106 = tpu.scan <max>, %parallel_loop3A_105 masked %parallel_loop3A_102 : vector<16xi32>, vector<16xi1> -> vector<16xi32>
        %parallel_loop3A_107 = arith.xori %parallel_loop3A_106, %parallel_loop3A_104 : vector<16xi32>
        %parallel_loop3A_108 = vector.extract %parallel_loop3A_107[15] : i32 from vector<16xi32>
        %parallel_loop3A_109 = arith.ori %parallel_loop3A_44, %parallel_loop3A_108 : i32
        scf.yield %parallel_loop3A_94, %parallel_loop3A_109 : i32, i32
      } {sc.loop_unroll_factor = 4 : i64, sc.parallel_access}
      %add3A_40 = arith.constant 1 : i32
      %add3A_41 = arith.addi %while3A_20, %add3A_40 : i32
      scf.yield %add3A_41, %parallel_loop3A_39#0, %parallel_loop3A_39#1 : i32, i32, i32
    }
    %eq3A = arith.constant 0 : i32
    %eq3A_14 = arith.cmpi eq, %while3A_13#2, %eq3A : i32
    %convert_element_type3A = arith.extui %eq3A_14 : i1 to i32
    %cond3A = arith.constant 0 : i32
    %cond3A_15 = arith.cmpi ne, %convert_element_type3A, %cond3A : i32
    scf.if %cond3A_15 {
      %parallel_loop3A_20 = arith.constant 0 : i32
      %parallel_loop3A_21 = arith.constant 256 : i32
      %parallel_loop3A_22 = arith.constant 1 : i32
      scf.for %parallel_loop3A_23 = %parallel_loop3A_20 to %parallel_loop3A_21 step %parallel_loop3A_22  : i32 {
        %parallel_loop3A_24 = arith.constant 16 : i32
        %parallel_loop3A_25 = arith.muli %parallel_loop3A_23, %parallel_loop3A_24 : i32
        %parallel_loop3A_26 = arith.index_cast %parallel_loop3A_25 : i32 to index
        %parallel_loop3A_27 = tpu.vector_load %arg10[%parallel_loop3A_26] {strides = array<i32>} : memref<4096xi32, #tpu.memory_space<vmem>>, vector<16xi32>,
        %parallel_loop3A_28 = arith.constant 0 : i32
        %parallel_loop3A_29 = vector.broadcast %parallel_loop3A_28 : i32 to vector<16xi32>
        %parallel_loop3A_30 = arith.cmpi ne, %parallel_loop3A_27, %parallel_loop3A_29 : vector<16xi32>
        %parallel_loop3A_31 = arith.constant 1.000000e+00 : f32
        %parallel_loop3A_32 = arith.constant 0.000000e+00 : f32
        %parallel_loop3A_33 = vector.broadcast %parallel_loop3A_31 : f32 to vector<16xf32>
        %parallel_loop3A_34 = vector.broadcast %parallel_loop3A_32 : f32 to vector<16xf32>
        %parallel_loop3A_35 = arith.select %parallel_loop3A_30, %parallel_loop3A_33, %parallel_loop3A_34 : vector<16xi1>, vector<16xf32>
        %parallel_loop3A_36 = arith.constant 16 : i32
        %parallel_loop3A_37 = arith.muli %parallel_loop3A_23, %parallel_loop3A_36 : i32
        %parallel_loop3A_38 = arith.index_cast %parallel_loop3A_37 : i32 to index
        %parallel_loop3A_39 = tpu.vector_load %arg11[%parallel_loop3A_38] {strides = array<i32>} : memref<4096xf32, #tpu.memory_space<vmem>>, vector<16xf32>,
        tpu.vector_store %arg11[%parallel_loop3A_38], %parallel_loop3A_35 {strides = array<i32>} : memref<4096xf32, #tpu.memory_space<vmem>>, vector<16xf32>,
      } {sc.loop_unroll_factor = 4 : i64, sc.parallel_access}
    } else {
    }
    %gt3A = arith.constant 0 : i32
    %gt3A_16 = arith.cmpi sgt, %while3A_13#2, %gt3A : i32
    %convert_element_type3A_17 = arith.extui %gt3A_16 : i1 to i32
    %cond3A_18 = arith.constant 0 : i32
    %cond3A_19 = arith.cmpi ne, %convert_element_type3A_17, %cond3A_18 : i32
    scf.if %cond3A_19 {
      %scan3A = arith.constant 0 : i32
      %scan3A_20 = arith.constant 0 : i32
      %scan3A_21 = arith.constant 256 : i32
      %scan3A_22 = arith.addi %scan3A_20, %scan3A_21 : i32
      %scan3A_23 = arith.constant 1 : i32
      scf.for %scan3A_28 = %scan3A_20 to %scan3A_22 step %scan3A_23  : i32 {
        %sub3A = arith.constant 255 : i32
        %sub3A_29 = arith.subi %sub3A, %scan3A_28 : i32
        %mul3A_30 = arith.constant 16 : i32
        %mul3A_31 = arith.muli %sub3A_29, %mul3A_30 : i32
        %add3A_32 = vector.broadcast %mul3A_31 : i32 to vector<16xi32>
        %add3A_33 = arith.addi %add3A_32, %iota3A : vector<16xi32>
        %mul3A_34 = arith.constant 16 : i32
        %mul3A_35 = arith.muli %sub3A_29, %mul3A_34 : i32
        %get3A = arith.index_cast %mul3A_35 : i32 to index
        %get3A_36 = tpu.vector_load %arg9[%get3A] {strides = array<i32>} : memref<4096xi32, #tpu.memory_space<vmem>>, vector<16xi32>,
        %shift_left3A = arith.constant 12 : i32
        %shift_left3A_37 = vector.broadcast %shift_left3A : i32 to vector<16xi32>
        %shift_left3A_38 = arith.shli %get3A_36, %shift_left3A_37 : vector<16xi32>
        %or3A = arith.ori %shift_left3A_38, %add3A_33 : vector<16xi32>
        %sort3A = arith.constant dense<true> : vector<16xi1>
        %sort3A_39, %sort3A_40, %sort3A_41 = tpu.sort %or3A, %or3A masked %sort3A : (vector<16xi32>, vector<16xi32>, vector<16xi1>) -> (vector<16xi1>, vector<16xi32>, vector<16xi32>)
        %swap3A = arith.constant 0 : index
        %swap3A_42 = tpu.vector_load %arg12[%swap3A] {strides = array<i32>} : memref<16xi32, #tpu.memory_space<vmem>>, vector<16xi32>,
        tpu.vector_store %arg12[%swap3A], %sort3A_40 {strides = array<i32>} : memref<16xi32, #tpu.memory_space<vmem>>, vector<16xi32>,
        %sub3A_43 = arith.constant 1 : i32
        %sub3A_44 = vector.broadcast %sub3A_43 : i32 to vector<16xi32>
        %sub3A_45 = arith.subi %iota3A, %sub3A_44 : vector<16xi32>
        %max3A = arith.constant 0 : i32
        %max3A_46 = vector.broadcast %max3A : i32 to vector<16xi32>
        %max3A_47 = arith.maxsi %sub3A_45, %max3A_46 : vector<16xi32>
        %gather3A = tpu.vector_load_idx %arg12[%max3A_47] : memref<16xi32, #tpu.memory_space<vmem>>[vector<16xi32>], vector<16xi32>,
        %eq3A_48 = arith.constant 0 : i32
        %eq3A_49 = vector.broadcast %eq3A_48 : i32 to vector<16xi32>
        %eq3A_50 = arith.cmpi eq, %iota3A, %eq3A_49 : vector<16xi32>
        %shift_right_arithmetic3A = arith.constant 12 : i32
        %shift_right_arithmetic3A_51 = vector.broadcast %shift_right_arithmetic3A : i32 to vector<16xi32>
        %shift_right_arithmetic3A_52 = arith.shrsi %sort3A_40, %shift_right_arithmetic3A_51 : vector<16xi32>
        %shift_right_arithmetic3A_53 = arith.constant 12 : i32
        %shift_right_arithmetic3A_54 = vector.broadcast %shift_right_arithmetic3A_53 : i32 to vector<16xi32>
        %shift_right_arithmetic3A_55 = arith.shrsi %gather3A, %shift_right_arithmetic3A_54 : vector<16xi32>
        %ne3A = arith.cmpi ne, %shift_right_arithmetic3A_52, %shift_right_arithmetic3A_55 : vector<16xi32>
        %or3A_56 = arith.ori %eq3A_50, %ne3A : vector<16xi1>
        %shift_right_arithmetic3A_57 = arith.constant 12 : i32
        %shift_right_arithmetic3A_58 = vector.broadcast %shift_right_arithmetic3A_57 : i32 to vector<16xi32>
        %shift_right_arithmetic3A_59 = arith.shrsi %sort3A_40, %shift_right_arithmetic3A_58 : vector<16xi32>
        %and3A = arith.constant 4095 : i32
        %and3A_60 = vector.broadcast %and3A : i32 to vector<16xi32>
        %and3A_61 = arith.andi %sort3A_40, %and3A_60 : vector<16xi32>
        tpu.vector_store_idx %arg6[%shift_right_arithmetic3A_59], %and3A_61 masked %or3A_56 : memref<65536xi32, #tpu.memory_space<vmem>>[vector<16xi32>], vector<16xi32>, vector<16xi1>
      }
      %scan3A_24 = arith.constant 256 : i32
      %parallel_loop3A_25 = arith.constant 0 : i32
      %parallel_loop3A_26 = arith.constant 256 : i32
      %parallel_loop3A_27 = arith.constant 1 : i32
      scf.for %parallel_loop3A_28 = %parallel_loop3A_25 to %parallel_loop3A_26 step %parallel_loop3A_27  : i32 {
        %parallel_loop3A_29 = arith.constant 16 : i32
        %parallel_loop3A_30 = arith.muli %parallel_loop3A_28, %parallel_loop3A_29 : i32
        %parallel_loop3A_31 = vector.broadcast %parallel_loop3A_30 : i32 to vector<16xi32>
        %parallel_loop3A_32 = arith.addi %parallel_loop3A_31, %iota3A : vector<16xi32>
        %parallel_loop3A_33 = arith.constant 16 : i32
        %parallel_loop3A_34 = arith.muli %parallel_loop3A_28, %parallel_loop3A_33 : i32
        %parallel_loop3A_35 = arith.index_cast %parallel_loop3A_34 : i32 to index
        %parallel_loop3A_36 = tpu.vector_load %arg9[%parallel_loop3A_35] {strides = array<i32>} : memref<4096xi32, #tpu.memory_space<vmem>>, vector<16xi32>,
        %parallel_loop3A_37 = tpu.vector_load_idx %arg6[%parallel_loop3A_36] : memref<65536xi32, #tpu.memory_space<vmem>>[vector<16xi32>], vector<16xi32>,
        %parallel_loop3A_38 = arith.cmpi eq, %parallel_loop3A_37, %parallel_loop3A_32 : vector<16xi32>
        %parallel_loop3A_39 = arith.constant 16 : i32
        %parallel_loop3A_40 = arith.muli %parallel_loop3A_28, %parallel_loop3A_39 : i32
        %parallel_loop3A_41 = arith.index_cast %parallel_loop3A_40 : i32 to index
        %parallel_loop3A_42 = tpu.vector_load %arg10[%parallel_loop3A_41] {strides = array<i32>} : memref<4096xi32, #tpu.memory_space<vmem>>, vector<16xi32>,
        %parallel_loop3A_43 = arith.constant 0 : i32
        %parallel_loop3A_44 = vector.broadcast %parallel_loop3A_43 : i32 to vector<16xi32>
        %parallel_loop3A_45 = arith.cmpi ne, %parallel_loop3A_42, %parallel_loop3A_44 : vector<16xi32>
        %parallel_loop3A_46 = arith.andi %parallel_loop3A_38, %parallel_loop3A_45 : vector<16xi1>
        %parallel_loop3A_47 = arith.constant 1.000000e+00 : f32
        %parallel_loop3A_48 = arith.constant 0.000000e+00 : f32
        %parallel_loop3A_49 = vector.broadcast %parallel_loop3A_47 : f32 to vector<16xf32>
        %parallel_loop3A_50 = vector.broadcast %parallel_loop3A_48 : f32 to vector<16xf32>
        %parallel_loop3A_51 = arith.select %parallel_loop3A_46, %parallel_loop3A_49, %parallel_loop3A_50 : vector<16xi1>, vector<16xf32>
        %parallel_loop3A_52 = arith.constant 16 : i32
        %parallel_loop3A_53 = arith.muli %parallel_loop3A_28, %parallel_loop3A_52 : i32
        %parallel_loop3A_54 = arith.index_cast %parallel_loop3A_53 : i32 to index
        %parallel_loop3A_55 = tpu.vector_load %arg11[%parallel_loop3A_54] {strides = array<i32>} : memref<4096xf32, #tpu.memory_space<vmem>>, vector<16xf32>,
        tpu.vector_store %arg11[%parallel_loop3A_54], %parallel_loop3A_51 {strides = array<i32>} : memref<4096xf32, #tpu.memory_space<vmem>>, vector<16xf32>,
      } {sc.loop_unroll_factor = 4 : i64, sc.parallel_access}
    } else {
    }
    "tpu.region"() ({
      %run_scoped3A = tpu.sem_alloc : memref<!tpu.dma_semaphore, #tpu.memory_space<semaphore_mem>>
      %dma_start3A = arith.constant 0 : i32
      %dma_start3A_20 = tpu.memref_slice %arg5[%add3A_4, %dma_start3A] : memref<32x4096xf32, #tpu.memory_space<hbm>> -> memref<1x4096xf32, #tpu.memory_space<hbm>>
      %dma_start3A_21 = tpu.memref_squeeze %dma_start3A_20 : memref<1x4096xf32, #tpu.memory_space<hbm>> -> memref<4096xf32, #tpu.memory_space<hbm>>
      %dma_start3A_22 = arith.constant 0 : i32
      %dma_start3A_23 = tpu.memref_slice %arg5[%add3A_4, %dma_start3A_22] : memref<32x4096xf32, #tpu.memory_space<hbm>> -> memref<1x4096xf32, #tpu.memory_space<hbm>>
      %dma_start3A_24 = tpu.memref_squeeze %dma_start3A_23 : memref<1x4096xf32, #tpu.memory_space<hbm>> -> memref<4096xf32, #tpu.memory_space<hbm>>
      tpu.enqueue_dma source(%arg11 : memref<4096xf32, #tpu.memory_space<vmem>>) target(%dma_start3A_24 : memref<4096xf32, #tpu.memory_space<hbm>>) target_semaphore(%run_scoped3A : memref<!tpu.dma_semaphore, #tpu.memory_space<semaphore_mem>>)
      %dma_wait3A = arith.constant 0 : i32
      %dma_wait3A_25 = tpu.memref_slice %arg5[%add3A_4, %dma_wait3A] : memref<32x4096xf32, #tpu.memory_space<hbm>> -> memref<1x4096xf32, #tpu.memory_space<hbm>>
      %dma_wait3A_26 = tpu.memref_squeeze %dma_wait3A_25 : memref<1x4096xf32, #tpu.memory_space<hbm>> -> memref<4096xf32, #tpu.memory_space<hbm>>
      %dma_wait3A_27 = arith.constant 0 : i32
      %dma_wait3A_28 = tpu.memref_slice %arg5[%add3A_4, %dma_wait3A_27] : memref<32x4096xf32, #tpu.memory_space<hbm>> -> memref<1x4096xf32, #tpu.memory_space<hbm>>
      %dma_wait3A_29 = tpu.memref_squeeze %dma_wait3A_28 : memref<1x4096xf32, #tpu.memory_space<hbm>> -> memref<4096xf32, #tpu.memory_space<hbm>>
      tpu.wait_dma2 semaphore(%run_scoped3A : memref<!tpu.dma_semaphore, #tpu.memory_space<semaphore_mem>>) src(%arg11 : memref<4096xf32, #tpu.memory_space<vmem>>) dst(%dma_wait3A_29 : memref<4096xf32, #tpu.memory_space<hbm>>)
      tpu.yield
    }) : () -> ()
    return
  }
}

#map = affine_map<(d0, d1) -> (0, 0)>
module attributes {stable_mosaic.version = 14 : i64} {
  func.func @_body(%arg0: i32, %arg1: i32, %arg2: memref<32x4096xi32, #tpu.memory_space<hbm>>, %arg3: memref<32x4096xi32, #tpu.memory_space<hbm>>, %arg4: memref<32x4096xi32, #tpu.memory_space<hbm>>, %arg5: memref<32x4096xf32, #tpu.memory_space<hbm>>, %arg6: memref<65536xi32, #tpu.memory_space<vmem>>, %arg7: memref<4096xi32, #tpu.memory_space<vmem>>, %arg8: memref<4096xi32, #tpu.memory_space<vmem>>, %arg9: memref<4096xi32, #tpu.memory_space<vmem>>, %arg10: memref<4096xi32, #tpu.memory_space<vmem>>, %arg11: memref<4096xf32, #tpu.memory_space<vmem>>, %arg12: memref<16xi32, #tpu.memory_space<vmem>>) attributes {dimension_semantics = [#tpu.dimension_semantics<core_parallel>, #tpu.dimension_semantics<subcore_parallel>], iteration_bounds = array<i64: 2, 16>, scalar_prefetch = 0 : i64, scratch_operands = 7 : i64, tpu.core_type = #tpu.core_type<sc_vector_subcore>, window_params = [{transform_indices = #map}, {transform_indices = #map}, {transform_indices = #map}, {transform_indices = #map}]} {
    %mul3A = arith.constant 2 : i32
    %mul3A_0 = arith.muli %arg1, %mul3A : i32
    %add3A = arith.addi %mul3A_0, %arg0 : i32
    %iota3A = tpu.iota {dimensions = array<i32: 0>} : vector<16xi32>
    %mul3A_1 = arith.constant 1 : i32
    %mul3A_2 = arith.muli %add3A, %mul3A_1 : i32
    %add3A_3 = arith.constant 0 : i32
    %add3A_4 = arith.addi %mul3A_2, %add3A_3 : i32
    "tpu.region"() ({
      %run_scoped3A = tpu.sem_alloc : memref<!tpu.dma_semaphore, #tpu.memory_space<semaphore_mem>>
      %dma_start3A = arith.constant 0 : i32
      %dma_start3A_20 = tpu.memref_slice %arg2[%add3A_4, %dma_start3A] : memref<32x4096xi32, #tpu.memory_space<hbm>> -> memref<1x4096xi32, #tpu.memory_space<hbm>>
      %dma_start3A_21 = tpu.memref_squeeze %dma_start3A_20 : memref<1x4096xi32, #tpu.memory_space<hbm>> -> memref<4096xi32, #tpu.memory_space<hbm>>
      %dma_start3A_22 = arith.constant 0 : i32
      %dma_start3A_23 = tpu.memref_slice %arg2[%add3A_4, %dma_start3A_22] : memref<32x4096xi32, #tpu.memory_space<hbm>> -> memref<1x4096xi32, #tpu.memory_space<hbm>>
      %dma_start3A_24 = tpu.memref_squeeze %dma_start3A_23 : memref<1x4096xi32, #tpu.memory_space<hbm>> -> memref<4096xi32, #tpu.memory_space<hbm>>
      tpu.enqueue_dma source(%dma_start3A_24 : memref<4096xi32, #tpu.memory_space<hbm>>) target(%arg7 : memref<4096xi32, #tpu.memory_space<vmem>>) target_semaphore(%run_scoped3A : memref<!tpu.dma_semaphore, #tpu.memory_space<semaphore_mem>>)
      %dma_wait3A = arith.constant 0 : i32
      %dma_wait3A_25 = tpu.memref_slice %arg2[%add3A_4, %dma_wait3A] : memref<32x4096xi32, #tpu.memory_space<hbm>> -> memref<1x4096xi32, #tpu.memory_space<hbm>>
      %dma_wait3A_26 = tpu.memref_squeeze %dma_wait3A_25 : memref<1x4096xi32, #tpu.memory_space<hbm>> -> memref<4096xi32, #tpu.memory_space<hbm>>
      %dma_wait3A_27 = arith.constant 0 : i32
      %dma_wait3A_28 = tpu.memref_slice %arg2[%add3A_4, %dma_wait3A_27] : memref<32x4096xi32, #tpu.memory_space<hbm>> -> memref<1x4096xi32, #tpu.memory_space<hbm>>
      %dma_wait3A_29 = tpu.memref_squeeze %dma_wait3A_28 : memref<1x4096xi32, #tpu.memory_space<hbm>> -> memref<4096xi32, #tpu.memory_space<hbm>>
      tpu.wait_dma2 semaphore(%run_scoped3A : memref<!tpu.dma_semaphore, #tpu.memory_space<semaphore_mem>>) src(%dma_wait3A_29 : memref<4096xi32, #tpu.memory_space<hbm>>) dst(%arg7 : memref<4096xi32, #tpu.memory_space<vmem>>)
      tpu.yield
    }) : () -> ()
    "tpu.region"() ({
      %run_scoped3A = tpu.sem_alloc : memref<!tpu.dma_semaphore, #tpu.memory_space<semaphore_mem>>
      %dma_start3A = arith.constant 0 : i32
      %dma_start3A_20 = tpu.memref_slice %arg3[%add3A_4, %dma_start3A] : memref<32x4096xi32, #tpu.memory_space<hbm>> -> memref<1x4096xi32, #tpu.memory_space<hbm>>
      %dma_start3A_21 = tpu.memref_squeeze %dma_start3A_20 : memref<1x4096xi32, #tpu.memory_space<hbm>> -> memref<4096xi32, #tpu.memory_space<hbm>>
      %dma_start3A_22 = arith.constant 0 : i32
      %dma_start3A_23 = tpu.memref_slice %arg3[%add3A_4, %dma_start3A_22] : memref<32x4096xi32, #tpu.memory_space<hbm>> -> memref<1x4096xi32, #tpu.memory_space<hbm>>
      %dma_start3A_24 = tpu.memref_squeeze %dma_start3A_23 : memref<1x4096xi32, #tpu.memory_space<hbm>> -> memref<4096xi32, #tpu.memory_space<hbm>>
      tpu.enqueue_dma source(%dma_start3A_24 : memref<4096xi32, #tpu.memory_space<hbm>>) target(%arg8 : memref<4096xi32, #tpu.memory_space<vmem>>) target_semaphore(%run_scoped3A : memref<!tpu.dma_semaphore, #tpu.memory_space<semaphore_mem>>)
      %dma_wait3A = arith.constant 0 : i32
      %dma_wait3A_25 = tpu.memref_slice %arg3[%add3A_4, %dma_wait3A] : memref<32x4096xi32, #tpu.memory_space<hbm>> -> memref<1x4096xi32, #tpu.memory_space<hbm>>
      %dma_wait3A_26 = tpu.memref_squeeze %dma_wait3A_25 : memref<1x4096xi32, #tpu.memory_space<hbm>> -> memref<4096xi32, #tpu.memory_space<hbm>>
      %dma_wait3A_27 = arith.constant 0 : i32
      %dma_wait3A_28 = tpu.memref_slice %arg3[%add3A_4, %dma_wait3A_27] : memref<32x4096xi32, #tpu.memory_space<hbm>> -> memref<1x4096xi32, #tpu.memory_space<hbm>>
      %dma_wait3A_29 = tpu.memref_squeeze %dma_wait3A_28 : memref<1x4096xi32, #tpu.memory_space<hbm>> -> memref<4096xi32, #tpu.memory_space<hbm>>
      tpu.wait_dma2 semaphore(%run_scoped3A : memref<!tpu.dma_semaphore, #tpu.memory_space<semaphore_mem>>) src(%dma_wait3A_29 : memref<4096xi32, #tpu.memory_space<hbm>>) dst(%arg8 : memref<4096xi32, #tpu.memory_space<vmem>>)
      tpu.yield
    }) : () -> ()
    "tpu.region"() ({
      %run_scoped3A = tpu.sem_alloc : memref<!tpu.dma_semaphore, #tpu.memory_space<semaphore_mem>>
      %dma_start3A = arith.constant 0 : i32
      %dma_start3A_20 = tpu.memref_slice %arg4[%add3A_4, %dma_start3A] : memref<32x4096xi32, #tpu.memory_space<hbm>> -> memref<1x4096xi32, #tpu.memory_space<hbm>>
      %dma_start3A_21 = tpu.memref_squeeze %dma_start3A_20 : memref<1x4096xi32, #tpu.memory_space<hbm>> -> memref<4096xi32, #tpu.memory_space<hbm>>
      %dma_start3A_22 = arith.constant 0 : i32
      %dma_start3A_23 = tpu.memref_slice %arg4[%add3A_4, %dma_start3A_22] : memref<32x4096xi32, #tpu.memory_space<hbm>> -> memref<1x4096xi32, #tpu.memory_space<hbm>>
      %dma_start3A_24 = tpu.memref_squeeze %dma_start3A_23 : memref<1x4096xi32, #tpu.memory_space<hbm>> -> memref<4096xi32, #tpu.memory_space<hbm>>
      tpu.enqueue_dma source(%dma_start3A_24 : memref<4096xi32, #tpu.memory_space<hbm>>) target(%arg10 : memref<4096xi32, #tpu.memory_space<vmem>>) target_semaphore(%run_scoped3A : memref<!tpu.dma_semaphore, #tpu.memory_space<semaphore_mem>>)
      %dma_wait3A = arith.constant 0 : i32
      %dma_wait3A_25 = tpu.memref_slice %arg4[%add3A_4, %dma_wait3A] : memref<32x4096xi32, #tpu.memory_space<hbm>> -> memref<1x4096xi32, #tpu.memory_space<hbm>>
      %dma_wait3A_26 = tpu.memref_squeeze %dma_wait3A_25 : memref<1x4096xi32, #tpu.memory_space<hbm>> -> memref<4096xi32, #tpu.memory_space<hbm>>
      %dma_wait3A_27 = arith.constant 0 : i32
      %dma_wait3A_28 = tpu.memref_slice %arg4[%add3A_4, %dma_wait3A_27] : memref<32x4096xi32, #tpu.memory_space<hbm>> -> memref<1x4096xi32, #tpu.memory_space<hbm>>
      %dma_wait3A_29 = tpu.memref_squeeze %dma_wait3A_28 : memref<1x4096xi32, #tpu.memory_space<hbm>> -> memref<4096xi32, #tpu.memory_space<hbm>>
      tpu.wait_dma2 semaphore(%run_scoped3A : memref<!tpu.dma_semaphore, #tpu.memory_space<semaphore_mem>>) src(%dma_wait3A_29 : memref<4096xi32, #tpu.memory_space<hbm>>) dst(%arg10 : memref<4096xi32, #tpu.memory_space<vmem>>)
      tpu.yield
    }) : () -> ()
    %parallel_loop3A = arith.constant 0 : i32
    %parallel_loop3A_5 = arith.constant 256 : i32
    %parallel_loop3A_6 = arith.constant 1 : i32
    scf.for %parallel_loop3A_20 = %parallel_loop3A to %parallel_loop3A_5 step %parallel_loop3A_6  : i32 {
      %parallel_loop3A_21 = arith.constant 16 : i32
      %parallel_loop3A_22 = arith.muli %parallel_loop3A_20, %parallel_loop3A_21 : i32
      %parallel_loop3A_23 = arith.index_cast %parallel_loop3A_22 : i32 to index
      %parallel_loop3A_24 = tpu.vector_load %arg7[%parallel_loop3A_23] {strides = array<i32>} : memref<4096xi32, #tpu.memory_space<vmem>>, vector<16xi32>,
      %parallel_loop3A_25 = arith.constant 65535 : i32
      %parallel_loop3A_26 = vector.broadcast %parallel_loop3A_25 : i32 to vector<16xi32>
      %parallel_loop3A_27 = arith.andi %parallel_loop3A_24, %parallel_loop3A_26 : vector<16xi32>
      %parallel_loop3A_28 = arith.constant 16 : i32
      %parallel_loop3A_29 = arith.muli %parallel_loop3A_20, %parallel_loop3A_28 : i32
      %parallel_loop3A_30 = vector.broadcast %parallel_loop3A_29 : i32 to vector<16xi32>
      %parallel_loop3A_31 = arith.addi %parallel_loop3A_30, %iota3A : vector<16xi32>
      tpu.vector_store_idx %arg6[%parallel_loop3A_27], %parallel_loop3A_31 : memref<65536xi32, #tpu.memory_space<vmem>>[vector<16xi32>], vector<16xi32>,
    } {sc.loop_unroll_factor = 4 : i64, sc.parallel_access}
    %parallel_loop3A_7 = arith.constant 0 : i32
    %parallel_loop3A_8 = arith.constant 256 : i32
    %parallel_loop3A_9 = arith.constant 1 : i32
    %parallel_loop3A_10 = arith.constant 0 : i32
    %parallel_loop3A_11 = arith.constant 0 : i32
    %parallel_loop3A_12:2 = scf.for %parallel_loop3A_20 = %parallel_loop3A_7 to %parallel_loop3A_8 step %parallel_loop3A_9 iter_args(%parallel_loop3A_21 = %parallel_loop3A_10, %parallel_loop3A_22 = %parallel_loop3A_11) -> (i32, i32)  : i32 {
      %parallel_loop3A_23 = arith.constant 16 : i32
      %parallel_loop3A_24 = arith.muli %parallel_loop3A_20, %parallel_loop3A_23 : i32
      %parallel_loop3A_25 = vector.broadcast %parallel_loop3A_24 : i32 to vector<16xi32>
      %parallel_loop3A_26 = arith.addi %parallel_loop3A_25, %iota3A : vector<16xi32>
      %parallel_loop3A_27 = arith.constant 16 : i32
      %parallel_loop3A_28 = arith.muli %parallel_loop3A_20, %parallel_loop3A_27 : i32
      %parallel_loop3A_29 = arith.index_cast %parallel_loop3A_28 : i32 to index
      %parallel_loop3A_30 = tpu.vector_load %arg7[%parallel_loop3A_29] {strides = array<i32>} : memref<4096xi32, #tpu.memory_space<vmem>>, vector<16xi32>,
      %parallel_loop3A_31 = arith.constant 16 : i32
      %parallel_loop3A_32 = arith.muli %parallel_loop3A_20, %parallel_loop3A_31 : i32
      %parallel_loop3A_33 = arith.index_cast %parallel_loop3A_32 : i32 to index
      %parallel_loop3A_34 = tpu.vector_load %arg8[%parallel_loop3A_33] {strides = array<i32>} : memref<4096xi32, #tpu.memory_space<vmem>>, vector<16xi32>,
      %parallel_loop3A_35 = arith.constant 65535 : i32
      %parallel_loop3A_36 = vector.broadcast %parallel_loop3A_35 : i32 to vector<16xi32>
      %parallel_loop3A_37 = arith.andi %parallel_loop3A_30, %parallel_loop3A_36 : vector<16xi32>
      %parallel_loop3A_38 = tpu.vector_load_idx %arg6[%parallel_loop3A_37] : memref<65536xi32, #tpu.memory_space<vmem>>[vector<16xi32>], vector<16xi32>,
      %parallel_loop3A_39 = arith.constant 16 : i32
      %parallel_loop3A_40 = arith.muli %parallel_loop3A_20, %parallel_loop3A_39 : i32
      %parallel_loop3A_41 = arith.index_cast %parallel_loop3A_40 : i32 to index
      %parallel_loop3A_42 = tpu.vector_load %arg9[%parallel_loop3A_41] {strides = array<i32>} : memref<4096xi32, #tpu.memory_space<vmem>>, vector<16xi32>,
      tpu.vector_store %arg9[%parallel_loop3A_41], %parallel_loop3A_38 {strides = array<i32>} : memref<4096xi32, #tpu.memory_space<vmem>>, vector<16xi32>,
      %parallel_loop3A_43 = tpu.vector_load_idx %arg7[%parallel_loop3A_38] : memref<4096xi32, #tpu.memory_space<vmem>>[vector<16xi32>], vector<16xi32>,
      %parallel_loop3A_44 = arith.cmpi ne, %parallel_loop3A_43, %parallel_loop3A_30 : vector<16xi32>
      %parallel_loop3A_45 = tpu.vector_load_idx %arg8[%parallel_loop3A_38] : memref<4096xi32, #tpu.memory_space<vmem>>[vector<16xi32>], vector<16xi32>,
      %parallel_loop3A_46 = arith.cmpi ne, %parallel_loop3A_45, %parallel_loop3A_34 : vector<16xi32>
      %parallel_loop3A_47 = arith.ori %parallel_loop3A_44, %parallel_loop3A_46 : vector<16xi1>
      %parallel_loop3A_48 = arith.constant 1 : i32
      %parallel_loop3A_49 = arith.constant 0 : i32
      %parallel_loop3A_50 = vector.broadcast %parallel_loop3A_48 : i32 to vector<16xi32>
      %parallel_loop3A_51 = vector.broadcast %parallel_loop3A_49 : i32 to vector<16xi32>
      %parallel_loop3A_52 = arith.select %parallel_loop3A_47, %parallel_loop3A_50, %parallel_loop3A_51 : vector<16xi1>, vector<16xi32>
      %parallel_loop3A_53 = arith.constant true
      %parallel_loop3A_54 = vector.broadcast %parallel_loop3A_53 : i1 to vector<16xi1>
      %parallel_loop3A_55 = arith.constant -2147483648 : i32
      %parallel_loop3A_56 = vector.broadcast %parallel_loop3A_55 : i32 to vector<16xi32>
      %parallel_loop3A_57 = arith.xori %parallel_loop3A_52, %parallel_loop3A_56 : vector<16xi32>
      %parallel_loop3A_58 = tpu.scan <max>, %parallel_loop3A_57 masked %parallel_loop3A_54 : vector<16xi32>, vector<16xi1> -> vector<16xi32>
      %parallel_loop3A_59 = arith.xori %parallel_loop3A_58, %parallel_loop3A_56 : vector<16xi32>
      %parallel_loop3A_60 = vector.extract %parallel_loop3A_59[15] : i32 from vector<16xi32>
      %parallel_loop3A_61 = arith.ori %parallel_loop3A_21, %parallel_loop3A_60 : i32
      %parallel_loop3A_62 = arith.cmpi ne, %parallel_loop3A_38, %parallel_loop3A_26 : vector<16xi32>
      %parallel_loop3A_63 = arith.constant 1 : i32
      %parallel_loop3A_64 = arith.constant 0 : i32
      %parallel_loop3A_65 = vector.broadcast %parallel_loop3A_63 : i32 to vector<16xi32>
      %parallel_loop3A_66 = vector.broadcast %parallel_loop3A_64 : i32 to vector<16xi32>
      %parallel_loop3A_67 = arith.select %parallel_loop3A_62, %parallel_loop3A_65, %parallel_loop3A_66 : vector<16xi1>, vector<16xi32>
      %parallel_loop3A_68 = arith.constant true
      %parallel_loop3A_69 = vector.broadcast %parallel_loop3A_68 : i1 to vector<16xi1>
      %parallel_loop3A_70 = arith.constant -2147483648 : i32
      %parallel_loop3A_71 = vector.broadcast %parallel_loop3A_70 : i32 to vector<16xi32>
      %parallel_loop3A_72 = arith.xori %parallel_loop3A_67, %parallel_loop3A_71 : vector<16xi32>
      %parallel_loop3A_73 = tpu.scan <max>, %parallel_loop3A_72 masked %parallel_loop3A_69 : vector<16xi32>, vector<16xi1> -> vector<16xi32>
      %parallel_loop3A_74 = arith.xori %parallel_loop3A_73, %parallel_loop3A_71 : vector<16xi32>
      %parallel_loop3A_75 = vector.extract %parallel_loop3A_74[15] : i32 from vector<16xi32>
      %parallel_loop3A_76 = arith.ori %parallel_loop3A_22, %parallel_loop3A_75 : i32
      scf.yield %parallel_loop3A_61, %parallel_loop3A_76 : i32, i32
    } {sc.loop_unroll_factor = 4 : i64, sc.parallel_access}
    %while3A = arith.constant 1 : i32
    %while3A_13:3 = scf.while (%while3A_20 = %while3A, %while3A_21 = %parallel_loop3A_12#0, %while3A_22 = %parallel_loop3A_12#1) : (i32, i32, i32) -> (i32, i32, i32) {
      %lt3A = arith.constant 10 : i32
      %lt3A_23 = arith.cmpi slt, %while3A_20, %lt3A : i32
      %gt3A_24 = arith.constant 0 : i32
      %gt3A_25 = arith.cmpi sgt, %while3A_21, %gt3A_24 : i32
      %and3A = arith.andi %lt3A_23, %gt3A_25 : i1
      scf.condition(%and3A) %while3A_20, %while3A_21, %while3A_22 : i32, i32, i32
    } do {
    ^bb0(%while3A_20: i32, %while3A_21: i32, %while3A_22: i32):
      %lt3A = arith.constant 5 : i32
      %lt3A_23 = arith.cmpi slt, %while3A_20, %lt3A : i32
      %mul3A_24 = arith.constant 4 : i32
      %mul3A_25 = arith.muli %mul3A_24, %while3A_20 : i32
      %add3A_26 = arith.constant 12 : i32
      %add3A_27 = arith.addi %add3A_26, %mul3A_25 : i32
      %mul3A_28 = arith.constant 4 : i32
      %mul3A_29 = arith.muli %mul3A_28, %while3A_20 : i32
      %sub3A = arith.constant 20 : i32
      %sub3A_30 = arith.subi %mul3A_29, %sub3A : i32
      %select_n3A = arith.select %lt3A_23, %add3A_27, %sub3A_30 : i32
      %parallel_loop3A_31 = arith.constant 0 : i32
      %parallel_loop3A_32 = arith.constant 256 : i32
      %parallel_loop3A_33 = arith.constant 1 : i32
      scf.for %parallel_loop3A_42 = %parallel_loop3A_31 to %parallel_loop3A_32 step %parallel_loop3A_33  : i32 {
        %parallel_loop3A_43 = arith.constant 16 : i32
        %parallel_loop3A_44 = arith.muli %parallel_loop3A_42, %parallel_loop3A_43 : i32
        %parallel_loop3A_45 = arith.index_cast %parallel_loop3A_44 : i32 to index
        %parallel_loop3A_46 = tpu.vector_load %arg7[%parallel_loop3A_45] {strides = array<i32>} : memref<4096xi32, #tpu.memory_space<vmem>>, vector<16xi32>,
        %parallel_loop3A_47 = arith.constant 16 : i32
        %parallel_loop3A_48 = arith.muli %parallel_loop3A_42, %parallel_loop3A_47 : i32
        %parallel_loop3A_49 = arith.index_cast %parallel_loop3A_48 : i32 to index
        %parallel_loop3A_50 = tpu.vector_load %arg8[%parallel_loop3A_49] {strides = array<i32>} : memref<4096xi32, #tpu.memory_space<vmem>>, vector<16xi32>,
        %parallel_loop3A_51 = arith.select %lt3A_23, %parallel_loop3A_46, %parallel_loop3A_50 : vector<16xi32>
        %parallel_loop3A_52 = vector.broadcast %select_n3A : i32 to vector<16xi32>
        %parallel_loop3A_53 = arith.shrsi %parallel_loop3A_51, %parallel_loop3A_52 : vector<16xi32>
        %parallel_loop3A_54 = arith.constant 15 : i32
        %parallel_loop3A_55 = vector.broadcast %parallel_loop3A_54 : i32 to vector<16xi32>
        %parallel_loop3A_56 = arith.andi %parallel_loop3A_53, %parallel_loop3A_55 : vector<16xi32>
        %parallel_loop3A_57 = arith.constant 16 : i32
        %parallel_loop3A_58 = arith.muli %parallel_loop3A_42, %parallel_loop3A_57 : i32
        %parallel_loop3A_59 = arith.index_cast %parallel_loop3A_58 : i32 to index
        %parallel_loop3A_60 = tpu.vector_load %arg9[%parallel_loop3A_59] {strides = array<i32>} : memref<4096xi32, #tpu.memory_space<vmem>>, vector<16xi32>,
        %parallel_loop3A_61 = arith.constant 16 : i32
        %parallel_loop3A_62 = vector.broadcast %parallel_loop3A_61 : i32 to vector<16xi32>
        %parallel_loop3A_63 = arith.muli %parallel_loop3A_60, %parallel_loop3A_62 : vector<16xi32>
        %parallel_loop3A_64 = arith.addi %parallel_loop3A_63, %parallel_loop3A_56 : vector<16xi32>
        %parallel_loop3A_65 = arith.constant 16 : i32
        %parallel_loop3A_66 = arith.muli %parallel_loop3A_42, %parallel_loop3A_65 : i32
        %parallel_loop3A_67 = vector.broadcast %parallel_loop3A_66 : i32 to vector<16xi32>
        %parallel_loop3A_68 = arith.addi %parallel_loop3A_67, %iota3A : vector<16xi32>
        tpu.vector_store_idx %arg6[%parallel_loop3A_64], %parallel_loop3A_68 : memref<65536xi32, #tpu.memory_space<vmem>>[vector<16xi32>], vector<16xi32>,
      } {sc.loop_unroll_factor = 4 : i64, sc.parallel_access}
      %parallel_loop3A_34 = arith.constant 0 : i32
      %parallel_loop3A_35 = arith.constant 256 : i32
      %parallel_loop3A_36 = arith.constant 1 : i32
      %parallel_loop3A_37 = arith.constant 0 : i32
      %parallel_loop3A_38 = arith.constant 0 : i32
      %parallel_loop3A_39:2 = scf.for %parallel_loop3A_42 = %parallel_loop3A_34 to %parallel_loop3A_35 step %parallel_loop3A_36 iter_args(%parallel_loop3A_43 = %parallel_loop3A_37, %parallel_loop3A_44 = %parallel_loop3A_38) -> (i32, i32)  : i32 {
        %parallel_loop3A_45 = arith.constant 16 : i32
        %parallel_loop3A_46 = arith.muli %parallel_loop3A_42, %parallel_loop3A_45 : i32
        %parallel_loop3A_47 = vector.broadcast %parallel_loop3A_46 : i32 to vector<16xi32>
        %parallel_loop3A_48 = arith.addi %parallel_loop3A_47, %iota3A : vector<16xi32>
        %parallel_loop3A_49 = arith.constant 16 : i32
        %parallel_loop3A_50 = arith.muli %parallel_loop3A_42, %parallel_loop3A_49 : i32
        %parallel_loop3A_51 = arith.index_cast %parallel_loop3A_50 : i32 to index
        %parallel_loop3A_52 = tpu.vector_load %arg7[%parallel_loop3A_51] {strides = array<i32>} : memref<4096xi32, #tpu.memory_space<vmem>>, vector<16xi32>,
        %parallel_loop3A_53 = arith.constant 16 : i32
        %parallel_loop3A_54 = arith.muli %parallel_loop3A_42, %parallel_loop3A_53 : i32
        %parallel_loop3A_55 = arith.index_cast %parallel_loop3A_54 : i32 to index
        %parallel_loop3A_56 = tpu.vector_load %arg8[%parallel_loop3A_55] {strides = array<i32>} : memref<4096xi32, #tpu.memory_space<vmem>>, vector<16xi32>,
        %parallel_loop3A_57 = arith.select %lt3A_23, %parallel_loop3A_52, %parallel_loop3A_56 : vector<16xi32>
        %parallel_loop3A_58 = vector.broadcast %select_n3A : i32 to vector<16xi32>
        %parallel_loop3A_59 = arith.shrsi %parallel_loop3A_57, %parallel_loop3A_58 : vector<16xi32>
        %parallel_loop3A_60 = arith.constant 15 : i32
        %parallel_loop3A_61 = vector.broadcast %parallel_loop3A_60 : i32 to vector<16xi32>
        %parallel_loop3A_62 = arith.andi %parallel_loop3A_59, %parallel_loop3A_61 : vector<16xi32>
        %parallel_loop3A_63 = arith.constant 16 : i32
        %parallel_loop3A_64 = arith.muli %parallel_loop3A_42, %parallel_loop3A_63 : i32
        %parallel_loop3A_65 = arith.index_cast %parallel_loop3A_64 : i32 to index
        %parallel_loop3A_66 = tpu.vector_load %arg9[%parallel_loop3A_65] {strides = array<i32>} : memref<4096xi32, #tpu.memory_space<vmem>>, vector<16xi32>,
        %parallel_loop3A_67 = arith.constant 16 : i32
        %parallel_loop3A_68 = vector.broadcast %parallel_loop3A_67 : i32 to vector<16xi32>
        %parallel_loop3A_69 = arith.muli %parallel_loop3A_66, %parallel_loop3A_68 : vector<16xi32>
        %parallel_loop3A_70 = arith.addi %parallel_loop3A_69, %parallel_loop3A_62 : vector<16xi32>
        %parallel_loop3A_71 = tpu.vector_load_idx %arg6[%parallel_loop3A_70] : memref<65536xi32, #tpu.memory_space<vmem>>[vector<16xi32>], vector<16xi32>,
        %parallel_loop3A_72 = arith.constant 16 : i32
        %parallel_loop3A_73 = arith.muli %parallel_loop3A_42, %parallel_loop3A_72 : i32
        %parallel_loop3A_74 = arith.index_cast %parallel_loop3A_73 : i32 to index
        %parallel_loop3A_75 = tpu.vector_load %arg9[%parallel_loop3A_74] {strides = array<i32>} : memref<4096xi32, #tpu.memory_space<vmem>>, vector<16xi32>,
        tpu.vector_store %arg9[%parallel_loop3A_74], %parallel_loop3A_71 {strides = array<i32>} : memref<4096xi32, #tpu.memory_space<vmem>>, vector<16xi32>,
        %parallel_loop3A_76 = tpu.vector_load_idx %arg7[%parallel_loop3A_71] : memref<4096xi32, #tpu.memory_space<vmem>>[vector<16xi32>], vector<16xi32>,
        %parallel_loop3A_77 = arith.cmpi ne, %parallel_loop3A_76, %parallel_loop3A_52 : vector<16xi32>
        %parallel_loop3A_78 = tpu.vector_load_idx %arg8[%parallel_loop3A_71] : memref<4096xi32, #tpu.memory_space<vmem>>[vector<16xi32>], vector<16xi32>,
        %parallel_loop3A_79 = arith.cmpi ne, %parallel_loop3A_78, %parallel_loop3A_56 : vector<16xi32>
        %parallel_loop3A_80 = arith.ori %parallel_loop3A_77, %parallel_loop3A_79 : vector<16xi1>
        %parallel_loop3A_81 = arith.constant 1 : i32
        %parallel_loop3A_82 = arith.constant 0 : i32
        %parallel_loop3A_83 = vector.broadcast %parallel_loop3A_81 : i32 to vector<16xi32>
        %parallel_loop3A_84 = vector.broadcast %parallel_loop3A_82 : i32 to vector<16xi32>
        %parallel_loop3A_85 = arith.select %parallel_loop3A_80, %parallel_loop3A_83, %parallel_loop3A_84 : vector<16xi1>, vector<16xi32>
        %parallel_loop3A_86 = arith.constant true
        %parallel_loop3A_87 = vector.broadcast %parallel_loop3A_86 : i1 to vector<16xi1>
        %parallel_loop3A_88 = arith.constant -2147483648 : i32
        %parallel_loop3A_89 = vector.broadcast %parallel_loop3A_88 : i32 to vector<16xi32>
        %parallel_loop3A_90 = arith.xori %parallel_loop3A_85, %parallel_loop3A_89 : vector<16xi32>
        %parallel_loop3A_91 = tpu.scan <max>, %parallel_loop3A_90 masked %parallel_loop3A_87 : vector<16xi32>, vector<16xi1> -> vector<16xi32>
        %parallel_loop3A_92 = arith.xori %parallel_loop3A_91, %parallel_loop3A_89 : vector<16xi32>
        %parallel_loop3A_93 = vector.extract %parallel_loop3A_92[15] : i32 from vector<16xi32>
        %parallel_loop3A_94 = arith.ori %parallel_loop3A_43, %parallel_loop3A_93 : i32
        %parallel_loop3A_95 = arith.cmpi ne, %parallel_loop3A_71, %parallel_loop3A_48 : vector<16xi32>
        %parallel_loop3A_96 = arith.constant 1 : i32
        %parallel_loop3A_97 = arith.constant 0 : i32
        %parallel_loop3A_98 = vector.broadcast %parallel_loop3A_96 : i32 to vector<16xi32>
        %parallel_loop3A_99 = vector.broadcast %parallel_loop3A_97 : i32 to vector<16xi32>
        %parallel_loop3A_100 = arith.select %parallel_loop3A_95, %parallel_loop3A_98, %parallel_loop3A_99 : vector<16xi1>, vector<16xi32>
        %parallel_loop3A_101 = arith.constant true
        %parallel_loop3A_102 = vector.broadcast %parallel_loop3A_101 : i1 to vector<16xi1>
        %parallel_loop3A_103 = arith.constant -2147483648 : i32
        %parallel_loop3A_104 = vector.broadcast %parallel_loop3A_103 : i32 to vector<16xi32>
        %parallel_loop3A_105 = arith.xori %parallel_loop3A_100, %parallel_loop3A_104 : vector<16xi32>
        %parallel_loop3A_106 = tpu.scan <max>, %parallel_loop3A_105 masked %parallel_loop3A_102 : vector<16xi32>, vector<16xi1> -> vector<16xi32>
        %parallel_loop3A_107 = arith.xori %parallel_loop3A_106, %parallel_loop3A_104 : vector<16xi32>
        %parallel_loop3A_108 = vector.extract %parallel_loop3A_107[15] : i32 from vector<16xi32>
        %parallel_loop3A_109 = arith.ori %parallel_loop3A_44, %parallel_loop3A_108 : i32
        scf.yield %parallel_loop3A_94, %parallel_loop3A_109 : i32, i32
      } {sc.loop_unroll_factor = 4 : i64, sc.parallel_access}
      %add3A_40 = arith.constant 1 : i32
      %add3A_41 = arith.addi %while3A_20, %add3A_40 : i32
      scf.yield %add3A_41, %parallel_loop3A_39#0, %parallel_loop3A_39#1 : i32, i32, i32
    }
    %eq3A = arith.constant 0 : i32
    %eq3A_14 = arith.cmpi eq, %while3A_13#2, %eq3A : i32
    %convert_element_type3A = arith.extui %eq3A_14 : i1 to i32
    %cond3A = arith.constant 0 : i32
    %cond3A_15 = arith.cmpi ne, %convert_element_type3A, %cond3A : i32
    scf.if %cond3A_15 {
      %parallel_loop3A_20 = arith.constant 0 : i32
      %parallel_loop3A_21 = arith.constant 256 : i32
      %parallel_loop3A_22 = arith.constant 1 : i32
      scf.for %parallel_loop3A_23 = %parallel_loop3A_20 to %parallel_loop3A_21 step %parallel_loop3A_22  : i32 {
        %parallel_loop3A_24 = arith.constant 16 : i32
        %parallel_loop3A_25 = arith.muli %parallel_loop3A_23, %parallel_loop3A_24 : i32
        %parallel_loop3A_26 = arith.index_cast %parallel_loop3A_25 : i32 to index
        %parallel_loop3A_27 = tpu.vector_load %arg10[%parallel_loop3A_26] {strides = array<i32>} : memref<4096xi32, #tpu.memory_space<vmem>>, vector<16xi32>,
        %parallel_loop3A_28 = arith.constant 0 : i32
        %parallel_loop3A_29 = vector.broadcast %parallel_loop3A_28 : i32 to vector<16xi32>
        %parallel_loop3A_30 = arith.cmpi ne, %parallel_loop3A_27, %parallel_loop3A_29 : vector<16xi32>
        %parallel_loop3A_31 = arith.constant 1.000000e+00 : f32
        %parallel_loop3A_32 = arith.constant 0.000000e+00 : f32
        %parallel_loop3A_33 = vector.broadcast %parallel_loop3A_31 : f32 to vector<16xf32>
        %parallel_loop3A_34 = vector.broadcast %parallel_loop3A_32 : f32 to vector<16xf32>
        %parallel_loop3A_35 = arith.select %parallel_loop3A_30, %parallel_loop3A_33, %parallel_loop3A_34 : vector<16xi1>, vector<16xf32>
        %parallel_loop3A_36 = arith.constant 16 : i32
        %parallel_loop3A_37 = arith.muli %parallel_loop3A_23, %parallel_loop3A_36 : i32
        %parallel_loop3A_38 = arith.index_cast %parallel_loop3A_37 : i32 to index
        %parallel_loop3A_39 = tpu.vector_load %arg11[%parallel_loop3A_38] {strides = array<i32>} : memref<4096xf32, #tpu.memory_space<vmem>>, vector<16xf32>,
        tpu.vector_store %arg11[%parallel_loop3A_38], %parallel_loop3A_35 {strides = array<i32>} : memref<4096xf32, #tpu.memory_space<vmem>>, vector<16xf32>,
      } {sc.loop_unroll_factor = 4 : i64, sc.parallel_access}
    } else {
    }
    %gt3A = arith.constant 0 : i32
    %gt3A_16 = arith.cmpi sgt, %while3A_13#2, %gt3A : i32
    %convert_element_type3A_17 = arith.extui %gt3A_16 : i1 to i32
    %cond3A_18 = arith.constant 0 : i32
    %cond3A_19 = arith.cmpi ne, %convert_element_type3A_17, %cond3A_18 : i32
    scf.if %cond3A_19 {
      %scan3A = arith.constant 0 : i32
      %scan3A_20 = arith.constant 0 : i32
      %scan3A_21 = arith.constant 256 : i32
      %scan3A_22 = arith.addi %scan3A_20, %scan3A_21 : i32
      %scan3A_23 = arith.constant 1 : i32
      scf.for %scan3A_28 = %scan3A_20 to %scan3A_22 step %scan3A_23  : i32 {
        %sub3A = arith.constant 255 : i32
        %sub3A_29 = arith.subi %sub3A, %scan3A_28 : i32
        %mul3A_30 = arith.constant 16 : i32
        %mul3A_31 = arith.muli %sub3A_29, %mul3A_30 : i32
        %add3A_32 = vector.broadcast %mul3A_31 : i32 to vector<16xi32>
        %add3A_33 = arith.addi %add3A_32, %iota3A : vector<16xi32>
        %mul3A_34 = arith.constant 16 : i32
        %mul3A_35 = arith.muli %sub3A_29, %mul3A_34 : i32
        %get3A = arith.index_cast %mul3A_35 : i32 to index
        %get3A_36 = tpu.vector_load %arg9[%get3A] {strides = array<i32>} : memref<4096xi32, #tpu.memory_space<vmem>>, vector<16xi32>,
        %shift_left3A = arith.constant 12 : i32
        %shift_left3A_37 = vector.broadcast %shift_left3A : i32 to vector<16xi32>
        %shift_left3A_38 = arith.shli %get3A_36, %shift_left3A_37 : vector<16xi32>
        %or3A = arith.ori %shift_left3A_38, %add3A_33 : vector<16xi32>
        %sort3A = arith.constant dense<true> : vector<16xi1>
        %sort3A_39, %sort3A_40, %sort3A_41 = tpu.sort %or3A, %or3A masked %sort3A : (vector<16xi32>, vector<16xi32>, vector<16xi1>) -> (vector<16xi1>, vector<16xi32>, vector<16xi32>)
        %swap3A = arith.constant 0 : index
        %swap3A_42 = tpu.vector_load %arg12[%swap3A] {strides = array<i32>} : memref<16xi32, #tpu.memory_space<vmem>>, vector<16xi32>,
        tpu.vector_store %arg12[%swap3A], %sort3A_40 {strides = array<i32>} : memref<16xi32, #tpu.memory_space<vmem>>, vector<16xi32>,
        %sub3A_43 = arith.constant 1 : i32
        %sub3A_44 = vector.broadcast %sub3A_43 : i32 to vector<16xi32>
        %sub3A_45 = arith.subi %iota3A, %sub3A_44 : vector<16xi32>
        %max3A = arith.constant 0 : i32
        %max3A_46 = vector.broadcast %max3A : i32 to vector<16xi32>
        %max3A_47 = arith.maxsi %sub3A_45, %max3A_46 : vector<16xi32>
        %gather3A = tpu.vector_load_idx %arg12[%max3A_47] : memref<16xi32, #tpu.memory_space<vmem>>[vector<16xi32>], vector<16xi32>,
        %eq3A_48 = arith.constant 0 : i32
        %eq3A_49 = vector.broadcast %eq3A_48 : i32 to vector<16xi32>
        %eq3A_50 = arith.cmpi eq, %iota3A, %eq3A_49 : vector<16xi32>
        %shift_right_arithmetic3A = arith.constant 12 : i32
        %shift_right_arithmetic3A_51 = vector.broadcast %shift_right_arithmetic3A : i32 to vector<16xi32>
        %shift_right_arithmetic3A_52 = arith.shrsi %sort3A_40, %shift_right_arithmetic3A_51 : vector<16xi32>
        %shift_right_arithmetic3A_53 = arith.constant 12 : i32
        %shift_right_arithmetic3A_54 = vector.broadcast %shift_right_arithmetic3A_53 : i32 to vector<16xi32>
        %shift_right_arithmetic3A_55 = arith.shrsi %gather3A, %shift_right_arithmetic3A_54 : vector<16xi32>
        %ne3A = arith.cmpi ne, %shift_right_arithmetic3A_52, %shift_right_arithmetic3A_55 : vector<16xi32>
        %or3A_56 = arith.ori %eq3A_50, %ne3A : vector<16xi1>
        %shift_right_arithmetic3A_57 = arith.constant 12 : i32
        %shift_right_arithmetic3A_58 = vector.broadcast %shift_right_arithmetic3A_57 : i32 to vector<16xi32>
        %shift_right_arithmetic3A_59 = arith.shrsi %sort3A_40, %shift_right_arithmetic3A_58 : vector<16xi32>
        %and3A = arith.constant 4095 : i32
        %and3A_60 = vector.broadcast %and3A : i32 to vector<16xi32>
        %and3A_61 = arith.andi %sort3A_40, %and3A_60 : vector<16xi32>
        tpu.vector_store_idx %arg6[%shift_right_arithmetic3A_59], %and3A_61 masked %or3A_56 : memref<65536xi32, #tpu.memory_space<vmem>>[vector<16xi32>], vector<16xi32>, vector<16xi1>
      }
      %scan3A_24 = arith.constant 256 : i32
      %parallel_loop3A_25 = arith.constant 0 : i32
      %parallel_loop3A_26 = arith.constant 256 : i32
      %parallel_loop3A_27 = arith.constant 1 : i32
      scf.for %parallel_loop3A_28 = %parallel_loop3A_25 to %parallel_loop3A_26 step %parallel_loop3A_27  : i32 {
        %parallel_loop3A_29 = arith.constant 16 : i32
        %parallel_loop3A_30 = arith.muli %parallel_loop3A_28, %parallel_loop3A_29 : i32
        %parallel_loop3A_31 = vector.broadcast %parallel_loop3A_30 : i32 to vector<16xi32>
        %parallel_loop3A_32 = arith.addi %parallel_loop3A_31, %iota3A : vector<16xi32>
        %parallel_loop3A_33 = arith.constant 16 : i32
        %parallel_loop3A_34 = arith.muli %parallel_loop3A_28, %parallel_loop3A_33 : i32
        %parallel_loop3A_35 = arith.index_cast %parallel_loop3A_34 : i32 to index
        %parallel_loop3A_36 = tpu.vector_load %arg9[%parallel_loop3A_35] {strides = array<i32>} : memref<4096xi32, #tpu.memory_space<vmem>>, vector<16xi32>,
        %parallel_loop3A_37 = tpu.vector_load_idx %arg6[%parallel_loop3A_36] : memref<65536xi32, #tpu.memory_space<vmem>>[vector<16xi32>], vector<16xi32>,
        %parallel_loop3A_38 = arith.cmpi eq, %parallel_loop3A_37, %parallel_loop3A_32 : vector<16xi32>
        %parallel_loop3A_39 = arith.constant 16 : i32
        %parallel_loop3A_40 = arith.muli %parallel_loop3A_28, %parallel_loop3A_39 : i32
        %parallel_loop3A_41 = arith.index_cast %parallel_loop3A_40 : i32 to index
        %parallel_loop3A_42 = tpu.vector_load %arg10[%parallel_loop3A_41] {strides = array<i32>} : memref<4096xi32, #tpu.memory_space<vmem>>, vector<16xi32>,
        %parallel_loop3A_43 = arith.constant 0 : i32
        %parallel_loop3A_44 = vector.broadcast %parallel_loop3A_43 : i32 to vector<16xi32>
        %parallel_loop3A_45 = arith.cmpi ne, %parallel_loop3A_42, %parallel_loop3A_44 : vector<16xi32>
        %parallel_loop3A_46 = arith.andi %parallel_loop3A_38, %parallel_loop3A_45 : vector<16xi1>
        %parallel_loop3A_47 = arith.constant 1.000000e+00 : f32
        %parallel_loop3A_48 = arith.constant 0.000000e+00 : f32
        %parallel_loop3A_49 = vector.broadcast %parallel_loop3A_47 : f32 to vector<16xf32>
        %parallel_loop3A_50 = vector.broadcast %parallel_loop3A_48 : f32 to vector<16xf32>
        %parallel_loop3A_51 = arith.select %parallel_loop3A_46, %parallel_loop3A_49, %parallel_loop3A_50 : vector<16xi1>, vector<16xf32>
        %parallel_loop3A_52 = arith.constant 16 : i32
        %parallel_loop3A_53 = arith.muli %parallel_loop3A_28, %parallel_loop3A_52 : i32
        %parallel_loop3A_54 = arith.index_cast %parallel_loop3A_53 : i32 to index
        %parallel_loop3A_55 = tpu.vector_load %arg11[%parallel_loop3A_54] {strides = array<i32>} : memref<4096xf32, #tpu.memory_space<vmem>>, vector<16xf32>,
        tpu.vector_store %arg11[%parallel_loop3A_54], %parallel_loop3A_51 {strides = array<i32>} : memref<4096xf32, #tpu.memory_space<vmem>>, vector<16xf32>,
      } {sc.loop_unroll_factor = 4 : i64, sc.parallel_access}
    } else {
    }
    "tpu.region"() ({
      %run_scoped3A = tpu.sem_alloc : memref<!tpu.dma_semaphore, #tpu.memory_space<semaphore_mem>>
      %dma_start3A = arith.constant 0 : i32
      %dma_start3A_20 = tpu.memref_slice %arg5[%add3A_4, %dma_start3A] : memref<32x4096xf32, #tpu.memory_space<hbm>> -> memref<1x4096xf32, #tpu.memory_space<hbm>>
      %dma_start3A_21 = tpu.memref_squeeze %dma_start3A_20 : memref<1x4096xf32, #tpu.memory_space<hbm>> -> memref<4096xf32, #tpu.memory_space<hbm>>
      %dma_start3A_22 = arith.constant 0 : i32
      %dma_start3A_23 = tpu.memref_slice %arg5[%add3A_4, %dma_start3A_22] : memref<32x4096xf32, #tpu.memory_space<hbm>> -> memref<1x4096xf32, #tpu.memory_space<hbm>>
      %dma_start3A_24 = tpu.memref_squeeze %dma_start3A_23 : memref<1x4096xf32, #tpu.memory_space<hbm>> -> memref<4096xf32, #tpu.memory_space<hbm>>
      tpu.enqueue_dma source(%arg11 : memref<4096xf32, #tpu.memory_space<vmem>>) target(%dma_start3A_24 : memref<4096xf32, #tpu.memory_space<hbm>>) target_semaphore(%run_scoped3A : memref<!tpu.dma_semaphore, #tpu.memory_space<semaphore_mem>>)
      %dma_wait3A = arith.constant 0 : i32
      %dma_wait3A_25 = tpu.memref_slice %arg5[%add3A_4, %dma_wait3A] : memref<32x4096xf32, #tpu.memory_space<hbm>> -> memref<1x4096xf32, #tpu.memory_space<hbm>>
      %dma_wait3A_26 = tpu.memref_squeeze %dma_wait3A_25 : memref<1x4096xf32, #tpu.memory_space<hbm>> -> memref<4096xf32, #tpu.memory_space<hbm>>
      %dma_wait3A_27 = arith.constant 0 : i32
      %dma_wait3A_28 = tpu.memref_slice %arg5[%add3A_4, %dma_wait3A_27] : memref<32x4096xf32, #tpu.memory_space<hbm>> -> memref<1x4096xf32, #tpu.memory_space<hbm>>
      %dma_wait3A_29 = tpu.memref_squeeze %dma_wait3A_28 : memref<1x4096xf32, #tpu.memory_space<hbm>> -> memref<4096xf32, #tpu.memory_space<hbm>>
      tpu.wait_dma2 semaphore(%run_scoped3A : memref<!tpu.dma_semaphore, #tpu.memory_space<semaphore_mem>>) src(%arg11 : memref<4096xf32, #tpu.memory_space<vmem>>) dst(%dma_wait3A_29 : memref<4096xf32, #tpu.memory_space<hbm>>)
      tpu.yield
    }) : () -> ()
    return
  }
}

</mosaic_0001>

<sc_bundles>
// kernel: kernel.4.cloned.1.call-start
scs
__scs_entry_jumppad:
0x0: {  	(pc) =	sbr.rel $0x88, $3  }
0x1: {  	(tag) =	ssettag $0x0;
	lr =	simm.s32 $0x1  }
0x2: {  	[smem:$0x3F9E] =	sst lr;
	_ =	strace $0xD0000000  }
0x3: {  	_ = 	snop  }
0x4: {  	_ = 	snop  }
0x5: {  	_ = 	snop  }
0x6: {  	_ = 	snop  }
0x7: {  	_ = 	snop  }
__scs_overlays_trampoline_lowered:
0x8: {  	[smem:$0x3FAD] =	sst s0  }
0x9: {  	[smem:$0x3FAE] =	sst s1  }
0xa: {  	[smem:$0x3FAF] =	sst s2  }
0xb: {  	[smem:$0x3FB0] =	sst s3  }
0xc: {  	[smem:$0x3FB1] =	sst s4  }
0xd: {  	[smem:$0x3FB2] =	sst s5  }
0xe: {  	[smem:$0x3FB3] =	sst s6  }
0xf: {  	[smem:$0x3FB4] =	sst s7  }
0x10: {  	[smem:$0x3FB5] =	sst s8  }
0x11: {  	[smem:$0x3FB6] =	sst s9;
	s0 =	simm.s32 @!p0 $0x0  }
0x12: {  	s1 =	sld [smem:$0x3F9C];
	s0 =	simm.s32 @p0 $0x1  }
0x13: {  	[smem:$0x3FB7] =	sst s0;
	s0 =	simm.s32 @!p1 $0x0  }
0x14: {  	s2 =	sld [smem:$0x3F9B];
	s0 =	simm.s32 @p1 $0x1  }
0x15: {  	[smem:$0x3FB8] =	sst s0;
	s0 =	simm.s32 @!p2 $0x0  }
0x16: {  	s3 =	sld [smem:$0x3FDB];
	s0 =	simm.s32 @p2 $0x1  }
0x17: {  	s4 =	simm.s32 $0x1BF5;
	[smem:$0x3FBA] =	sst s0  }
0x18: {  	s0 =	sld [smem:$0x3F9D];
	_ =	swait.ge [sflag:s4], $0x0  }
0x19: {  	s7 =	sld [smem:$0x3F9E]  }
0x1a: {  	s8 =	sadd.s32 $0xFFFFE003, lr  }
0x1b: {  	s9 =	sadd.s32 $0xFFFFFEF7, lr;
	s5 =	simm.s32 $0xFFFFFFFF;
	p2 =	slt.u32 s8, $0xFFFFF086  }
0x1c: {  	p1 =	slt.u32 s9, $0xF7A;
	s5 =	simm.s32 @!p2 $0x0  }
0x1d: {  	s5 =	simm.s32 @p1 $0x1;
	p0 =	seq.s32 s7, s2  }
0x1e: {  	s7 =	smul.u32 @!p0 $0xF7A, s2;
	p2 =	seq.s32 @!p0 s5, $0x0  }
0x1f: {  	s9 =	smul.u32 $0xF7A, s1;
	s8 =	simm.s32 @!p0 $0x1BF5;
	p2 =	por !p2, p0  }
0x20: {  	[sflag:s8] =	ssyncset.s32 @!p0 $0xFFFFF086;
	s6 =	sadd.s32 @!p0 s3, s7;
	s7 =	simm.s32 @!p0 $0x108  }
0x21: {  	s3 =	sadd.s32 s3, s9;
	s6 =	sadd.s32 @!p0 $0x88, s6;
	s7 =	simm.s32 @p2 $0x1082  }
0x22: {  	[simem:s7], [sflag:s8] =	dma.local @!p0 [hbm:s6], $0xF7A  }
0x23: {  	s9 =	sor.u32 $0xD0000000, s2;
	s6 =	simm.s32 $0x108;
	_ =	swait.ge @!p0 [sflag:s8], $0x0  }
0x24: {  	s3 =	sadd.s32 $0x88, s3;
	s6 =	simm.s32 @!p1 $0x1082;
	[sflag:s4] =	ssyncset.s32 $0xFFFFF086  }
0x25: {  	[simem:s6], [sflag:s4] =	dma.local [hbm:s3], $0xF7A  }
0x26: {  	[smem:$0x3F9E] =	sst s1;
	(tag) =	ssettag s2;
	_ =	strace s9  }
0x27: {  	s1 =	sld [smem:$0x3FAE]  }
0x28: {  	s2 =	sld [smem:$0x3FAF]  }
0x29: {  	s4 =	sld [smem:$0x3FB1]  }
0x2a: {  	p0 =	seq.s32 s5, $0x0;
	s5 =	sld [smem:$0x3FB2]  }
0x2b: {  	s6 =	sld [smem:$0x3FB3]  }
0x2c: {  	s7 =	sld [smem:$0x3FB4]  }
0x2d: {  	s3 =	simm.s32 $0x108;
	s8 =	sld [smem:$0x3FB5]  }
0x2e: {  	s3 =	simm.s32 @!p0 $0x1082;
	s9 =	sld [smem:$0x3FB6]  }
0x2f: {  	lr =	sadd.s32 s0, s3;
	s0 =	sld [smem:$0x3FAD]  }
0x30: {  	s3 =	sld [smem:$0x3FB0]  }
0x31: {  	[smem:$0x3FB9] =	sst s10  }
0x32: {  	s10 =	sld [smem:$0x3FB7];
	_ =	sdelay $0x3  }
0x33: {  	p0 =	seq.s32 s10, $0x1;
	s10 =	sld [smem:$0x3FB9];
	_ =	sdelay $0x3  }
0x34: {  	[smem:$0x3FB9] =	sst s10  }
0x35: {  	s10 =	sld [smem:$0x3FB8];
	_ =	sdelay $0x3  }
0x36: {  	p1 =	seq.s32 s10, $0x1;
	s10 =	sld [smem:$0x3FB9];
	_ =	sdelay $0x3  }
0x37: {  	[smem:$0x3FB9] =	sst s10  }
0x38: {  	s10 =	sld [smem:$0x3FBA]  }
0x39: {  	_ = 	snop;
	(pc) =	sbr.ind lr, $3  }
0x3a: {  	_ = 	snop  }
0x3b: {  	_ = 	snop  }
0x3c: {  	p2 =	seq.s32 s10, $0x1;
	s10 =	sld [smem:$0x3FB9]  }
0x3d: {  	_ =	shalt  }
0x3e: {  	_ =	shalt  }
0x3f: {  	_ =	shalt  }
0x40: {  	_ =	shalt  }
0x41: {  	_ =	shalt  }
0x42: {  	_ =	shalt  }
0x43: {  	_ =	shalt  }
0x44: {  	_ =	shalt  }
0x45: {  	_ =	shalt  }
0x46: {  	_ =	shalt  }
0x47: {  	_ =	shalt  }
0x48: {  	_ =	shalt  }
0x49: {  	_ =	shalt  }
0x4a: {  	_ =	shalt  }
0x4b: {  	_ =	shalt  }
0x4c: {  	_ =	shalt  }
0x4d: {  	_ =	shalt  }
0x4e: {  	_ =	shalt  }
0x4f: {  	_ =	shalt  }
0x50: {  	_ =	shalt  }
0x51: {  	_ =	shalt  }
0x52: {  	_ =	shalt  }
0x53: {  	_ =	shalt  }
0x54: {  	_ =	shalt  }
0x55: {  	_ =	shalt  }
0x56: {  	_ =	shalt  }
0x57: {  	_ =	shalt  }
0x58: {  	_ =	shalt  }
0x59: {  	_ =	shalt  }
0x5a: {  	_ =	shalt  }
0x5b: {  	_ =	shalt  }
0x5c: {  	_ =	shalt  }
0x5d: {  	_ =	shalt  }
0x5e: {  	_ =	shalt  }
0x5f: {  	_ =	shalt  }
0x60: {  	_ =	shalt  }
0x61: {  	_ =	shalt  }
0x62: {  	_ =	shalt  }
0x63: {  	_ =	shalt  }
0x64: {  	_ =	shalt  }
0x65: {  	_ =	shalt  }
0x66: {  	_ =	shalt  }
0x67: {  	_ =	shalt  }
0x68: {  	_ =	shalt  }
0x69: {  	_ =	shalt  }
0x6a: {  	_ =	shalt  }
0x6b: {  	_ =	shalt  }
0x6c: {  	_ =	shalt  }
0x6d: {  	_ =	shalt  }
0x6e: {  	_ =	shalt  }
0x6f: {  	_ =	shalt  }
0x70: {  	_ =	shalt  }
0x71: {  	_ =	shalt  }
0x72: {  	_ =	shalt  }
0x73: {  	_ =	shalt  }
0x74: {  	_ =	shalt  }
0x75: {  	_ =	shalt  }
0x76: {  	_ =	shalt  }
0x77: {  	_ =	shalt  }
0x78: {  	_ =	shalt  }
0x79: {  	_ =	shalt  }
0x7a: {  	_ =	shalt  }
0x7b: {  	_ =	shalt  }
0x7c: {  	_ =	shalt  }
0x7d: {  	_ =	shalt  }
0x7e: {  	_ =	shalt  }
0x7f: {  	_ =	shalt  }
0x80: {  	_ =	shalt  }
0x81: {  	_ =	shalt  }
0x82: {  	_ =	shalt  }
0x83: {  	_ =	shalt  }
0x84: {  	_ =	shalt  }
0x85: {  	_ =	shalt  }
0x86: {  	_ =	shalt  }
0x87: {  	_ =	shalt  }
.Lfunc_end0:
.L_simem_size_0:
called_computation_lowered:
.L_overlay_start_0:
0x88: {  	s2 =	sld [smem:$0x3FD9]  }
0x89: {  	s3 =	sld [smem:$0x3FFE];
	_ =	sdelay $0x1  }
0x8a: {  	s1 =	srdreg.scid  }
0x8b: {  	s0 =	sand.u32 $0x1, s1  }
0x8c: {  	s17 =	sshll.u32 s0, $0xA;
	s2 =	sadd.s32 s3, s2  }
0x8d: {  	s2 =	sadd.s32 s2, s17  }
0x8e: {  	[smem:$0x3FC5] =	sst s2  }
0x8f: {  	_ = 	snop  }
0x90: {  	s18 =	sld [smem:$0x3FD0];
	(tm) =	ssettm $0x1  }
0x91: {  	s19 =	sld [smem:$0x3FFB];
	_ =	sdelay $0x3  }
0x92: {  	_ =	strace s19  }
0x93: {  	s2 =	sld [smem:$0x3FFC];
	_ =	sdelay $0x3  }
0x94: {  	_ =	strace s2  }
0x95: {  	s2 =	sld [smem:$0x3FFD];
	_ =	sdelay $0x3  }
0x96: {  	_ =	strace s2  }
0x97: {  	_ =	strace $0x8FFFFFFF  }
0x98: {  	s20 =	sld [smem:$0x3FDB];
	_ =	sdelay $0x1  }
0x99: {  	s4 =	simm.s32 $_scs_section_size  }
0x9a: {  	s5 =	simm.s32 $_size__tile_overlayer_lowered;
	s6 =	simm.s32 $_tile_overlayer_lowered  }
0x9b: {  	s7 =	simm.s32 $0x1BFF;
	s21 =	sshll.u32 s6, $0x1;
	s4 =	sadd.s32 s4, s20  }
0x9c: {  	s22 =	simm.s32 $0x0;
	s5 =	sshll.u32 s5, $0x1;
	s6 =	sadd.s32 s21, s4  }
0x9d: {  	[timem:s22], [sflag:s7] =	dma.local [hbm:s6], s5  }
0x9e: {  	_ =	swait.ge [sflag:s7], s5  }
0x9f: {  	s5 =	ssub.s32 $0x0, s5;
	[sflag:s7] =	ssyncset.done $0x0  }
0xa0: {  	[sflag:s7] =	ssyncadd.s32 s5;
	_ =	sdelay $0x1  }
0xa1: {  	s23 =	simm.s32 $0x1B8B  }
0xa2: {  	_ =	swait.ge [sflag:s23], $0x1  }
0xa3: {  	[sflag:s23] =	ssyncset.done $0x0  }
0xa4: {  	[sflag:s23] =	ssyncadd.s32 $0xFFFFFFFF  }
0xa5: {  	s5 =	sld [smem:$0x0]  }
0xa6: {  	s6 =	sand.u32 $0xFFFFFFFE, s1  }
0xa7: {  	p0 =	sne.s32 s1, s6  }
0xa8: {  	s6 =	sshll.u32 @p0 s6, $0xE  }
0xa9: {  	s6 =	sadd.s32 @p0 $0x11B8D, s6;
	s7 =	sshll.u32 @p0 s5, $0x11  }
0xaa: {  	s6 =	sor.u32 @p0 s7, s6  }
0xab: {  	[sflag:s6] =	ssyncadd.remote.s32 @p0 $0x1;
	_ =	sdelay $0x1  }
0xac: {  	s6 =	simm.s32 @p0 $0x1B8D  }
0xad: {  	_ =	swait.eq @p0 [sflag:s6], $0x1  }
0xae: {  	[sflag:s6] =	ssyncadd.s32 @p0 $0xFFFFFFFF  }
0xaf: {  	s7 =	sshll.u32 @!p0 s1, $0xE  }
0xb0: {  	s7 =	sor.u32 @!p0 $0x4000, s7;
	s6 =	simm.s32 @!p0 $0x1B8D  }
0xb1: {  	s5 =	sshll.u32 @!p0 s5, $0x11;
	s7 =	sadd.s32 @!p0 $0x11B8D, s7;
	_ =	swait.eq @!p0 [sflag:s6], $0x1  }
0xb2: {  	s5 =	sor.u32 @!p0 s5, s7;
	[sflag:s6] =	ssyncadd.s32 @!p0 $0xFFFFFFFF  }
0xb3: {  	s25 =	simm.s32 $0x1B8E;
	s24 =	sld [smem:$0x3FFE];
	[sflag:s5] =	ssyncadd.remote.s32 @!p0 $0x1  }
0xb4: {  	s26 =	simm.s32 $execute0_lowered;
	[smem:$0x3FD2] =	sst s25  }
0xb5: {  	s6 =	sshll.u32 s26, $0x1;
	_ =	strace $0x80000049;
	[dreg:$0x1] =	wrdreg $0xFFFFFFFF  }
0xb6: {  	s28 =	simm.s32 $_size_execute0_lowered;
	s4 =	sadd.s32 s4, s6;
	[dreg:$0x0] =	wrdreg $0x0  }
0xb7: {  	s6 =	sshll.u32 s28, $0x1;
	[dreg:$0x2] =	wrdreg s4  }
0xb8: {  	[dreg:$0x3] =	wrdreg s6  }
0xb9: {  	[dreg:$0x4] =	wrdreg $0xC0  }
0xba: {  	_ =	task [dreg:s22], $0x5FFFF  }
0xbb: {  	[dreg:$0x1] =	wrdreg $0xFFFFFFFF  }
0xbc: {  	[dreg:$0x0] =	wrdreg $0x60  }
0xbd: {  	[dreg:$0x2] =	wrdreg s24  }
0xbe: {  	[dreg:$0x3] =	wrdreg s18  }
0xbf: {  	[dreg:$0x4] =	wrdreg $0x9  }
0xc0: {  	_ =	task.clear_ibuf [dreg:s22], $0x5FFFF;
	_ =	strace $0x90000049  }
0xc1: {  	s29 =	simm.s32 $0x9;
	_ =	strace $0x8000004B  }
0xc2: {  	_ =	swait.ge [sflag:s29], $0x1  }
0xc3: {  	[sflag:s29] =	ssyncadd.s32 $0xFFFFFFFF  }
0xc4: {  	_ =	strace $0x9000004B  }
0xc5: {  	_ =	sfence  }
0xc6: {  	s30 =	sld [smem:$0x0];
	_ =	sdelay $0x2  }
0xc7: {  	s31 =	sshll.u32 s1, $0xD;
	s1 =	sshrl.u32 s1, $0x2  }
0xc8: {  	s4 =	sand.u32 $0x4000, s31;
	s1 =	sadd.s32 s1, s30  }
0xc9: {  	s0 =	sor.u32 s4, s0;
	s1 =	sshll.u32 s1, $0x11  }
0xca: {  	s0 =	sor.u32 s1, s0  }
0xcb: {  	s0 =	sadd.s32 $0x8F2B, s0  }
0xcc: {  	[sflag:s0] =	ssyncadd.remote.s32 $0x1  }
0xcd: {  	_ =	sfence.sel $0xFFFF  }
0xce: {  	[dreg:$0x0] =	wrdreg $0xFFFFFFFF;
	(pc) =	sbr.abs _section_cstart, $3  }
0xcf: {  	[dreg:$0x1] =	wrdreg $0xFFFFFFFF  }
0xd0: {  	_ =	task.clear_ibuf [dreg:s22], $0x2FFFF;
	_ =	strace $0x9FFFFFFF  }
0xd1: {  	(tm) =	ssettm $0x7FFFFFFF  }
tec
execute0_lowered:
.L_overlay_start_1:
0x0: {  	(tag) =	ssettag $0x1  }
0x1: {  	s0 =	rddreg [dreg:$0x0]  }
0x2: {  	s1 =	rddreg [dreg:$0x1];
	s2 =	srdreg.scid  }
0x3: {  	s4 =	stileid.u32;
	s10 =	simm.s32 $0x10000;
	s3 =	sand.u32 $0x1, s2  }
0x4: {  	s26 =	sshll.u32 s4, $0x5;
	s4 =	sshll.u32 s4, $0xA;
	s2 =	simm.s32 $0x0  }
0x5: {  	s5 =	sshll.u32 s3, $0x4;
	s6 =	sand.u32 $0x60, s26;
	s4 =	sand.u32 $0x3000, s4  }
0x6: {  	[smem:$0x7FF] =	sst s2;
	s3 =	ssub.s32 $0x2, s3;
	s5 =	sor.u32 s5, s6  }
0x7: {  	v0 =	vimm.s32 $0xEDCBA987;
	_ =	strace $0x8000004A;
	s28 =	sshrl.u32 s3, $0x1;
	s4 =	sor.u32 s4, s5  }
0x8: {  	v1 =	vimm.s32 $0x65432100;
	v0 =	vunpack.c.l.s4.s8 v0;
	s3 =	ssub.s32 s3, s28;
	s0 =	sadd.s32 s4, s0;
	s1 =	sadd.s32 s1, s4  }
.Ltmp0:
0x9: {  	v1 =	vunpack.c.l.s4.s8 v1;
	s31 =	smax.u32 s3, $0x1;
	[dreg:$0x4] =	wrdreg s1;
	(pc) =	sbr.rel .LBB2_1-.Ltmp0, $4  }
0xa: {  	s9 =	simm.s32 $0x1;
	v3 =	vunpack.c.0.s8.s32 v0;
	s29 =	sadd.s32 $0x16200, s0;
	[dreg:$0x7] =	wrdreg s31  }
0xb: {  	s12 =	simm.s32 $0x11000;
	v2 =	vimm.f32 $1.000000000e+00;
	v4 =	vunpack.c.0.s8.s32 v1;
	s30 =	sadd.s32 $0x6200, s0;
	[dreg:$0x3] =	wrdreg s29  }
0xc: {  	vm0 =	vmmov $0x1;
	v0 =	vlaneseq.u32;
	s5 =	simm.s32 $0x0;
	v3 =	vand.u32 $0xF, v3;
	s0 =	sadd.s32 $0x1A200, s0;
	[dreg:$0x5] =	wrdreg s30  }
0xd: {  	v1 =	vimm.s32 $0x0;
	s3 =	simm.s32 $0x400;
	s1 =	simm.s32 $0x80;
	v3 =	vcombine.low v4, v3;
	v4 =	vimm.f32 $0.0e+00;
	[dreg:$0x6] =	wrdreg s0  }
.LBB2_22:
0xe: {  	s0 =	rddreg [dreg:$0x6]  }
0xf: {  	s1 =	simm.s32 $0x80;
	s3 =	simm.s32 $0x400;
	s4 =	simm.s32 $0x14000  }
0x10: {  	[hbm4b:s0+s1] =	stream.strided.scatter [tilespmem:s4], [sflag:$0x1], $0x1000, s3, s1, $0x38;
	[tilespmem:$0x15080] =	vst v63  }
0x11: {  	_ =	swait.ge [sflag:s9], $0x1000  }
0x12: {  	s5 =	sadd.s32 $0x1, s5;
	s31 =	rddreg [dreg:$0x7]  }
0x13: {  	p0 =	sne.s32 s5, s31  }
.Ltmp1:
0x14: {  	_ = 	snop;
	(pc) =	sbr.rel @!p0 .LBB2_23-.Ltmp1, $3  }
0x15: {  	_ =	sdelay $0x1  }
0x16: {  	[sflag:s9] =	ssyncset.done $0x0  }
0x17: {  	[sflag:s9] =	ssyncadd.s32 $0xFFFFF000  }
.LBB2_1:
0x18: {  	[dreg:$0x8] =	wrdreg s5  }
0x19: {  	s0 =	rddreg [dreg:$0x3]  }
0x1a: {  	[tilespmem:s10], [sflag:$0x1] =	stream.strided.gather [hbm4b:s0+s1], $0x1000, s3, s1, $0x38;
	[tilespmem:$0x15080] =	vst v63  }
0x1b: {  	_ =	swait.ge [sflag:s9], $0x1000  }
0x1c: {  	[sflag:s9] =	ssyncset.done $0x0  }
0x1d: {  	s28 =	rddreg [dreg:$0x4];
	[sflag:s9] =	ssyncadd.s32 $0xFFFFF000  }
0x1e: {  	[tilespmem:s12], [sflag:$0x1] =	stream.strided.gather [hbm4b:s28+s1], $0x1000, s3, s1, $0x38;
	[tilespmem:$0x15080] =	vst v63  }
0x1f: {  	_ =	swait.ge [sflag:s9], $0x1000  }
0x20: {  	[sflag:s9] =	ssyncset.done $0x0  }
0x21: {  	s4 =	simm.s32 $0x13000;
	s29 =	rddreg [dreg:$0x5];
	[sflag:s9] =	ssyncadd.s32 $0xFFFFF000  }
0x22: {  	[tilespmem:s4], [sflag:$0x1] =	stream.strided.gather [hbm4b:s29+s1], $0x1000, s3, s1, $0x38;
	[tilespmem:$0x15080] =	vst v63  }
0x23: {  	_ =	swait.ge [sflag:s9], $0x1000  }
0x24: {  	[sflag:s9] =	ssyncset.done $0x0  }
0x25: {  	s1 =	simm.s32 $0x10020;
	[sflag:s9] =	ssyncadd.s32 $0xFFFFF000  }
0x26: {  	v5 =	vld [tilespmem:s1+$0x10];
	_ =	sdelay $0x1  }
0x27: {  	v7 =	vld [tilespmem:s1+$0x0]  }
0x28: {  	v6 =	vld [tilespmem:s1+$0xFFFFFFF0]  }
0x29: {  	s0 =	simm.s32 $0x10060;
	v8 =	vld [tilespmem:s1+$0xFFFFFFE0]  }
0x2a: {  	v13 =	vld [tilespmem:s0+$0x10];
	v12 =	vand.u32 $0xFFFF, v5;
	_ =	sdelay $0x1  }
0x2b: {  	v11 =	vld [tilespmem:s0+$0x0];
	v10 =	vand.u32 $0xFFFF, v7  }
0x2c: {  	s30 =	simm.s32 $0x30;
	s31 =	simm.s32 $0x20;
	v5 =	vld [tilespmem:s0+$0xFFFFFFF0];
	v6 =	vand.u32 $0xFFFF, v6  }
0x2d: {  	s5 =	simm.s32 $0x100A0;
	s8 =	simm.s32 $0x10;
	s17 =	simm.s32 $0x0;
	v14 =	vor.u32 s30, v0;
	v9 =	vld [tilespmem:s0+$0xFFFFFFE0];
	v7 =	vand.u32 $0xFFFF, v8  }
0x2e: {  	s6 =	simm.s32 $0x0;
	s7 =	simm.s32 $0x0;
	s4 =	simm.s32 $0x4;
	v8 =	vand.u32 $0xFFFF, v13;
	[tilespmem:v12+s2+$0x0] =	vst.idx.msk $0xffff, v14;
	v12 =	vor.u32 s31, v0  }
.LBB2_2:
0x2f: {  	s4 =	sadd.s32 $0x4, s4  }
0x30: {  	v13 =	vld [tilespmem:s5+$0x10];
	v14 =	vor.u32 s8, v0;
	[tilespmem:v10+s17+$0x0] =	vst.idx.msk $0xffff, v12;
	s6 =	sadd.s32 $0x40, s6;
	s3 =	simm.s32 $0x11020;
	p0 =	slt.u32 s4, $0xFC  }
.Ltmp2:
0x31: {  	v12 =	vor.u32 s7, v0;
	v10 =	vand.u32 $0xFFFF, v11;
	[tilespmem:v6+s17+$0x0] =	vst.idx.msk $0xffff, v14;
	v6 =	vand.u32 $0xFFFF, v5;
	v5 =	vld [tilespmem:s5+$0xFFFFFFF0];
	s7 =	smov.u32 s6;
	(pc) =	sbr.rel @p0 .LBB2_2-.Ltmp2, $4  }
0x32: {  	s8 =	sadd.s32 $0x30, s6;
	v11 =	vld [tilespmem:s5+$0x0];
	[tilespmem:v7+s17+$0x0] =	vst.idx.msk $0xffff, v12;
	v7 =	vand.u32 $0xFFFF, v9  }
0x33: {  	s17 =	simm.s32 $0x0;
	v12 =	vor.u32 s8, v0;
	v9 =	vld [tilespmem:s5+$0xFFFFFFE0]  }
0x34: {  	s9 =	sadd.s32 $0x20, s6;
	[tilespmem:v8+s17+$0x0] =	vst.idx.msk $0xffff, v12  }
0x35: {  	s8 =	sadd.s32 $0x10, s6;
	s5 =	sadd.s32 $0x40, s5;
	v12 =	vor.u32 s9, v0;
	v8 =	vand.u32 $0xFFFF, v13  }
0x36: {  	_ =	sdelay $0x2  }
0x37: {  	v5 =	vand.u32 $0xFFFF, v5  }
0x38: {  	v13 =	vor.u32 s8, v0;
	[tilespmem:v10+s17+$0x0] =	vst.idx.msk $0xffff, v12;
	s4 =	sadd.s32 $0x40, s6;
	v11 =	vand.u32 $0xFFFF, v11  }
0x39: {  	v10 =	vor.u32 s7, v0;
	[tilespmem:v6+s17+$0x0] =	vst.idx.msk $0xffff, v13;
	s5 =	sadd.s32 $0x30, s4;
	v6 =	vand.u32 $0xFFFF, v9  }
0x3a: {  	[tilespmem:v7+s17+$0x0] =	vst.idx.msk $0xffff, v10;
	s6 =	sadd.s32 $0x10, s4;
	v7 =	vor.u32 s5, v0  }
0x3b: {  	s21 =	sadd.s32 $0x20, s4;
	[tilespmem:v8+s17+$0x0] =	vst.idx.msk $0xffff, v7;
	v8 =	vor.u32 s6, v0  }
0x3c: {  	v7 =	vor.u32 s21, v0;
	[tilespmem:v5+s17+$0x0] =	vst.idx.msk $0xffff, v8  }
0x3d: {  	[tilespmem:v11+s17+$0x0] =	vst.idx.msk $0xffff, v7;
	v7 =	vor.u32 s4, v0  }
0x3e: {  	[tilespmem:v6+s17+$0x0] =	vst.idx.msk $0xffff, v7  }
0x3f: {  	v5 =	vld [tilespmem:s1+$0x10];
	_ =	sdelay $0x1  }
0x40: {  	v6 =	vld [tilespmem:s1+$0x0]  }
0x41: {  	v7 =	vld [tilespmem:s1+$0xFFFFFFF0]  }
0x42: {  	v8 =	vld [tilespmem:s1+$0xFFFFFFE0]  }
0x43: {  	v11 =	vld [tilespmem:s3+$0x10];
	v9 =	vand.u32 $0xFFFF, v5  }
0x44: {  	v12 =	vld [tilespmem:s3+$0x0]  }
0x45: {  	v13 =	vld [tilespmem:s3+$0xFFFFFFF0];
	v10 =	vand.u32 $0xFFFF, v6  }
0x46: {  	v16 =	vld [tilespmem:s3+$0xFFFFFFE0]  }
0x47: {  	v14 =	vld [tilespmem:s0+$0x10];
	v15 =	vand.u32 $0xFFFF, v7  }
0x48: {  	v9 =	vld.idx.msk [tilespmem:v9+s2+$0x0], $0xffff  }
0x49: {  	v17 =	vld [tilespmem:s0+$0xFFFFFFF0];
	v18 =	vand.u32 $0xFFFF, v8  }
0x4a: {  	s26 =	simm.s32 $0x11060;
	v19 =	vld.idx.msk [tilespmem:v10+s2+$0x0], $0xffff  }
0x4b: {  	v50 =	vld [tilespmem:s26+$0x10]  }
0x4c: {  	v20 =	vld.idx.msk [tilespmem:v15+s2+$0x0], $0xffff  }
0x4d: {  	v10 =	vld [tilespmem:s0+$0x0]  }
0x4e: {  	s22 =	simm.s32 $0x12020;
	v18 =	vld.idx.msk [tilespmem:v18+s2+$0x0], $0xffff  }
0x4f: {  	v15 =	vld [tilespmem:s0+$0xFFFFFFE0];
	[tilespmem:s22+$0x10] =	vst v9  }
0x50: {  	v21 =	vld.idx.msk [tilespmem:v9+s10+$0x0], $0xffff  }
0x51: {  	s23 =	simm.s32 $0x30;
	s24 =	simm.s32 $0x20;
	[tilespmem:s22+$0x0] =	vst v19;
	v22 =	vld.idx.msk [tilespmem:v9+s12+$0x0], $0xffff  }
0x52: {  	v24 =	vor.u32 s17, v0;
	s25 =	simm.s32 $0x10;
	v26 =	vor.u32 s23, v0;
	v27 =	vor.u32 s24, v0;
	v23 =	vld.idx.msk [tilespmem:v19+s10+$0x0], $0xffff  }
0x53: {  	v30 =	vor.u32 s25, v0;
	v28 =	vand.u32 $0xFFFF, v14;
	v31 =	vand.u32 $0xFFFF, v17;
	[tilespmem:s22+$0xFFFFFFF0] =	vst v20;
	v25 =	vld.idx.msk [tilespmem:v19+s12+$0x0], $0xffff  }
0x54: {  	v32 =	vand.u32 $0xFFFF, v10;
	v34 =	vand.u32 $0xFFFF, v15;
	vm1 =	vne.s32 v19, v27;
	v29 =	vld.idx.msk [tilespmem:v20+s10+$0x0], $0xffff  }
0x55: {  	[tilespmem:s22+$0xFFFFFFE0] =	vst v18;
	vm2 =	vne.s32 v9, v26;
	vm4 =	vne.s32 v20, v30;
	v51 =	vsel vm1, $0x1, v1;
	v33 =	vld.idx.msk [tilespmem:v20+s12+$0x0], $0xffff  }
0x56: {  	vm3 =	vne.s32 v18, v24;
	v26 =	vor.u32 $0x80000000, v51;
	v35 =	vld.idx.msk [tilespmem:v18+s10+$0x0], $0xffff;
	v20 =	vsel vm4, $0x1, v1  }
0x57: {  	v19 =	vld.idx.msk [tilespmem:v18+s12+$0x0], $0xffff;
	v9 =	vsel vm2, $0x1, v1;
	v18 =	vsel vm3, $0x1, v1;
	v20 =	vor.u32 $0x80000000, v20  }
0x58: {  	v52 =	vld [tilespmem:s26+$0x0];
	v53 =	vor.u32 $0x80000000, v9;
	v18 =	vor.u32 $0x80000000, v18;
	vm1 =	vne.s32 v21, v5  }
0x59: {  	v36 =	vld [tilespmem:s26+$0xFFFFFFF0];
	vm2 =	vne.s32 v22, v11;
	vm3 =	vne.s32 v29, v7;
	vm4 =	vne.s32 v23, v6  }
0x5a: {  	v9 =	vld [tilespmem:s26+$0xFFFFFFE0];
	(xrf0) =	vmax.scan.msk.u32 $0xffff, v53;
	vm5 =	vne.s32 v25, v12;
	vm7 =	vne.s32 v33, v13;
	vm1 =	vmor vm1, vm2  }
0x5b: {  	s28 =	simm.s32 $0x100A0;
	(xrf0) =	vmax.scan.msk.u32 $0xffff, v26;
	v11 =	vld.idx.msk [tilespmem:v28+s2+$0x0], $0xffff;
	vm6 =	vne.s32 v35, v8;
	v6 =	vsel vm1, $0x1, v1;
	vm1 =	vmor vm3, vm7  }
0x5c: {  	(xrf0) =	vmax.scan.msk.u32 $0xffff, v20;
	v5 =	vld [tilespmem:s28+$0x10];
	vm2 =	vne.s32 v19, v16;
	vm4 =	vmor vm4, vm5;
	v13 =	vsel vm1, $0x1, v1  }
0x5d: {  	v12 =	vld.idx.msk [tilespmem:v32+s2+$0x0], $0xffff;
	(xrf0) =	vmax.scan.msk.u32 $0xffff, v18;
	v7 =	vsel vm4, $0x1, v1;
	v8 =	vor.u32 $0x80000000, v6;
	v13 =	vor.u32 $0x80000000, v13  }
0x5e: {  	v21 =	vld.idx.msk [tilespmem:v31+s2+$0x0], $0xffff;
	vm2 =	vmor vm6, vm2;
	v7 =	vor.u32 $0x80000000, v7;
	(xrf0) =	vmax.scan.msk.u32 $0xffff, v8  }
0x5f: {  	v22 =	vld.idx.msk [tilespmem:v34+s2+$0x0], $0xffff;
	v8 =	vsel vm2, $0x1, v1;
	(xrf0) =	vmax.scan.msk.u32 $0xffff, v7  }
0x60: {  	v6 =	vld [tilespmem:s28+$0x0];
	v8 =	vor.u32 $0x80000000, v8;
	(xrf0) =	vmax.scan.msk.u32 $0xffff, v13;
	v13, _, _ =	vpop (xrf0)  }
0x61: {  	s19 =	simm.s32 $0x12060;
	v7 =	vld [tilespmem:s28+$0xFFFFFFF0];
	(xrf0) =	vmax.scan.msk.u32 $0xffff, v8;
	v16, _, _ =	vpop (xrf0);
	(v2sf) =	vpush v13, $0xF  }
0x62: {  	[tilespmem:s19+$0x10] =	vst v11;
	v8 =	vld [tilespmem:s28+$0xFFFFFFE0];
	v13, _, _ =	vpop (xrf0);
	(v2sf) =	vpush v16, $0xF  }
0x63: {  	v23 =	vld.idx.msk [tilespmem:v11+s10+$0x0], $0xffff;
	v16, _, _ =	vpop (xrf0);
	(v2sf) =	vpush v13, $0xF  }
0x64: {  	s20 =	simm.s32 $0x40;
	[tilespmem:s19+$0x0] =	vst v12;
	v54 =	vld.idx.msk [tilespmem:v11+s12+$0x0], $0xffff;
	(v2sf) =	vpush v16, $0xF;
	v13, _, _ =	vpop (xrf0)  }
0x65: {  	s30 =	simm.s32 $0x60;
	s31 =	simm.s32 $0x50;
	v55 =	vor.u32 s20, v0;
	v56 =	vld.idx.msk [tilespmem:v12+s10+$0x0], $0xffff;
	v16, _, _ =	vpop (xrf0);
	(v2sf) =	vpush v13, $0xF  }
0x66: {  	v59 =	vor.u32 s31, v0;
	v20 =	vor.u32 s30, v0;
	[tilespmem:s19+$0xFFFFFFF0] =	vst v21;
	v57 =	vld.idx.msk [tilespmem:v12+s12+$0x0], $0xffff;
	v18, _, _ =	vpop (xrf0);
	(v2sf) =	vpush v16, $0xF  }
0x67: {  	v58 =	vand.u32 $0xFFFF, v5;
	vm1 =	vne.s32 v12, v20;
	v60 =	vld.idx.msk [tilespmem:v21+s10+$0x0], $0xffff;
	v16, _, _ =	vpop (xrf0);
	(v2sf) =	vpush v18, $0xF  }
0x68: {  	[tilespmem:s19+$0xFFFFFFE0] =	vst v22;
	vm3 =	vne.s32 v22, v55;
	v62 =	vsel vm1, $0x1, v1;
	v61 =	vld.idx.msk [tilespmem:v21+s12+$0x0], $0xffff;
	(v2sf) =	vpush v16, $0xF  }
0x69: {  	s29 =	simm.s32 $0x70;
	vm4 =	vne.s32 v21, v59;
	v26 =	vor.u32 $0x80000000, v62;
	v19 =	vand.u32 $0xFFFF, v6;
	v34 =	vld.idx.msk [tilespmem:v22+s10+$0x0], $0xffff  }
0x6a: {  	s21 =	simm.s32 $0x110A0;
	v20 =	vld.idx.msk [tilespmem:v22+s12+$0x0], $0xffff;
	v21 =	vsel vm3, $0x1, v1;
	v22 =	vsel vm4, $0x1, v1;
	v13 =	vor.u32 s29, v0  }
0x6b: {  	v22 =	vor.u32 $0x80000000, v22;
	v21 =	vor.u32 $0x80000000, v21;
	vm2 =	vne.s32 v11, v13;
	v11 =	vld [tilespmem:s21+$0x10]  }
0x6c: {  	v13 =	vld [tilespmem:s21+$0x0];
	vm6 =	vne.s32 v23, v14;
	vm7 =	vne.s32 v54, v50;
	v12 =	vsel vm2, $0x1, v1  }
0x6d: {  	v14 =	vld [tilespmem:s21+$0xFFFFFFE0];
	vm1 =	vne.s32 v60, v17;
	vm3 =	vne.s32 v56, v10;
	v63 =	vor.u32 $0x80000000, v12  }
0x6e: {  	vm4 =	vne.s32 v57, v52;
	v10 =	vld.idx.msk [tilespmem:v58+s2+$0x0], $0xffff;
	vm5 =	vne.s32 v61, v36;
	v18 =	vand.u32 $0xFFFF, v7;
	(xrf0) =	vmax.scan.msk.u32 $0xffff, v63  }
0x6f: {  	s18 =	simm.s32 $0x0;
	s1 =	simm.s32 $0x100E0;
	s0 =	simm.s32 $0x8;
	vm2 =	vne.s32 v34, v15;
	vm6 =	vmor vm6, vm7;
	v16 =	vand.u32 $0xFFFF, v8;
	v12 =	vld [tilespmem:s21+$0xFFFFFFF0];
	(xrf0) =	vmax.scan.msk.u32 $0xffff, v26  }
.LBB2_4:
0x70: {  	v15 =	vld [tilespmem:s1+$0x10];
	vm7 =	vne.s32 v20, v9;
	vm3 =	vmor vm3, vm4;
	v9 =	vsel vm6, $0x1, v1;
	(xrf0) =	vmax.scan.msk.u32 $0xffff, v22;
	s3 =	spop (v2sf);
	v17 =	vmovc v6  }
0x71: {  	vm1 =	vmor vm1, vm5;
	v23 =	vmovc v7;
	v20 =	vld.idx.msk [tilespmem:v19+s2+$0x0], $0xffff;
	v19 =	vsel vm3, $0x1, v1;
	v9 =	vor.u32 $0x80000000, v9;
	(xrf0) =	vmax.scan.msk.u32 $0xffff, v21;
	s4 =	spop (v2sf)  }
0x72: {  	v24 =	vmovc v8;
	vm2 =	vmor vm2, vm7;
	v7 =	vsel vm1, $0x1, v1;
	v6 =	vld [tilespmem:s1+$0x0];
	v19 =	vor.u32 $0x80000000, v19;
	(xrf0) =	vmax.scan.msk.u32 $0xffff, v9;
	s5 =	spop (v2sf)  }
0x73: {  	v25 =	vmovc v11;
	v26 =	vmov v13;
	v8 =	vsel vm2, $0x1, v1;
	v21 =	vld.idx.msk [tilespmem:v18+s2+$0x0], $0xffff;
	v18 =	vor.u32 $0x80000000, v7;
	(xrf0) =	vmax.scan.msk.u32 $0xffff, v19;
	s6 =	spop (v2sf)  }
0x74: {  	s20 =	sadd.s32 $0x40, s20;
	v27 =	vmov v12;
	v8 =	vor.u32 $0x80000000, v8;
	v7 =	vld [tilespmem:s1+$0xFFFFFFF0];
	(xrf0) =	vmax.scan.msk.u32 $0xffff, v18;
	v11, _, _ =	vpop (xrf0);
	s7 =	spop (v2sf);
	v9 =	vmov v14  }
0x75: {  	s19 =	sadd.s32 $0x40, s19;
	s8 =	sadd.s32 $0x30, s20;
	v12 =	vld.idx.msk [tilespmem:v16+s2+$0x0], $0xffff;
	(xrf0) =	vmax.scan.msk.u32 $0xffff, v8;
	v13, _, _ =	vpop (xrf0);
	(v2sf) =	vpush v11, $0xF;
	s9 =	spop (v2sf)  }
0x76: {  	s11 =	sadd.s32 $0x10, s20;
	s13 =	sadd.s32 $0x20, s20;
	v8 =	vld [tilespmem:s1+$0xFFFFFFE0];
	[tilespmem:s19+$0x10] =	vst v10;
	v11, _, _ =	vpop (xrf0);
	(v2sf) =	vpush v13, $0xF;
	s14 =	spop (v2sf)  }
0x77: {  	s3 =	sxor.u32 $0x80000000, s3;
	s4 =	sxor.u32 $0x80000000, s4;
	v14 =	vld.idx.msk [tilespmem:v10+s10+$0x0], $0xffff;
	v13, _, _ =	vpop (xrf0);
	(v2sf) =	vpush v11, $0xF;
	s15 =	spop (v2sf)  }
0x78: {  	s5 =	sxor.u32 $0x80000000, s5;
	s6 =	sxor.u32 $0x80000000, s6;
	[tilespmem:s19+$0x0] =	vst v20;
	v28 =	vld.idx.msk [tilespmem:v10+s12+$0x0], $0xffff;
	(v2sf) =	vpush v13, $0xF;
	v11, _, _ =	vpop (xrf0);
	s15 =	sxor.u32 $0x80000000, s15  }
0x79: {  	v22 =	vor.u32 s8, v0;
	s6 =	sor.u32 s18, s6;
	s8 =	sxor.u32 $0x80000000, s14;
	v13 =	vor.u32 s20, v0;
	v29 =	vld.idx.msk [tilespmem:v20+s10+$0x0], $0xffff;
	v16, _, _ =	vpop (xrf0);
	(v2sf) =	vpush v11, $0xF;
	s14 =	sor.u32 s17, s15  }
0x7a: {  	s9 =	sxor.u32 $0x80000000, s9;
	s5 =	sor.u32 s5, s6;
	v11 =	vor.u32 s13, v0;
	[tilespmem:s19+$0xFFFFFFF0] =	vst v21;
	v30 =	vld.idx.msk [tilespmem:v20+s12+$0x0], $0xffff;
	v18, _, _ =	vpop (xrf0);
	(v2sf) =	vpush v16, $0xF;
	s8 =	sor.u32 s8, s14  }
0x7b: {  	v32 =	vor.u32 s11, v0;
	v31 =	vand.u32 $0xFFFF, v15;
	s6 =	sxor.u32 $0x80000000, s7;
	s4 =	sor.u32 s4, s5;
	v33 =	vld.idx.msk [tilespmem:v21+s10+$0x0], $0xffff;
	v16, _, _ =	vpop (xrf0);
	(v2sf) =	vpush v18, $0xF;
	s7 =	sor.u32 s9, s8  }
0x7c: {  	v19 =	vand.u32 $0xFFFF, v6;
	s18 =	sor.u32 s3, s4;
	v18 =	vand.u32 $0xFFFF, v7;
	[tilespmem:s19+$0xFFFFFFE0] =	vst v12;
	v34 =	vld.idx.msk [tilespmem:v21+s12+$0x0], $0xffff;
	(v2sf) =	vpush v16, $0xF;
	s17 =	sor.u32 s6, s7  }
0x7d: {  	s0 =	sadd.s32 $0x4, s0;
	vm2 =	vne.s32 v10, v22;
	vm1 =	vne.s32 v20, v11;
	v16 =	vand.u32 $0xFFFF, v8;
	v35 =	vld.idx.msk [tilespmem:v12+s10+$0x0], $0xffff  }
0x7e: {  	s21 =	sadd.s32 $0x40, s21;
	p0 =	slt.u32 s0, $0xFC;
	vm4 =	vne.s32 v21, v32;
	v10 =	vsel vm2, $0x1, v1;
	vm3 =	vne.s32 v12, v13;
	v20 =	vld.idx.msk [tilespmem:v12+s12+$0x0], $0xffff  }
.Ltmp3:
0x7f: {  	v32 =	vsel vm1, $0x1, v1;
	v21 =	vsel vm3, $0x1, v1;
	v12 =	vsel vm4, $0x1, v1;
	v11 =	vld [tilespmem:s21+$0x10];
	(pc) =	sbr.rel @p0 .LBB2_4-.Ltmp3, $4  }
0x80: {  	v10 =	vor.u32 $0x80000000, v10;
	v32 =	vor.u32 $0x80000000, v32;
	v22 =	vor.u32 $0x80000000, v12;
	v13 =	vld [tilespmem:s21+$0x0]  }
0x81: {  	vm6 =	vne.s32 v14, v5;
	v5 =	vmovc v15;
	v21 =	vor.u32 $0x80000000, v21;
	vm7 =	vne.s32 v28, v25;
	v12 =	vld [tilespmem:s21+$0xFFFFFFF0]  }
0x82: {  	vm3 =	vne.s32 v29, v17;
	vm4 =	vne.s32 v30, v26;
	vm1 =	vne.s32 v33, v23;
	v14 =	vld [tilespmem:s21+$0xFFFFFFE0];
	(xrf0) =	vmax.scan.msk.u32 $0xffff, v10  }
0x83: {  	s1 =	sadd.s32 $0x40, s1;
	vm6 =	vmor vm6, vm7;
	vm5 =	vne.s32 v34, v27;
	vm2 =	vne.s32 v35, v24;
	v10 =	vld.idx.msk [tilespmem:v31+s2+$0x0], $0xffff;
	(xrf0) =	vmax.scan.msk.u32 $0xffff, v32  }
0x84: {  	_ =	sdelay $0x3  }
0x85: {  	v15 =	vld.idx.msk [tilespmem:v19+s2+$0x0], $0xffff;
	_ =	sdelay $0x1  }
0x86: {  	v43 =	vld.idx.msk [tilespmem:v18+s2+$0x0], $0xffff  }
0x87: {  	vm7 =	vne.s32 v20, v9  }
0x88: {  	vm3 =	vmor vm3, vm4;
	v41 =	vsel vm6, $0x1, v1;
	(xrf0) =	vmax.scan.msk.u32 $0xffff, v22;
	vm1 =	vmor vm1, vm5;
	v16 =	vld.idx.msk [tilespmem:v16+s2+$0x0], $0xffff;
	s0 =	sadd.s32 $0x40, s19  }
0x89: {  	s1 =	sadd.s32 $0x40, s20;
	v17 =	vsel vm3, $0x1, v1;
	v9 =	vor.u32 $0x80000000, v41;
	vm2 =	vmor vm2, vm7;
	[tilespmem:s0+$0x10] =	vst v10  }
0x8a: {  	(xrf0) =	vmax.scan.msk.u32 $0xffff, v21;
	v42 =	vsel vm1, $0x1, v1;
	v55 =	vor.u32 s1, v0;
	v17 =	vor.u32 $0x80000000, v17;
	v49 =	vld.idx.msk [tilespmem:v10+s10+$0x0], $0xffff  }
0x8b: {  	s3 =	sadd.s32 $0x30, s1;
	s4 =	sadd.s32 $0x10, s1;
	s5 =	sadd.s32 $0x20, s1;
	(xrf0) =	vmax.scan.msk.u32 $0xffff, v9;
	v44 =	vsel vm2, $0x1, v1;
	v19 =	vor.u32 $0x80000000, v42;
	[tilespmem:s0+$0x0] =	vst v15;
	v51 =	vld.idx.msk [tilespmem:v10+s12+$0x0], $0xffff  }
0x8c: {  	v56 =	vor.u32 s3, v0;
	v57 =	vor.u32 s5, v0;
	v25 =	vor.u32 s4, v0;
	(xrf0) =	vmax.scan.msk.u32 $0xffff, v17;
	v53 =	vld.idx.msk [tilespmem:v15+s10+$0x0], $0xffff  }
0x8d: {  	v45 =	vor.u32 $0x80000000, v44;
	(xrf0) =	vmax.scan.msk.u32 $0xffff, v19;
	v46, _, _ =	vpop (xrf0);
	vm2 =	vne.s32 v10, v56;
	[tilespmem:s0+$0xFFFFFFF0] =	vst v43;
	v23 =	vld.idx.msk [tilespmem:v15+s12+$0x0], $0xffff  }
0x8e: {  	(xrf0) =	vmax.scan.msk.u32 $0xffff, v45;
	v47, _, _ =	vpop (xrf0);
	(v2sf) =	vpush v46, $0xF;
	vm1 =	vne.s32 v15, v57;
	vm3 =	vne.s32 v16, v55;
	v26 =	vld.idx.msk [tilespmem:v43+s10+$0x0], $0xffff  }
0x8f: {  	[tilespmem:s0+$0xFFFFFFE0] =	vst v16;
	vm11 =	vne.s32 v43, v25;
	v60 =	vsel vm2, $0x1, v1;
	v48, _, _ =	vpop (xrf0);
	(v2sf) =	vpush v47, $0xF;
	v58 =	vld.idx.msk [tilespmem:v43+s12+$0x0], $0xffff  }
0x90: {  	v62 =	vsel vm3, $0x1, v1;
	v63 =	vsel vm11, $0x1, v1;
	v21 =	vsel vm1, $0x1, v1;
	v50, _, _ =	vpop (xrf0);
	v59 =	vld.idx.msk [tilespmem:v16+s10+$0x0], $0xffff  }
0x91: {  	v9 =	vor.u32 $0x80000000, v60;
	(v2sf) =	vpush v48, $0xF;
	v19 =	vor.u32 $0x80000000, v63;
	v52, _, _ =	vpop (xrf0);
	v61 =	vld.idx.msk [tilespmem:v16+s12+$0x0], $0xffff  }
0x92: {  	v21 =	vor.u32 $0x80000000, v21;
	v54, _, _ =	vpop (xrf0);
	vm1 =	vne.s32 v49, v5;
	vm2 =	vne.s32 v51, v11  }
0x93: {  	(v2sf) =	vpush v50, $0xF;
	v16 =	vor.u32 $0x80000000, v62;
	v24, _, _ =	vpop (xrf0);
	vm1 =	vmor vm1, vm2  }
0x94: {  	(v2sf) =	vpush v52, $0xF;
	v27, _, _ =	vpop (xrf0);
	(xrf0) =	vmax.scan.msk.u32 $0xffff, v9;
	v5 =	vsel vm1, $0x1, v1;
	vm3 =	vne.s32 v26, v7  }
0x95: {  	(xrf0) =	vmax.scan.msk.u32 $0xffff, v21;
	vm12 =	vne.s32 v53, v6;
	vm13 =	vne.s32 v23, v13;
	vm14 =	vne.s32 v59, v8  }
0x96: {  	vm15 =	vne.s32 v58, v12;
	vm2 =	vne.s32 v61, v14;
	(xrf0) =	vmax.scan.msk.u32 $0xffff, v19;
	vm4 =	vmor vm12, vm13  }
0x97: {  	v5 =	vor.u32 $0x80000000, v5;
	(xrf0) =	vmax.scan.msk.u32 $0xffff, v16;
	vm2 =	vmor vm14, vm2;
	v6 =	vsel vm4, $0x1, v1  }
0x98: {  	vm1 =	vmor vm3, vm15;
	(xrf0) =	vmax.scan.msk.u32 $0xffff, v5;
	v5 =	vsel vm2, $0x1, v1;
	v6 =	vor.u32 $0x80000000, v6  }
0x99: {  	s21 =	spop (v2sf);
	(v2sf) =	vpush v54, $0xF;
	v7 =	vsel vm1, $0x1, v1;
	v5 =	vor.u32 $0x80000000, v5  }
0x9a: {  	s22 =	spop (v2sf);
	(v2sf) =	vpush v24, $0xF;
	v7 =	vor.u32 $0x80000000, v7;
	(xrf0) =	vmax.scan.msk.u32 $0xffff, v6  }
0x9b: {  	s23 =	spop (v2sf);
	(v2sf) =	vpush v27, $0xF;
	(xrf0) =	vmax.scan.msk.u32 $0xffff, v7;
	v6, _, _ =	vpop (xrf0)  }
0x9c: {  	s24 =	spop (v2sf);
	(xrf0) =	vmax.scan.msk.u32 $0xffff, v5;
	v5, _, _ =	vpop (xrf0);
	(v2sf) =	vpush v6, $0xF  }
0x9d: {  	v6, _, _ =	vpop (xrf0);
	(v2sf) =	vpush v5, $0xF  }
0x9e: {  	s25 =	spop (v2sf);
	v5, _, _ =	vpop (xrf0);
	(v2sf) =	vpush v6, $0xF  }
0x9f: {  	(v2sf) =	vpush v5, $0xF;
	v5, _, _ =	vpop (xrf0)  }
0xa0: {  	s6 =	spop (v2sf);
	v6, _, _ =	vpop (xrf0);
	(v2sf) =	vpush v5, $0xF  }
0xa1: {  	s7 =	spop (v2sf);
	v5, _, _ =	vpop (xrf0);
	(v2sf) =	vpush v6, $0xF  }
0xa2: {  	s8 =	spop (v2sf);
	v6, _, _ =	vpop (xrf0);
	(v2sf) =	vpush v5, $0xF  }
0xa3: {  	s9 =	spop (v2sf);
	(v2sf) =	vpush v6, $0xF  }
0xa4: {  	s11 =	spop (v2sf)  }
0xa5: {  	s1 =	sxor.u32 $0x80000000, s22;
	s4 =	sxor.u32 $0x80000000, s24;
	s13 =	spop (v2sf)  }
0xa6: {  	s3 =	sxor.u32 $0x80000000, s23;
	s4 =	sor.u32 s18, s4;
	s14 =	spop (v2sf)  }
0xa7: {  	s29 =	sxor.u32 $0x80000000, s25;
	s0 =	sxor.u32 $0x80000000, s21;
	s15 =	spop (v2sf)  }
0xa8: {  	s6 =	sxor.u32 $0x80000000, s6;
	s8 =	sxor.u32 $0x80000000, s8;
	s16 =	spop (v2sf)  }
0xa9: {  	s7 =	sxor.u32 $0x80000000, s7;
	s8 =	sor.u32 s17, s8;
	s26 =	spop (v2sf)  }
0xaa: {  	s3 =	sor.u32 s3, s4;
	s7 =	sor.u32 s7, s8;
	s28 =	spop (v2sf)  }
0xab: {  	s4 =	sxor.u32 $0x80000000, s11;
	s11 =	sxor.u32 $0x80000000, s14;
	s14 =	spop (v2sf)  }
0xac: {  	s1 =	sor.u32 s1, s3;
	s30 =	sor.u32 s6, s7;
	s20 =	spop (v2sf)  }
0xad: {  	s0 =	sor.u32 s0, s1;
	s31 =	sor.u32 s29, s30;
	s21 =	spop (v2sf)  }
0xae: {  	s7 =	sxor.u32 $0x80000000, s9;
	s18 =	sxor.u32 $0x80000000, s13;
	s23 =	spop (v2sf)  }
0xaf: {  	s0 =	sor.u32 s0, s11;
	s9 =	sxor.u32 $0x80000000, s28;
	s25 =	spop (v2sf)  }
0xb0: {  	s19 =	sxor.u32 $0x80000000, s26;
	s3 =	sor.u32 s31, s9;
	s26 =	spop (v2sf)  }
0xb1: {  	s22 =	sxor.u32 $0x80000000, s16;
	s3 =	sor.u32 s19, s3;
	s28 =	spop (v2sf)  }
0xb2: {  	s24 =	sxor.u32 $0x80000000, s15;
	s3 =	sor.u32 s22, s3;
	s30 =	spop (v2sf)  }
0xb3: {  	s0 =	sor.u32 s18, s0;
	s3 =	sor.u32 s24, s3;
	s8 =	sxor.u32 $0x80000000, s30  }
0xb4: {  	s0 =	sor.u32 s4, s0;
	s4 =	sxor.u32 $0x80000000, s28;
	s3 =	sor.u32 s3, s8  }
0xb5: {  	s1 =	sxor.u32 $0x80000000, s26;
	s3 =	sor.u32 s4, s3  }
0xb6: {  	s31 =	sxor.u32 $0x80000000, s25;
	s1 =	sor.u32 s1, s3  }
0xb7: {  	s1 =	sor.u32 s31, s1  }
0xb8: {  	p0 =	sgt.s32 s1, $0x0  }
.Ltmp4:
0xb9: {  	s0 =	sor.u32 s7, s0;
	s9 =	sxor.u32 $0x80000000, s23;
	(pc) =	sbr.rel @!p0 .LBB2_12-.Ltmp4, $4  }
0xba: {  	s5 =	sxor.u32 $0x80000000, s21;
	s0 =	sor.u32 s0, s9  }
0xbb: {  	s29 =	sxor.u32 $0x80000000, s20;
	s0 =	sor.u32 s5, s0  }
0xbc: {  	s7 =	sxor.u32 $0x80000000, s14;
	s0 =	sor.u32 s29, s0  }
0xbd: {  	s0 =	sor.u32 s7, s0;
	s3 =	simm.s32 $0x1  }
.LBB2_6:
0xbe: {  	p0 =	slt.u32 s3, $0x5;
	s0 =	simm.s32 $0x10000;
	s1 =	simm.s32 $0x11000  }
0xbf: {  	s1 =	smov.u32 @p0 s0  }
0xc0: {  	s24 =	simm.s32 $0x12020;
	v6 =	vld [tilespmem:s1+$0x0]  }
0xc1: {  	s0 =	simm.s32 $0xC;
	v7 =	vld [tilespmem:s24+$0xFFFFFFE0]  }
0xc2: {  	s25 =	sshll.u32 s3, $0x2;
	s0 =	simm.s32 @!p0 $0xFFFFFFEC  }
0xc3: {  	s0 =	sadd.s32 s25, s0  }
0xc4: {  	v5 =	vmov s0  }
0xc5: {  	v6 =	vshra.s32 v6, v5  }
0xc6: {  	v7 =	vshll.u32 v7, $0x4;
	v6 =	vand.u32 $0xF, v6  }
0xc7: {  	v6 =	vor.u32 v7, v6;
	_ =	sdelay $0x1  }
0xc8: {  	s1 =	simm.s32 $0x11040;
	s0 =	simm.s32 $0x10040  }
0xc9: {  	s18 =	simm.s32 $0x0;
	[dreg:$0x9] =	wrdreg s3;
	s1 =	smov.u32 @p0 s0  }
0xca: {  	s23 =	simm.s32 $0x12060;
	v9 =	vor.u32 s18, v0;
	s0 =	simm.s32 $0x10010;
	v7 =	vld [tilespmem:s1+$0x0];
	s1 =	simm.s32 $0x11010  }
0xcb: {  	v8 =	vld [tilespmem:s23+$0xFFFFFFE0];
	s1 =	smov.u32 @p0 s0;
	[tilespmem:v6+s18+$0x0] =	vst.idx.msk $0xffff, v9  }
0xcc: {  	v6 =	vld [tilespmem:s1+$0x0]  }
0xcd: {  	v10 =	vld [tilespmem:s24+$0xFFFFFFF0];
	_ =	sdelay $0x1  }
0xce: {  	v7 =	vshra.s32 v7, v5  }
0xcf: {  	v8 =	vshll.u32 v8, $0x4;
	v7 =	vand.u32 $0xF, v7  }
0xd0: {  	v7 =	vor.u32 v8, v7;
	v6 =	vshra.s32 v6, v5  }
0xd1: {  	s0 =	simm.s32 $0x10080;
	s1 =	simm.s32 $0x11080;
	v8 =	vshll.u32 v10, $0x4;
	v6 =	vand.u32 $0xF, v6  }
0xd2: {  	s1 =	smov.u32 @p0 s0;
	v8 =	vor.u32 v8, v6  }
0xd3: {  	s30 =	simm.s32 $0x40;
	s19 =	simm.s32 $0x120A0;
	v10 =	vld [tilespmem:s1+$0x0]  }
0xd4: {  	v11 =	vld [tilespmem:s19+$0xFFFFFFE0];
	s0 =	simm.s32 $0x10050;
	s1 =	simm.s32 $0x11050;
	v6 =	vor.u32 s30, v0  }
0xd5: {  	s26 =	simm.s32 $0x10;
	s1 =	smov.u32 @p0 s0;
	[tilespmem:v7+s18+$0x0] =	vst.idx.msk $0xffff, v6  }
0xd6: {  	v12 =	vor.u32 s26, v0;
	s3 =	simm.s32 $0x10020;
	s0 =	simm.s32 $0x11020;
	v7 =	vld [tilespmem:s1+$0x0]  }
0xd7: {  	v13 =	vld [tilespmem:s23+$0xFFFFFFF0];
	s0 =	smov.u32 @p0 s3;
	[tilespmem:v8+s18+$0x0] =	vst.idx.msk $0xffff, v12  }
0xd8: {  	v10 =	vshra.s32 v10, v5;
	v8 =	vld [tilespmem:s0+$0x0]  }
0xd9: {  	v11 =	vshll.u32 v11, $0x4;
	v10 =	vand.u32 $0xF, v10;
	v12 =	vld [tilespmem:s24+$0x0]  }
0xda: {  	v10 =	vor.u32 v11, v10  }
0xdb: {  	v7 =	vshra.s32 v7, v5  }
0xdc: {  	s6 =	simm.s32 $0x10060;
	v11 =	vshll.u32 v13, $0x4;
	s1 =	simm.s32 $0x110C0;
	s0 =	simm.s32 $0x100C0;
	v7 =	vand.u32 $0xF, v7  }
0xdd: {  	s20 =	simm.s32 $0x100A0;
	s5 =	simm.s32 $0x80;
	s1 =	smov.u32 @p0 s0;
	v7 =	vor.u32 v11, v7;
	v8 =	vshra.s32 v8, v5  }
0xde: {  	s7 =	simm.s32 $0x120E0;
	v13 =	vor.u32 s5, v0;
	s0 =	simm.s32 $0x10090;
	v11 =	vshll.u32 v12, $0x4;
	v12 =	vld [tilespmem:s1+$0x0];
	s1 =	simm.s32 $0x11090;
	v8 =	vand.u32 $0xF, v8  }
0xdf: {  	s21 =	simm.s32 $0x110A0;
	s22 =	simm.s32 $0x8;
	v14 =	vld [tilespmem:s7+$0xFFFFFFE0];
	[tilespmem:v10+s18+$0x0] =	vst.idx.msk $0xffff, v13;
	s1 =	smov.u32 @p0 s0;
	v8 =	vor.u32 v11, v8  }
0xe0: {  	s28 =	simm.s32 $0x50;
	s4 =	simm.s32 $0x11060;
	s15 =	simm.s32 $0xC;
	v13 =	vld [tilespmem:s1+$0x0]  }
0xe1: {  	s29 =	simm.s32 $0x20;
	s8 =	simm.s32 $0x11030;
	s16 =	simm.s32 $0x10120;
	v15 =	vld [tilespmem:s19+$0xFFFFFFF0];
	v10 =	vor.u32 s28, v0  }
0xe2: {  	s17 =	simm.s32 $0x11120;
	s9 =	simm.s32 $0x11060;
	s4 =	smov.u32 @p0 s6;
	[tilespmem:v7+s18+$0x0] =	vst.idx.msk $0xffff, v10  }
0xe3: {  	s31 =	simm.s32 $0x80;
	s14 =	simm.s32 $0x120E0;
	s6 =	simm.s32 $0x10030;
	v7 =	vor.u32 s29, v0;
	v10 =	vld [tilespmem:s4+$0x0]  }
0xe4: {  	s11 =	simm.s32 $0x10060;
	s13 =	simm.s32 $0x0;
	s8 =	smov.u32 @p0 s6;
	v11 =	vld [tilespmem:s23+$0x0];
	v12 =	vshra.s32 v12, v5;
	[tilespmem:v8+s18+$0x0] =	vst.idx.msk $0xffff, v7  }
0xe5: {  	s6 =	simm.s32 $0x12060;
	s3 =	simm.s32 $0x120A0;
	s0 =	simm.s32 $0x100E0;
	v13 =	vshra.s32 v13, v5;
	v8 =	vand.u32 $0xF, v12;
	v12 =	vshll.u32 v14, $0x4;
	v7 =	vld [tilespmem:s8+$0x0]  }
0xe6: {  	s1 =	simm.s32 $0x110E0;
	s4 =	simm.s32 $0x110A0;
	v13 =	vand.u32 $0xF, v13;
	v14 =	vshll.u32 v15, $0x4;
	s8 =	simm.s32 $0x100A0;
	v12 =	vor.u32 v12, v8;
	v8 =	vld [tilespmem:s24+$0x10]  }
.LBB2_7:
0xe7: {  	s26 =	sadd.s32 $0xFFFFFFE0, s16;
	s29 =	sadd.s32 $0xFFFFFFE0, s17;
	s15 =	sadd.s32 $0x4, s15  }
0xe8: {  	v13 =	vor.u32 v14, v13;
	v10 =	vshra.s32 v10, v5;
	s25 =	smov.u32 s0;
	s0 =	smov.u32 s16;
	s28 =	smov.u32 s9  }
0xe9: {  	s5 =	sadd.s32 $0x40, s5;
	s29 =	smov.u32 @p0 s26;
	p1 =	slt.u32 s15, $0xFC;
	v10 =	vand.u32 $0xF, v10;
	v11 =	vshll.u32 v11, $0x4  }
0xea: {  	s7 =	sadd.s32 $0x40, s7;
	v15 =	vor.u32 s5, v0;
	s9 =	sadd.s32 $0xFFFFFFF0, s25;
	s26 =	sadd.s32 $0xFFFFFFF0, s1;
	v14 =	vld [tilespmem:s29+$0x0];
	v16 =	vor.u32 v11, v10;
	v7 =	vshra.s32 v7, v5  }
0xeb: {  	s26 =	smov.u32 @p0 s9;
	s29 =	sadd.s32 $0x10, s31;
	s9 =	smov.u32 s4;
	v17 =	vld [tilespmem:s7+$0xFFFFFFE0];
	[tilespmem:v12+s18+$0x0] =	vst.idx.msk $0xffff, v15;
	v7 =	vand.u32 $0xF, v7;
	v8 =	vshll.u32 v8, $0x4  }
0xec: {  	s4 =	smov.u32 s1;
	s1 =	smov.u32 s17;
	v10 =	vor.u32 s29, v0;
	v15 =	vld [tilespmem:s26+$0x0];
	v18 =	vor.u32 v8, v7;
	s26 =	smov.u32 s9  }
0xed: {  	s29 =	sadd.s32 $0x20, s30;
	v19 =	vld [tilespmem:s14+$0xFFFFFFF0];
	[tilespmem:v13+s18+$0x0] =	vst.idx.msk $0xffff, v10;
	s26 =	smov.u32 @p0 s8  }
.Ltmp5:
0xee: {  	s11 =	sadd.s32 $0x10, s11;
	v7 =	vor.u32 s29, v0;
	v10 =	vld [tilespmem:s26+$0x0];
	s26 =	sadd.s32 $0x10, s28;
	(pc) =	sbr.rel @p1 .LBB2_7-.Ltmp5, $4  }
0xef: {  	v8 =	vshra.s32 v14, v5;
	v11 =	vld [tilespmem:s3+$0x0];
	[tilespmem:v16+s18+$0x0] =	vst.idx.msk $0xffff, v7;
	s26 =	smov.u32 @p0 s11;
	s11 =	sadd.s32 $0x30, s13;
	s13 =	smov.u32 s30  }
0xf0: {  	s30 =	smov.u32 s31;
	s31 =	smov.u32 s5;
	v8 =	vand.u32 $0xF, v8;
	v12 =	vshll.u32 v17, $0x4;
	v7 =	vld [tilespmem:s26+$0x0];
	v13 =	vor.u32 s11, v0;
	s11 =	smov.u32 s8  }
0xf1: {  	v12 =	vor.u32 v12, v8;
	v14 =	vshra.s32 v15, v5;
	v8 =	vld [tilespmem:s6+$0x10];
	[tilespmem:v18+s18+$0x0] =	vst.idx.msk $0xffff, v13;
	s6 =	smov.u32 s3;
	s3 =	smov.u32 s14;
	s14 =	smov.u32 s7  }
0xf2: {  	s16 =	sadd.s32 $0x40, s16;
	s17 =	sadd.s32 $0x40, s17;
	s8 =	smov.u32 s25;
	v13 =	vand.u32 $0xF, v14;
	v14 =	vshll.u32 v19, $0x4  }
0xf3: {  	_ =	sdelay $0x1  }
0xf4: {  	s5 =	sadd.s32 $0x40, s5  }
0xf5: {  	s7 =	sadd.s32 $0xFFFFFFF0, s0;
	s15 =	sadd.s32 $0xFFFFFFF0, s1;
	v15 =	vor.u32 s5, v0  }
0xf6: {  	s15 =	smov.u32 @p0 s7;
	[tilespmem:v12+s18+$0x0] =	vst.idx.msk $0xffff, v15  }
0xf7: {  	v12 =	vld [tilespmem:s15+$0x0]  }
0xf8: {  	v15 =	vld [tilespmem:s14+$0xFFFFFFF0];
	_ =	sdelay $0x3  }
0xf9: {  	v13 =	vor.u32 v14, v13;
	v12 =	vshra.s32 v12, v5  }
0xfa: {  	v14 =	vshll.u32 v15, $0x4;
	v12 =	vand.u32 $0xF, v12  }
0xfb: {  	v12 =	vor.u32 v14, v12  }
0xfc: {  	s16 =	sadd.s32 $0x10, s31  }
0xfd: {  	s7 =	smov.u32 s4;
	v14 =	vor.u32 s16, v0  }
0xfe: {  	s17 =	sadd.s32 $0x10, s5;
	s7 =	smov.u32 @p0 s8;
	[tilespmem:v13+s18+$0x0] =	vst.idx.msk $0xffff, v14  }
0xff: {  	v14 =	vor.u32 s17, v0;
	v13 =	vld [tilespmem:s7+$0x0];
	s7 =	smov.u32 s1  }
0x100: {  	v15 =	vld [tilespmem:s3+$0x0];
	s7 =	smov.u32 @p0 s0;
	[tilespmem:v12+s18+$0x0] =	vst.idx.msk $0xffff, v14  }
0x101: {  	v12 =	vld [tilespmem:s7+$0x0]  }
0x102: {  	v14 =	vld [tilespmem:s14+$0x0]  }
0x103: {  	v10 =	vshra.s32 v10, v5  }
0x104: {  	v10 =	vand.u32 $0xF, v10;
	v11 =	vshll.u32 v11, $0x4  }
0x105: {  	v10 =	vor.u32 v11, v10;
	v11 =	vshra.s32 v13, v5  }
0x106: {  	v13 =	vshll.u32 v15, $0x4;
	v11 =	vand.u32 $0xF, v11;
	v12 =	vshra.s32 v12, v5  }
0x107: {  	v11 =	vor.u32 v13, v11;
	v13 =	vshll.u32 v14, $0x4;
	v12 =	vand.u32 $0xF, v12  }
0x108: {  	s25 =	sadd.s32 $0x20, s30;
	v12 =	vor.u32 v13, v12  }
0x109: {  	s9 =	sadd.s32 $0x10, s9;
	s7 =	sadd.s32 $0x10, s11;
	v14 =	vor.u32 s25, v0  }
0x10a: {  	s26 =	sadd.s32 $0x20, s31;
	s9 =	smov.u32 @p0 s7;
	v15 =	vld [tilespmem:s3+$0x10];
	[tilespmem:v10+s18+$0x0] =	vst.idx.msk $0xffff, v14  }
0x10b: {  	s4 =	sadd.s32 $0x10, s4;
	s29 =	sadd.s32 $0x20, s5;
	s7 =	sadd.s32 $0x10, s8;
	v10 =	vld [tilespmem:s9+$0x0];
	v13 =	vor.u32 s26, v0  }
0x10c: {  	s1 =	sadd.s32 $0x10, s1;
	s0 =	sadd.s32 $0x10, s0;
	s4 =	smov.u32 @p0 s7;
	v14 =	vld [tilespmem:s6+$0x10];
	[tilespmem:v11+s18+$0x0] =	vst.idx.msk $0xffff, v13;
	v13 =	vor.u32 s29, v0  }
0x10d: {  	s1 =	smov.u32 @p0 s0;
	v11 =	vld [tilespmem:s4+$0x0];
	[tilespmem:v12+s18+$0x0] =	vst.idx.msk $0xffff, v13  }
0x10e: {  	v12 =	vld [tilespmem:s1+$0x0]  }
0x10f: {  	v7 =	vshra.s32 v7, v5;
	v13 =	vld [tilespmem:s14+$0x10]  }
0x110: {  	v7 =	vand.u32 $0xF, v7;
	v10 =	vshra.s32 v10, v5  }
0x111: {  	v8 =	vshll.u32 v8, $0x4;
	v14 =	vshll.u32 v14, $0x4;
	v10 =	vand.u32 $0xF, v10  }
0x112: {  	v7 =	vor.u32 v8, v7;
	v8 =	vor.u32 v14, v10;
	v10 =	vshra.s32 v11, v5  }
0x113: {  	v11 =	vshll.u32 v15, $0x4;
	v10 =	vand.u32 $0xF, v10;
	v12 =	vshra.s32 v12, v5  }
0x114: {  	v10 =	vor.u32 v11, v10;
	v11 =	vand.u32 $0xF, v12;
	v12 =	vshll.u32 v13, $0x4  }
0x115: {  	s3 =	sadd.s32 $0x30, s30;
	v11 =	vor.u32 v12, v11  }
0x116: {  	s1 =	sadd.s32 $0x30, s13;
	v13 =	vor.u32 s3, v0  }
0x117: {  	s4 =	sadd.s32 $0x30, s31;
	v12 =	vor.u32 s1, v0;
	[tilespmem:v8+s18+$0x0] =	vst.idx.msk $0xffff, v13  }
0x118: {  	s5 =	sadd.s32 $0x30, s5;
	[tilespmem:v7+s18+$0x0] =	vst.idx.msk $0xffff, v12;
	v7 =	vor.u32 s4, v0  }
0x119: {  	v8 =	vor.u32 s5, v0;
	[tilespmem:v10+s18+$0x0] =	vst.idx.msk $0xffff, v7  }
0x11a: {  	s6 =	simm.s32 $0x10020;
	[tilespmem:v11+s18+$0x0] =	vst.idx.msk $0xffff, v8  }
0x11b: {  	s7 =	simm.s32 $0x11020;
	v10 =	vld [tilespmem:s6+$0x0]  }
0x11c: {  	v11 =	vld [tilespmem:s7+$0x0]  }
0x11d: {  	v7 =	vld [tilespmem:s24+$0x0]  }
0x11e: {  	v12 =	vld [tilespmem:s7+$0xFFFFFFE0]  }
0x11f: {  	v13 =	vld [tilespmem:s6+$0xFFFFFFE0];
	_ =	sdelay $0x1  }
0x120: {  	v14 =	vld [tilespmem:s24+$0xFFFFFFE0];
	v8 =	vpsel p0, v10, v11  }
0x121: {  	v8 =	vshra.s32 v8, v5  }
0x122: {  	v15 =	vld [tilespmem:s7+$0x10];
	v7 =	vshll.u32 v7, $0x4;
	v8 =	vand.u32 $0xF, v8  }
0x123: {  	v20 =	vld [tilespmem:s7+$0xFFFFFFF0];
	v7 =	vor.u32 v7, v8;
	v8 =	vpsel p0, v13, v12  }
0x124: {  	v21 =	vld [tilespmem:s6+$0xFFFFFFF0];
	v8 =	vshra.s32 v8, v5  }
0x125: {  	v17 =	vld [tilespmem:s24+$0xFFFFFFF0];
	v14 =	vshll.u32 v14, $0x4;
	v8 =	vand.u32 $0xF, v8  }
0x126: {  	v22 =	vld [tilespmem:s6+$0x10];
	v8 =	vor.u32 v14, v8  }
0x127: {  	v19 =	vld [tilespmem:s24+$0x10]  }
0x128: {  	s9 =	simm.s32 $0x10060;
	v14 =	vld.idx.msk [tilespmem:v7+s2+$0x0], $0xffff  }
0x129: {  	v16 =	vld [tilespmem:s9+$0x0];
	v18 =	vpsel p0, v21, v20  }
0x12a: {  	v25 =	vld [tilespmem:s23+$0x0];
	v18 =	vshra.s32 v18, v5  }
0x12b: {  	v17 =	vshll.u32 v17, $0x4;
	v24 =	vpsel p0, v22, v15;
	v23 =	vld.idx.msk [tilespmem:v8+s2+$0x0], $0xffff;
	v8 =	vand.u32 $0xF, v18  }
0x12c: {  	s8 =	simm.s32 $0x11060;
	v55 =	vld [tilespmem:s23+$0x10];
	v26 =	vor.u32 v17, v8;
	v8 =	vshra.s32 v24, v5  }
0x12d: {  	s11 =	simm.s32 $0x20;
	v18 =	vld [tilespmem:s8+$0x0];
	v17 =	vshll.u32 v19, $0x4;
	v8 =	vand.u32 $0xF, v8  }
0x12e: {  	v19 =	vor.u32 v17, v8;
	v17 =	vor.u32 s11, v0;
	v8 =	vld [tilespmem:s8+$0xFFFFFFF0]  }
0x12f: {  	[tilespmem:s24+$0x0] =	vst v14;
	vm1 =	vne.s32 v14, v17;
	v17 =	vld [tilespmem:s8+$0xFFFFFFE0]  }
0x130: {  	v24 =	vld.idx.msk [tilespmem:v14+s12+$0x0], $0xffff  }
0x131: {  	v27 =	vld.idx.msk [tilespmem:v14+s10+$0x0], $0xffff  }
0x132: {  	v14 =	vsel vm1, $0x1, v1;
	[tilespmem:s24+$0xFFFFFFE0] =	vst v23;
	vm1 =	vne.s32 v23, v9;
	v9 =	vld.idx.msk [tilespmem:v26+s2+$0x0], $0xffff  }
0x133: {  	v14 =	vor.u32 $0x80000000, v14;
	v26 =	vsel vm1, $0x1, v1;
	v28 =	vld.idx.msk [tilespmem:v23+s10+$0x0], $0xffff  }
0x134: {  	(xrf0) =	vmax.scan.msk.u32 $0xffff, v14;
	v14 =	vor.u32 $0x80000000, v26;
	v26 =	vld.idx.msk [tilespmem:v19+s2+$0x0], $0xffff  }
0x135: {  	v29 =	vpsel p0, v16, v18;
	(xrf0) =	vmax.scan.msk.u32 $0xffff, v14;
	v19 =	vld [tilespmem:s9+$0xFFFFFFE0]  }
0x136: {  	s13 =	simm.s32 $0x10;
	vm1 =	vne.s32 v24, v11;
	v11 =	vshra.s32 v29, v5;
	vm2 =	vne.s32 v27, v10;
	v10 =	vld.idx.msk [tilespmem:v23+s12+$0x0], $0xffff  }
0x137: {  	s14 =	simm.s32 $0x30;
	v23 =	vshll.u32 v25, $0x4;
	v24 =	vor.u32 s13, v0;
	v27 =	vld [tilespmem:s23+$0xFFFFFFF0];
	v14 =	vand.u32 $0xF, v11  }
0x138: {  	v25 =	vor.u32 s14, v0;
	vm1 =	vmor vm2, vm1;
	v14 =	vor.u32 v23, v14;
	v23 =	vld [tilespmem:s23+$0xFFFFFFE0]  }
0x139: {  	v11 =	vld [tilespmem:s9+$0xFFFFFFF0];
	vm2 =	vne.s32 v9, v24;
	v24 =	vsel vm1, $0x1, v1  }
0x13a: {  	v7 =	vld [tilespmem:s8+$0x10];
	[tilespmem:s24+$0xFFFFFFF0] =	vst v9;
	v51 =	vsel vm2, $0x1, v1;
	v30, _, _ =	vpop (xrf0);
	vm1 =	vne.s32 v28, v13;
	v13 =	vor.u32 $0x80000000, v24  }
0x13b: {  	v52 =	vor.u32 $0x80000000, v51;
	vm2 =	vne.s32 v26, v25;
	v24 =	vld.idx.msk [tilespmem:v9+s10+$0x0], $0xffff;
	v25, _, _ =	vpop (xrf0);
	(xrf0) =	vmax.scan.msk.u32 $0xffff, v13;
	v13 =	vpsel p0, v19, v17  }
0x13c: {  	[tilespmem:s24+$0x10] =	vst v26;
	v53 =	vld.idx.msk [tilespmem:v9+s12+$0x0], $0xffff;
	v54 =	vsel vm2, $0x1, v1;
	(xrf0) =	vmax.scan.msk.u32 $0xffff, v52;
	v9 =	vshra.s32 v13, v5  }
0x13d: {  	(v2sf) =	vpush v25, $0xF;
	v25 =	vld.idx.msk [tilespmem:v26+s12+$0x0], $0xffff;
	v9 =	vand.u32 $0xF, v9;
	v23 =	vshll.u32 v23, $0x4  }
0x13e: {  	s15 =	simm.s32 $0x60;
	v27 =	vshll.u32 v27, $0x4;
	v13 =	vpsel p0, v11, v8;
	v26 =	vld.idx.msk [tilespmem:v26+s10+$0x0], $0xffff;
	v23 =	vor.u32 v23, v9  }
0x13f: {  	vm2 =	vne.s32 v10, v12;
	v12 =	vor.u32 s15, v0;
	v13 =	vshra.s32 v13, v5;
	v32 =	vld.idx.msk [tilespmem:v14+s2+$0x0], $0xffff  }
0x140: {  	(v2sf) =	vpush v30, $0xF;
	vm1 =	vmor vm1, vm2;
	v14 =	vld [tilespmem:s9+$0x10];
	v31 =	vand.u32 $0xF, v13  }
0x141: {  	v9 =	vor.u32 $0x80000000, v54;
	v13 =	vsel vm1, $0x1, v1;
	vm2 =	vne.s32 v24, v21;
	v10, _, _ =	vpop (xrf0)  }
0x142: {  	(xrf0) =	vmax.scan.msk.u32 $0xffff, v9;
	vm1 =	vne.s32 v53, v20;
	v21 =	vor.u32 $0x80000000, v13;
	v20, _, _ =	vpop (xrf0);
	(v2sf) =	vpush v10, $0xF  }
0x143: {  	v24 =	vor.u32 v27, v31;
	vm1 =	vmor vm2, vm1;
	(v2sf) =	vpush v20, $0xF;
	v20 =	vld.idx.msk [tilespmem:v23+s2+$0x0], $0xffff  }
0x144: {  	vm2 =	vne.s32 v25, v15;
	v23 =	vsel vm1, $0x1, v1;
	vm1 =	vne.s32 v26, v22  }
0x145: {  	v13 =	vld [tilespmem:s21+$0x0];
	v27 =	vshll.u32 v55, $0x4;
	(xrf0) =	vmax.scan.msk.u32 $0xffff, v21;
	v15 =	vpsel p0, v14, v7;
	vm1 =	vmor vm1, vm2  }
0x146: {  	v10 =	vld [tilespmem:s20+$0x0];
	[tilespmem:s23+$0x0] =	vst v32;
	v15 =	vshra.s32 v15, v5;
	v22 =	vor.u32 $0x80000000, v23;
	v21 =	vsel vm1, $0x1, v1  }
0x147: {  	v23 =	vld [tilespmem:s19+$0x0];
	v15 =	vand.u32 $0xF, v15;
	(xrf0) =	vmax.scan.msk.u32 $0xffff, v22;
	vm1 =	vne.s32 v32, v12;
	v21 =	vor.u32 $0x80000000, v21  }
0x148: {  	v24 =	vld.idx.msk [tilespmem:v24+s2+$0x0], $0xffff;
	v25, _, _ =	vpop (xrf0);
	v27 =	vor.u32 v27, v15;
	(xrf0) =	vmax.scan.msk.u32 $0xffff, v21;
	v21 =	vsel vm1, $0x1, v1;
	vm1 =	vne.s32 v20, v6  }
0x149: {  	v26 =	vld.idx.msk [tilespmem:v32+s12+$0x0], $0xffff;
	v6 =	vor.u32 $0x80000000, v21;
	v21 =	vsel vm1, $0x1, v1  }
0x14a: {  	v22 =	vld.idx.msk [tilespmem:v32+s10+$0x0], $0xffff;
	(v2sf) =	vpush v25, $0xF  }
0x14b: {  	v15 =	vld [tilespmem:s21+$0xFFFFFFF0]  }
0x14c: {  	v12 =	vld [tilespmem:s21+$0xFFFFFFE0];
	(xrf0) =	vmax.scan.msk.u32 $0xffff, v6;
	v6 =	vor.u32 $0x80000000, v21;
	v21, _, _ =	vpop (xrf0)  }
0x14d: {  	v27 =	vld.idx.msk [tilespmem:v27+s2+$0x0], $0xffff;
	(v2sf) =	vpush v21, $0xF  }
0x14e: {  	v56 =	vpsel p0, v10, v13;
	[tilespmem:s23+$0xFFFFFFE0] =	vst v20;
	vm1 =	vne.s32 v26, v18;
	v26 =	vld [tilespmem:s19+$0xFFFFFFF0];
	v57, _, _ =	vpop (xrf0)  }
0x14f: {  	v18 =	vshra.s32 v56, v5;
	v25 =	vld.idx.msk [tilespmem:v20+s10+$0x0], $0xffff;
	(xrf0) =	vmax.scan.msk.u32 $0xffff, v6;
	(v2sf) =	vpush v57, $0xF  }
0x150: {  	vm2 =	vne.s32 v22, v16;
	v18 =	vand.u32 $0xF, v18;
	v58 =	vld.idx.msk [tilespmem:v20+s12+$0x0], $0xffff;
	v16, _, _ =	vpop (xrf0)  }
0x151: {  	s16 =	simm.s32 $0x50;
	v20 =	vshll.u32 v23, $0x4;
	vm1 =	vmor vm2, vm1;
	v6 =	vld [tilespmem:s20+$0xFFFFFFE0];
	(v2sf) =	vpush v16, $0xF  }
0x152: {  	v23 =	vld [tilespmem:s19+$0xFFFFFFE0];
	v18 =	vor.u32 v20, v18;
	v20 =	vsel vm1, $0x1, v1;
	v21 =	vor.u32 s16, v0  }
0x153: {  	vm2 =	vne.s32 v24, v21;
	v16 =	vld [tilespmem:s20+$0xFFFFFFF0]  }
0x154: {  	s25 =	simm.s32 $0x70;
	v9 =	vld [tilespmem:s21+$0x10];
	[tilespmem:s23+$0xFFFFFFF0] =	vst v24;
	s17 =	spop (v2sf);
	v59, _, _ =	vpop (xrf0);
	v60 =	vsel vm2, $0x1, v1;
	vm1 =	vne.s32 v25, v19;
	v19 =	vor.u32 $0x80000000, v20  }
0x155: {  	v22 =	vor.u32 s25, v0;
	s26 =	spop (v2sf);
	v21 =	vld.idx.msk [tilespmem:v24+s10+$0x0], $0xffff;
	[tilespmem:s23+$0x10] =	vst v27;
	v25 =	vor.u32 $0x80000000, v60;
	(xrf0) =	vmax.scan.msk.u32 $0xffff, v19;
	v20, _, _ =	vpop (xrf0)  }
0x156: {  	vm2 =	vne.s32 v27, v22;
	v22 =	vld.idx.msk [tilespmem:v24+s12+$0x0], $0xffff;
	s24 =	spop (v2sf);
	v61 =	vpsel p0, v6, v12;
	(xrf0) =	vmax.scan.msk.u32 $0xffff, v25;
	(v2sf) =	vpush v20, $0xF  }
0x157: {  	s25 =	simm.s32 $0x120A0;
	s0 =	sxor.u32 $0x80000000, s17;
	v26 =	vshll.u32 v26, $0x4;
	v63 =	vsel vm2, $0x1, v1;
	s29 =	spop (v2sf);
	v24 =	vshra.s32 v61, v5;
	v20 =	vld.idx.msk [tilespmem:v27+s12+$0x0], $0xffff  }
0x158: {  	s0 =	sor.u32 s18, s0;
	s30 =	sxor.u32 $0x80000000, s26;
	s1 =	sxor.u32 $0x80000000, s29;
	v19 =	vand.u32 $0xF, v24;
	v24 =	vshll.u32 v23, $0x4;
	v23 =	vld.idx.msk [tilespmem:v27+s10+$0x0], $0xffff;
	v62 =	vpsel p0, v16, v15  }
0x159: {  	s23 =	simm.s32 $0x80;
	s0 =	sor.u32 s1, s0;
	v27 =	vor.u32 $0x80000000, v63;
	v25 =	vor.u32 v24, v19;
	v19 =	vld.idx.msk [tilespmem:v18+s2+$0x0], $0xffff;
	v30 =	vshra.s32 v62, v5;
	s31 =	spop (v2sf)  }
0x15a: {  	vm2 =	vne.s32 v58, v17;
	s26 =	sor.u32 s30, s0;
	s0 =	simm.s32 $0xA0;
	v18 =	vld [tilespmem:s20+$0x10];
	(v2sf) =	vpush v59, $0xF;
	(xrf0) =	vmax.scan.msk.u32 $0xffff, v27;
	v24 =	vand.u32 $0xF, v30;
	s28 =	sxor.u32 $0x80000000, s31  }
.LBB2_9:
0x15b: {  	s22 =	sadd.s32 $0x4, s22;
	v17 =	vor.u32 s0, v0;
	v27 =	vld [tilespmem:s19+$0x10];
	s21 =	sadd.s32 $0x40, s21;
	vm1 =	vmor vm1, vm2;
	vm2 =	vne.s32 v21, v11;
	v11, _, _ =	vpop (xrf0)  }
0x15c: {  	s20 =	sadd.s32 $0x40, s20;
	v21 =	vld [tilespmem:s21+$0x10];
	p1 =	slt.u32 s22, $0xFC;
	v28 =	vsel vm1, $0x1, v1;
	vm1 =	vne.s32 v22, v8;
	v8, _, _ =	vpop (xrf0);
	(v2sf) =	vpush v11, $0xF;
	s0 =	spop (v2sf)  }
0x15d: {  	v11 =	vmovc v16;
	v22 =	vld [tilespmem:s20+$0x0];
	v28 =	vor.u32 $0x80000000, v28;
	vm1 =	vmor vm2, vm1;
	(v2sf) =	vpush v8, $0xF;
	s0 =	sxor.u32 $0x80000000, s0;
	v8 =	vmovc v15  }
0x15e: {  	vm2 =	vne.s32 v20, v7;
	v16 =	vld.idx.msk [tilespmem:v25+s2+$0x0], $0xffff;
	v29 =	vsel vm1, $0x1, v1;
	vm1 =	vne.s32 v23, v14;
	(xrf0) =	vmax.scan.msk.u32 $0xffff, v28;
	s1 =	spop (v2sf)  }
0x15f: {  	s19 =	sadd.s32 $0x40, s19;
	v7 =	vmovc v9;
	s0 =	sor.u32 s18, s0;
	v20 =	vld [tilespmem:s21+$0x0];
	[tilespmem:s25+$0x0] =	vst v19;
	v23 =	vpsel p0, v18, v9;
	v25 =	vor.u32 $0x80000000, v29;
	vm1 =	vmor vm1, vm2;
	s1 =	sxor.u32 $0x80000000, s1;
	v14 =	vmovc v18  }
0x160: {  	v24 =	vor.u32 v26, v24;
	s3 =	sxor.u32 $0x80000000, s24;
	v18 =	vld [tilespmem:s19+$0x0];
	v28 =	vshra.s32 v23, v5;
	v23 =	vsel vm1, $0x1, v1;
	(xrf0) =	vmax.scan.msk.u32 $0xffff, v25;
	v15, _, _ =	vpop (xrf0);
	s0 =	sor.u32 s1, s0;
	s1 =	spop (v2sf)  }
0x161: {  	v27 =	vshll.u32 v27, $0x4;
	v25 =	vld.idx.msk [tilespmem:v19+s12+$0x0], $0xffff;
	v26 =	vand.u32 $0xF, v28;
	v23 =	vor.u32 $0x80000000, v23;
	s1 =	sxor.u32 $0x80000000, s1;
	s0 =	sor.u32 s3, s0;
	v9 =	vmovc v21  }
0x162: {  	vm1 =	vne.s32 v19, v17;
	v21 =	vld.idx.msk [tilespmem:v19+s10+$0x0], $0xffff;
	v17 =	vor.u32 v27, v26;
	(xrf0) =	vmax.scan.msk.u32 $0xffff, v23;
	(v2sf) =	vpush v15, $0xF;
	s18 =	sor.u32 s1, s0;
	s0 =	sor.u32 s28, s26  }
0x163: {  	v19 =	vor.u32 s23, v0;
	v26 =	vsel vm1, $0x1, v1;
	v15 =	vld [tilespmem:s21+$0xFFFFFFF0]  }
0x164: {  	vm1 =	vne.s32 v16, v19;
	v19 =	vor.u32 $0x80000000, v26;
	v27 =	vld [tilespmem:s21+$0xFFFFFFE0];
	[tilespmem:s25+$0xFFFFFFE0] =	vst v16;
	v23, _, _ =	vpop (xrf0)  }
0x165: {  	v28 =	vsel vm1, $0x1, v1;
	v24 =	vld.idx.msk [tilespmem:v24+s2+$0x0], $0xffff;
	(xrf0) =	vmax.scan.msk.u32 $0xffff, v19;
	(v2sf) =	vpush v23, $0xF;
	s1 =	spop (v2sf)  }
0x166: {  	v23 =	vor.u32 $0x80000000, v28;
	v19 =	vld.idx.msk [tilespmem:v16+s10+$0x0], $0xffff;
	s1 =	sxor.u32 $0x80000000, s1;
	v26, _, _ =	vpop (xrf0)  }
0x167: {  	v28 =	vpsel p0, v22, v20;
	vm1 =	vne.s32 v25, v13;
	v17 =	vld.idx.msk [tilespmem:v17+s2+$0x0], $0xffff;
	(xrf0) =	vmax.scan.msk.u32 $0xffff, v23;
	(v2sf) =	vpush v26, $0xF  }
0x168: {  	v25 =	vshra.s32 v28, v5;
	vm2 =	vne.s32 v21, v10;
	v10 =	vmov v22;
	v23 =	vld [tilespmem:s20+$0xFFFFFFE0];
	v21, _, _ =	vpop (xrf0)  }
0x169: {  	s3 =	sadd.s32 $0x10, s23;
	v18 =	vshll.u32 v18, $0x4;
	v13 =	vmovc v20;
	v22 =	vand.u32 $0xF, v25;
	v28 =	vld.idx.msk [tilespmem:v16+s12+$0x0], $0xffff;
	s4 =	spop (v2sf);
	(v2sf) =	vpush v21, $0xF  }
0x16a: {  	v20 =	vor.u32 s3, v0;
	s3 =	sadd.s32 $0x30, s23;
	v18 =	vor.u32 v18, v22;
	vm1 =	vmor vm2, vm1;
	v16 =	vld [tilespmem:s20+$0xFFFFFFF0]  }
0x16b: {  	v22 =	vor.u32 s3, v0;
	v30 =	vsel vm1, $0x1, v1;
	vm2 =	vne.s32 v24, v20;
	v25 =	vld [tilespmem:s19+$0xFFFFFFE0];
	[tilespmem:s25+$0xFFFFFFF0] =	vst v24;
	v29, _, _ =	vpop (xrf0);
	s24 =	spop (v2sf)  }
0x16c: {  	vm1 =	vne.s32 v19, v6;
	v31 =	vsel vm2, $0x1, v1;
	v19 =	vor.u32 $0x80000000, v30;
	v26 =	vld [tilespmem:s19+$0xFFFFFFF0];
	s3 =	spop (v2sf)  }
0x16d: {  	s0 =	sor.u32 s0, s1;
	v30 =	vor.u32 $0x80000000, v31;
	vm2 =	vne.s32 v17, v22;
	v21 =	vld.idx.msk [tilespmem:v24+s10+$0x0], $0xffff;
	[tilespmem:s25+$0x10] =	vst v17;
	v20, _, _ =	vpop (xrf0);
	(xrf0) =	vmax.scan.msk.u32 $0xffff, v19;
	s3 =	sxor.u32 $0x80000000, s3;
	s25 =	smov.u32 s19  }
.Ltmp6:
0x16e: {  	v19 =	vpsel p0, v23, v27;
	v6 =	vmovc v23;
	v22 =	vld.idx.msk [tilespmem:v24+s12+$0x0], $0xffff;
	(v2sf) =	vpush v20, $0xF;
	(xrf0) =	vmax.scan.msk.u32 $0xffff, v30;
	s0 =	sor.u32 s3, s0;
	(pc) =	sbr.rel @p1 .LBB2_9-.Ltmp6, $4  }
0x16f: {  	v19 =	vshra.s32 v19, v5;
	v30 =	vsel vm2, $0x1, v1;
	v23 =	vpsel p0, v16, v15;
	v20 =	vld.idx.msk [tilespmem:v17+s12+$0x0], $0xffff  }
0x170: {  	s1 =	sxor.u32 $0x80000000, s4;
	v19 =	vand.u32 $0xF, v19;
	v24 =	vshll.u32 v25, $0x4;
	v31 =	vshra.s32 v23, v5;
	v23 =	vld.idx.msk [tilespmem:v17+s10+$0x0], $0xffff  }
0x171: {  	s23 =	sadd.s32 $0x40, s23;
	s26 =	sor.u32 s1, s0;
	v17 =	vor.u32 $0x80000000, v30;
	v25 =	vor.u32 v24, v19;
	v24 =	vand.u32 $0xF, v31;
	v19 =	vld.idx.msk [tilespmem:v18+s2+$0x0], $0xffff;
	s1 =	spop (v2sf)  }
0x172: {  	vm2 =	vne.s32 v28, v12;
	v12 =	vmovc v27;
	s0 =	sadd.s32 $0x20, s23;
	v26 =	vshll.u32 v26, $0x4;
	v18 =	vld [tilespmem:s20+$0x10];
	(v2sf) =	vpush v29, $0xF;
	(xrf0) =	vmax.scan.msk.u32 $0xffff, v17;
	s28 =	sxor.u32 $0x80000000, s1  }
0x173: {  	_ = 	snop  }
0x174: {  	v17 =	vld [tilespmem:s19+$0x10];
	_ =	sdelay $0x2  }
0x175: {  	v27 =	vpsel p0, v18, v9  }
0x176: {  	v24 =	vor.u32 v26, v24;
	v5 =	vshra.s32 v27, v5  }
0x177: {  	v17 =	vshll.u32 v17, $0x4;
	v5 =	vand.u32 $0xF, v5  }
0x178: {  	v5 =	vor.u32 v17, v5  }
0x179: {  	v40 =	vld.idx.msk [tilespmem:v25+s2+$0x0], $0xffff;
	_ =	sdelay $0x1  }
0x17a: {  	v24 =	vld.idx.msk [tilespmem:v24+s2+$0x0], $0xffff  }
0x17b: {  	vm1 =	vmor vm1, vm2;
	vm2 =	vne.s32 v22, v8;
	v45 =	vor.u32 s0, v0  }
0x17c: {  	v42, _, _ =	vpop (xrf0);
	v48 =	vor.u32 s23, v0;
	v41 =	vsel vm1, $0x1, v1;
	vm1 =	vne.s32 v21, v11;
	[tilespmem:s25+$0x0] =	vst v19;
	v5 =	vld.idx.msk [tilespmem:v5+s2+$0x0], $0xffff  }
0x17d: {  	(v2sf) =	vpush v42, $0xF;
	vm1 =	vmor vm1, vm2;
	vm2 =	vne.s32 v20, v7;
	v7 =	vld.idx.msk [tilespmem:v19+s12+$0x0], $0xffff  }
0x17e: {  	v43, _, _ =	vpop (xrf0);
	v25 =	vor.u32 $0x80000000, v41;
	v44 =	vsel vm1, $0x1, v1;
	vm1 =	vne.s32 v23, v14;
	v46 =	vld.idx.msk [tilespmem:v19+s10+$0x0], $0xffff  }
0x17f: {  	(v2sf) =	vpush v43, $0xF;
	vm1 =	vmor vm1, vm2;
	v11 =	vor.u32 $0x80000000, v44;
	[tilespmem:s25+$0xFFFFFFE0] =	vst v40  }
0x180: {  	(xrf0) =	vmax.scan.msk.u32 $0xffff, v25;
	v47 =	vsel vm1, $0x1, v1;
	vm1 =	vne.s32 v19, v45;
	vm2 =	vne.s32 v40, v48;
	v50 =	vld.idx.msk [tilespmem:v40+s10+$0x0], $0xffff  }
0x181: {  	v49, _, _ =	vpop (xrf0);
	v20 =	vor.u32 $0x80000000, v47;
	v19 =	vsel vm1, $0x1, v1;
	v52 =	vsel vm2, $0x1, v1;
	v17 =	vld.idx.msk [tilespmem:v40+s12+$0x0], $0xffff;
	[tilespmem:s25+$0xFFFFFFF0] =	vst v24  }
0x182: {  	s6 =	sadd.s32 $0x10, s23;
	(xrf0) =	vmax.scan.msk.u32 $0xffff, v11;
	(v2sf) =	vpush v49, $0xF;
	v53 =	vor.u32 $0x80000000, v19;
	v54 =	vor.u32 $0x80000000, v52;
	v55 =	vld.idx.msk [tilespmem:v24+s10+$0x0], $0xffff  }
0x183: {  	s7 =	sadd.s32 $0x30, s23;
	vm1 =	vne.s32 v7, v13;
	vm2 =	vne.s32 v46, v10;
	v7 =	vor.u32 s6, v0;
	v56 =	vld.idx.msk [tilespmem:v24+s12+$0x0], $0xffff;
	[tilespmem:s25+$0x10] =	vst v5  }
0x184: {  	(xrf0) =	vmax.scan.msk.u32 $0xffff, v20;
	vm1 =	vmor vm2, vm1;
	vm2 =	vne.s32 v24, v7;
	v7 =	vor.u32 s7, v0;
	v57 =	vld.idx.msk [tilespmem:v5+s12+$0x0], $0xffff  }
0x185: {  	v58 =	vsel vm1, $0x1, v1;
	v59 =	vsel vm2, $0x1, v1;
	vm1 =	vne.s32 v5, v7;
	v5 =	vld.idx.msk [tilespmem:v5+s10+$0x0], $0xffff  }
0x186: {  	(xrf0) =	vmax.scan.msk.u32 $0xffff, v53;
	vm2 =	vne.s32 v50, v6;
	v6 =	vsel vm1, $0x1, v1;
	vm1 =	vne.s32 v17, v12  }
0x187: {  	(xrf0) =	vmax.scan.msk.u32 $0xffff, v54;
	v60 =	vor.u32 $0x80000000, v59;
	v7 =	vor.u32 $0x80000000, v58;
	vm1 =	vmor vm2, vm1  }
0x188: {  	v51, _, _ =	vpop (xrf0);
	(xrf0) =	vmax.scan.msk.u32 $0xffff, v7;
	vm2 =	vne.s32 v55, v16;
	v7 =	vsel vm1, $0x1, v1;
	vm1 =	vne.s32 v56, v15  }
0x189: {  	v61, _, _ =	vpop (xrf0);
	(xrf0) =	vmax.scan.msk.u32 $0xffff, v60;
	v6 =	vor.u32 $0x80000000, v6;
	v7 =	vor.u32 $0x80000000, v7;
	vm1 =	vmor vm2, vm1  }
0x18a: {  	v62, _, _ =	vpop (xrf0);
	(xrf0) =	vmax.scan.msk.u32 $0xffff, v6;
	v6 =	vsel vm1, $0x1, v1;
	vm1 =	vne.s32 v5, v18;
	vm2 =	vne.s32 v57, v9  }
0x18b: {  	(v2sf) =	vpush v51, $0xF;
	vm1 =	vmor vm1, vm2  }
0x18c: {  	(v2sf) =	vpush v61, $0xF;
	v6 =	vor.u32 $0x80000000, v6;
	v5, _, _ =	vpop (xrf0);
	(xrf0) =	vmax.scan.msk.u32 $0xffff, v7;
	v63 =	vsel vm1, $0x1, v1  }
0x18d: {  	(v2sf) =	vpush v62, $0xF;
	v7, _, _ =	vpop (xrf0);
	(xrf0) =	vmax.scan.msk.u32 $0xffff, v6;
	v6 =	vor.u32 $0x80000000, v63  }
0x18e: {  	(v2sf) =	vpush v7, $0xF  }
0x18f: {  	(v2sf) =	vpush v5, $0xF;
	v5, _, _ =	vpop (xrf0);
	(xrf0) =	vmax.scan.msk.u32 $0xffff, v6  }
0x190: {  	(v2sf) =	vpush v5, $0xF;
	v6, _, _ =	vpop (xrf0)  }
0x191: {  	v5, _, _ =	vpop (xrf0);
	(v2sf) =	vpush v6, $0xF  }
0x192: {  	s8 =	spop (v2sf);
	(v2sf) =	vpush v5, $0xF;
	v5, _, _ =	vpop (xrf0)  }
0x193: {  	s1 =	spop (v2sf);
	(v2sf) =	vpush v5, $0xF;
	v5, _, _ =	vpop (xrf0)  }
0x194: {  	s3 =	spop (v2sf);
	(v2sf) =	vpush v5, $0xF  }
0x195: {  	s4 =	spop (v2sf);
	v5, _, _ =	vpop (xrf0)  }
0x196: {  	s5 =	spop (v2sf);
	(v2sf) =	vpush v5, $0xF  }
0x197: {  	s9 =	spop (v2sf)  }
0x198: {  	s0 =	sxor.u32 $0x80000000, s8;
	s11 =	spop (v2sf)  }
0x199: {  	s0 =	sor.u32 s18, s0;
	s1 =	sxor.u32 $0x80000000, s1;
	s13 =	spop (v2sf)  }
0x19a: {  	s0 =	sor.u32 s1, s0;
	s6 =	sxor.u32 $0x80000000, s24;
	s8 =	spop (v2sf)  }
0x19b: {  	s3 =	sxor.u32 $0x80000000, s3;
	s0 =	sor.u32 s6, s0;
	s14 =	spop (v2sf)  }
0x19c: {  	s7 =	sor.u32 s28, s26;
	s4 =	sxor.u32 $0x80000000, s4;
	s15 =	spop (v2sf)  }
0x19d: {  	s0 =	sor.u32 s3, s0;
	s4 =	sor.u32 s7, s4;
	s16 =	spop (v2sf)  }
0x19e: {  	s5 =	sxor.u32 $0x80000000, s5;
	s1 =	sxor.u32 $0x80000000, s9;
	s17 =	spop (v2sf)  }
0x19f: {  	s6 =	sxor.u32 $0x80000000, s11;
	s8 =	sxor.u32 $0x80000000, s8;
	s18 =	spop (v2sf)  }
0x1a0: {  	s0 =	sor.u32 s0, s8;
	s7 =	sxor.u32 $0x80000000, s14;
	s19 =	spop (v2sf)  }
0x1a1: {  	s4 =	sor.u32 s6, s4;
	s0 =	sor.u32 s7, s0;
	s20 =	spop (v2sf)  }
0x1a2: {  	s6 =	sxor.u32 $0x80000000, s15;
	s0 =	sor.u32 s1, s0;
	s22 =	spop (v2sf)  }
0x1a3: {  	s0 =	sor.u32 s6, s0;
	s23 =	sxor.u32 $0x80000000, s22;
	s24 =	spop (v2sf)  }
0x1a4: {  	s4 =	sor.u32 s5, s4;
	s5 =	sxor.u32 $0x80000000, s24;
	s0 =	sor.u32 s0, s23  }
0x1a5: {  	s25 =	sxor.u32 $0x80000000, s18;
	s26 =	spop (v2sf);
	s0 =	sor.u32 s5, s0  }
0x1a6: {  	s30 =	rddreg [dreg:$0x9];
	s28 =	sxor.u32 $0x80000000, s26;
	s0 =	sor.u32 s25, s0  }
0x1a7: {  	p0 =	sgt.u32 s30, $0x8;
	s0 =	sor.u32 s28, s0  }
0x1a8: {  	p1 =	sgt.s32 @!p0 s0, $0x0  }
0x1a9: {  	s3 =	sxor.u32 $0x80000000, s13;
	p1 =	por p0, !p1  }
.Ltmp7:
0x1aa: {  	s3 =	sor.u32 s3, s4;
	s21 =	sxor.u32 $0x80000000, s16;
	(pc) =	sbr.rel @!p1 .LBB2_6-.Ltmp7, $4  }
0x1ab: {  	s3 =	sor.u32 s3, s21;
	s1 =	sxor.u32 $0x80000000, s19  }
0x1ac: {  	s29 =	sxor.u32 $0x80000000, s17;
	s1 =	sor.u32 s1, s3  }
0x1ad: {  	s31 =	sxor.u32 $0x80000000, s20;
	s1 =	sor.u32 s29, s1  }
0x1ae: {  	s3 =	sadd.s32 $0x1, s30;
	s0 =	sor.u32 s31, s1  }
0x1af: {  	s0 =	smov.u32 @p0 s0  }
.LBB2_12:
0x1b0: {  	p0 =	sne.s32 s0, $0x0  }
.Ltmp8:
0x1b1: {  	_ = 	snop;
	(pc) =	sbr.rel @!p0 .LBB2_13-.Ltmp8, $1  }
0x1b2: {  	_ =	sdelay $0x3  }
0x1b3: {  	p0 =	slt.s32 s0, $0x1  }
.Ltmp9:
0x1b4: {  	_ = 	snop;
	(pc) =	sbr.rel @p0 .LBB2_22-.Ltmp9, $2  }
0x1b5: {  	_ =	sdelay $0x2  }
0x1b6: {  	s9 =	simm.s32 $0x1;
	s5 =	rddreg [dreg:$0x8]  }
0x1b7: {  	s1 =	simm.s32 $0xFF0;
	s3 =	simm.s32 $0x12FF0;
	s4 =	simm.s32 $0x15000  }
.LBB2_18:
0x1b8: {  	v5 =	vld [tilespmem:s3+$0x0];
	_ =	sdelay $0x4  }
0x1b9: {  	v5 =	vshll.u32 v5, $0xC  }
0x1ba: {  	v5 =	vor.u32 s1, v5  }
0x1bb: {  	v5 =	vor.u32 v0, v5  }
0x1bc: {  	(xrf1) =	vsort.ascd.msk.u32 $0xffff, v5, v5;
	_ =	sdelay $0xd  }
0x1bd: {  	v5, _, _ =	vpop (xrf1)  }
0x1be: {  	[tilespmem:$0x15000] =	vst v5  }
0x1bf: {  	v6 =	vld.idx.msk [tilespmem:v3+s4+$0x0], $0xffff;
	_ =	sdelay $0x4  }
0x1c0: {  	v7 =	vshra.s32 v5, $0xC;
	v6 =	vshra.s32 v6, $0xC  }
0x1c1: {  	vm1 =	vne.s32 v7, v6  }
0x1c2: {  	vm1 =	vmor vm1, vm0  }
0x1c3: {  	p0 =	sne.s32 s1, $0x0  }
.Ltmp10:
0x1c4: {  	_ = 	snop;
	(pc) =	sbr.rel @p0 .LBB2_18-.Ltmp10, $3  }
0x1c5: {  	_ =	sdelay $0x1  }
0x1c6: {  	s0 =	simm.s32 $0x0;
	v5 =	vand.u32 $0xFFF, v5  }
0x1c7: {  	s3 =	sadd.s32 $0xFFFFFFF0, s3;
	s1 =	sadd.s32 $0xFFFFFFF0, s1;
	[tilespmem:v7+s0+$0x0] =	vst.idx.msk vm1, v5  }
0x1c8: {  	s1 =	simm.s32 $0x12020  }
0x1c9: {  	v5 =	vld [tilespmem:s1+$0x10]  }
0x1ca: {  	v6 =	vld [tilespmem:s1+$0xFFFFFFE0]  }
0x1cb: {  	v7 =	vld [tilespmem:s1+$0xFFFFFFF0]  }
0x1cc: {  	s28 =	simm.s32 $0x13020;
	v8 =	vld [tilespmem:s1+$0x0]  }
0x1cd: {  	s3 =	simm.s32 $0x12060;
	v10 =	vld [tilespmem:s28+$0x10]  }
0x1ce: {  	v11 =	vld [tilespmem:s3+$0x10]  }
0x1cf: {  	v12 =	vld [tilespmem:s3+$0xFFFFFFE0]  }
0x1d0: {  	v13 =	vld [tilespmem:s3+$0xFFFFFFF0]  }
0x1d1: {  	v15 =	vld [tilespmem:s28+$0xFFFFFFE0]  }
0x1d2: {  	v16 =	vld [tilespmem:s28+$0xFFFFFFF0]  }
0x1d3: {  	v9 =	vld.idx.msk [tilespmem:v5+s2+$0x0], $0xffff  }
0x1d4: {  	v6 =	vld.idx.msk [tilespmem:v6+s2+$0x0], $0xffff  }
0x1d5: {  	v7 =	vld.idx.msk [tilespmem:v7+s2+$0x0], $0xffff  }
0x1d6: {  	s29 =	simm.s32 $0x30;
	v5 =	vld [tilespmem:s3+$0x0]  }
0x1d7: {  	v14 =	vld.idx.msk [tilespmem:v8+s2+$0x0], $0xffff;
	v8 =	vor.u32 s29, v0  }
0x1d8: {  	s30 =	simm.s32 $0x10;
	vm1 =	veq.s32 v9, v8;
	v9 =	vld [tilespmem:s28+$0x0]  }
0x1d9: {  	v17 =	vor.u32 s0, v0;
	s1 =	simm.s32 $0x13060;
	vm2 =	vne.s32 v10, $0x0;
	v10 =	vor.u32 s30, v0;
	v8 =	vld.idx.msk [tilespmem:v11+s2+$0x0], $0xffff  }
0x1da: {  	s31 =	simm.s32 $0x20;
	vm4 =	veq.s32 v6, v17;
	vm2 =	vmand vm1, vm2;
	vm1 =	veq.s32 v7, v10;
	v10 =	vld [tilespmem:s1+$0x10]  }
0x1db: {  	s0 =	simm.s32 $0x14020;
	s5 =	simm.s32 $0x4;
	v6 =	vor.u32 s31, v0;
	v7 =	vld.idx.msk [tilespmem:v12+s2+$0x0], $0xffff;
	v11 =	vsel vm2, $0x3F800000, v4;
	vm2 =	vne.s32 v15, $0x0  }
0x1dc: {  	s6 =	simm.s32 $0x120A0;
	s4 =	simm.s32 $0x40;
	s3 =	simm.s32 $0x14020;
	vm3 =	veq.s32 v14, v6;
	v6 =	vld.idx.msk [tilespmem:v13+s2+$0x0], $0xffff;
	[tilespmem:s0+$0x10] =	vst v11;
	vm2 =	vmand vm4, vm2;
	vm4 =	vne.s32 v16, $0x0  }
.LBB2_20:
0x1dd: {  	v11 =	vld [tilespmem:s6+$0x10];
	s5 =	sadd.s32 $0x4, s5;
	v12 =	vor.u32 s4, v0;
	s7 =	sadd.s32 $0x10, s4;
	s8 =	sadd.s32 $0x30, s4;
	vm1 =	vmand vm1, vm4;
	vm4 =	vne.s32 v9, $0x0  }
0x1de: {  	v13 =	vld [tilespmem:s6+$0xFFFFFFE0];
	p0 =	slt.u32 s5, $0xFC;
	v9 =	vor.u32 s7, v0;
	s7 =	sadd.s32 $0x20, s4;
	v14 =	vor.u32 s8, v0;
	vm3 =	vmand vm3, vm4  }
0x1df: {  	v15 =	vld [tilespmem:s6+$0xFFFFFFF0];
	v16 =	vor.u32 s7, v0;
	vm4 =	veq.s32 v8, v14;
	vm5 =	vne.s32 v10, $0x0  }
0x1e0: {  	v8 =	vsel vm2, $0x3F800000, v4;
	v14 =	vsel vm1, $0x3F800000, v4;
	v10 =	vld [tilespmem:s6+$0x0];
	vm4 =	vmand vm4, vm5  }
0x1e1: {  	s3 =	sadd.s32 $0x40, s3;
	vm2 =	veq.s32 v7, v12;
	v7 =	vsel vm3, $0x3F800000, v4;
	v12 =	vld.idx.msk [tilespmem:v5+s2+$0x0], $0xffff;
	v5 =	vsel vm4, $0x3F800000, v4;
	[tilespmem:s0+$0xFFFFFFE0] =	vst v8  }
0x1e2: {  	vm1 =	veq.s32 v6, v9;
	v17 =	vld [tilespmem:s1+$0xFFFFFFE0];
	[tilespmem:s3+$0x10] =	vst v5  }
0x1e3: {  	v18 =	vld [tilespmem:s1+$0xFFFFFFF0];
	[tilespmem:s0+$0xFFFFFFF0] =	vst v14  }
.Ltmp11:
0x1e4: {  	v9 =	vld [tilespmem:s1+$0x0];
	[tilespmem:s0+$0x0] =	vst v7;
	s0 =	smov.u32 s3;
	(pc) =	sbr.rel @p0 .LBB2_20-.Ltmp11, $4  }
0x1e5: {  	s1 =	sadd.s32 $0x40, s1;
	v8 =	vld.idx.msk [tilespmem:v11+s2+$0x0], $0xffff;
	v5 =	vmov v10  }
0x1e6: {  	v10 =	vld [tilespmem:s1+$0x10]  }
0x1e7: {  	vm3 =	veq.s32 v12, v16;
	v7 =	vld.idx.msk [tilespmem:v13+s2+$0x0], $0xffff;
	vm4 =	vne.s32 v17, $0x0  }
0x1e8: {  	s4 =	sadd.s32 $0x40, s4;
	s6 =	sadd.s32 $0x40, s6;
	v6 =	vld.idx.msk [tilespmem:v15+s2+$0x0], $0xffff;
	vm2 =	vmand vm2, vm4;
	vm4 =	vne.s32 v18, $0x0  }
0x1e9: {  	_ =	sdelay $0x3  }
0x1ea: {  	v5 =	vld.idx.msk [tilespmem:v5+s2+$0x0], $0xffff  }
0x1eb: {  	s5 =	sadd.s32 $0x30, s4;
	vm1 =	vmand vm1, vm4;
	v12 =	vld [tilespmem:s1+$0xFFFFFFE0];
	vm13 =	vne.s32 v9, $0x0  }
0x1ec: {  	v58 =	vld [tilespmem:s1+$0xFFFFFFF0];
	v59 =	vor.u32 s4, v0;
	v13 =	vsel vm2, $0x3F800000, v4;
	v11 =	vor.u32 s5, v0  }
0x1ed: {  	s29 =	sadd.s32 $0x10, s4;
	v60 =	vld [tilespmem:s1+$0x0];
	vm3 =	vmand vm3, vm13;
	vm5 =	veq.s32 v8, v11;
	vm6 =	vne.s32 v10, $0x0  }
0x1ee: {  	s30 =	sadd.s32 $0x20, s4;
	v61 =	vor.u32 s29, v0;
	v62 =	vsel vm1, $0x3F800000, v4;
	vm14 =	vmand vm5, vm6  }
0x1ef: {  	[tilespmem:s0+$0xFFFFFFE0] =	vst v13;
	vm2 =	veq.s32 v7, v59;
	v7 =	vor.u32 s30, v0;
	v63 =	vsel vm14, $0x3F800000, v4  }
0x1f0: {  	s31 =	sadd.s32 $0x40, s3;
	[tilespmem:s0+$0xFFFFFFF0] =	vst v62;
	vm1 =	veq.s32 v6, v61;
	v6 =	vsel vm3, $0x3F800000, v4;
	vm3 =	vne.s32 v12, $0x0  }
0x1f1: {  	[tilespmem:s31+$0x10] =	vst v63;
	vm15 =	veq.s32 v5, v7;
	vm2 =	vmand vm2, vm3;
	vm3 =	vne.s32 v58, $0x0  }
.Ltmp12:
0x1f2: {  	[tilespmem:s0+$0x0] =	vst v6;
	vm1 =	vmand vm1, vm3;
	vm3 =	vne.s32 v60, $0x0;
	v5 =	vsel vm2, $0x3F800000, v4;
	(pc) =	sbr.rel .LBB2_22-.Ltmp12, $4  }
0x1f3: {  	vm2 =	vmand vm15, vm3;
	v6 =	vsel vm1, $0x3F800000, v4;
	[tilespmem:s31+$0xFFFFFFE0] =	vst v5  }
0x1f4: {  	v5 =	vsel vm2, $0x3F800000, v4;
	[tilespmem:s31+$0xFFFFFFF0] =	vst v6  }
0x1f5: {  	[tilespmem:s31+$0x0] =	vst v5  }
0x1f6: {  	s5 =	rddreg [dreg:$0x8]  }
.LBB2_13:
0x1f7: {  	s0 =	simm.s32 $0x13020  }
0x1f8: {  	v5 =	vld [tilespmem:s0+$0xFFFFFFE0]  }
0x1f9: {  	v7 =	vld [tilespmem:s0+$0x10]  }
0x1fa: {  	v8 =	vld [tilespmem:s0+$0x0]  }
0x1fb: {  	v9 =	vld [tilespmem:s0+$0xFFFFFFF0];
	_ =	sdelay $0x1  }
0x1fc: {  	s1 =	simm.s32 $0x13060;
	vm1 =	veq.s32 v5, $0x0  }
0x1fd: {  	s0 =	simm.s32 $0x14020;
	v6 =	vld [tilespmem:s1+$0xFFFFFFE0];
	v10 =	vsel vm1, $0x0, v2;
	vm1 =	veq.s32 v7, $0x0  }
0x1fe: {  	v5 =	vld [tilespmem:s1+$0x10];
	vm2 =	veq.s32 v8, $0x0;
	[tilespmem:s0+$0xFFFFFFE0] =	vst v10;
	v8 =	vsel vm1, $0x0, v2  }
0x1ff: {  	v7 =	vld [tilespmem:s1+$0x0];
	vm1 =	veq.s32 v9, $0x0;
	v10 =	vsel vm2, $0x0, v2;
	[tilespmem:s0+$0x10] =	vst v8  }
0x200: {  	s3 =	simm.s32 $0x4;
	s9 =	simm.s32 $0x1;
	v8 =	vld [tilespmem:s1+$0xFFFFFFF0];
	v9 =	vsel vm1, $0x0, v2;
	[tilespmem:s0+$0x0] =	vst v10  }
.LBB2_14:
0x201: {  	s3 =	sadd.s32 $0x4, s3  }
0x202: {  	[tilespmem:s0+$0xFFFFFFF0] =	vst v9;
	s0 =	sadd.s32 $0x40, s0;
	p0 =	slt.u32 s3, $0xFC  }
.Ltmp13:
0x203: {  	s1 =	sadd.s32 $0x40, s1;
	vm1 =	veq.s32 v6, $0x0;
	(pc) =	sbr.rel @p0 .LBB2_14-.Ltmp13, $4  }
0x204: {  	v6 =	vld [tilespmem:s1+$0xFFFFFFE0];
	v9 =	vsel vm1, $0x0, v2;
	vm1 =	veq.s32 v5, $0x0  }
0x205: {  	v5 =	vld [tilespmem:s1+$0x10];
	[tilespmem:s0+$0xFFFFFFE0] =	vst v9;
	vm2 =	veq.s32 v7, $0x0;
	v9 =	vsel vm1, $0x0, v2  }
0x206: {  	v7 =	vld [tilespmem:s1+$0x0];
	vm1 =	veq.s32 v8, $0x0;
	v10 =	vsel vm2, $0x0, v2;
	[tilespmem:s0+$0x10] =	vst v9  }
0x207: {  	v8 =	vld [tilespmem:s1+$0xFFFFFFF0];
	v9 =	vsel vm1, $0x0, v2;
	[tilespmem:s0+$0x0] =	vst v10  }
0x208: {  	_ = 	snop  }
0x209: {  	vm1 =	veq.s32 v6, $0x0  }
0x20a: {  	[tilespmem:s0+$0xFFFFFFF0] =	vst v9;
	s31 =	sadd.s32 $0x40, s0;
	v6 =	vsel vm1, $0x0, v2;
	vm1 =	veq.s32 v5, $0x0  }
.Ltmp14:
0x20b: {  	[tilespmem:s31+$0xFFFFFFE0] =	vst v6;
	vm2 =	veq.s32 v7, $0x0;
	v5 =	vsel vm1, $0x0, v2;
	(pc) =	sbr.rel .LBB2_22-.Ltmp14, $4  }
0x20c: {  	vm1 =	veq.s32 v8, $0x0;
	v6 =	vsel vm2, $0x0, v2;
	[tilespmem:s31+$0x10] =	vst v5  }
0x20d: {  	v5 =	vsel vm1, $0x0, v2;
	[tilespmem:s31+$0x0] =	vst v6  }
0x20e: {  	[tilespmem:s31+$0xFFFFFFF0] =	vst v5  }
0x20f: {  	s5 =	rddreg [dreg:$0x8]  }
.LBB2_23:
0x210: {  	_ =	sfence.sel $0x180000  }
0x211: {  	[bflag:$0x0] =	sbarrier.arrive $0xFFFF  }
0x212: {  	_ =	strace $0x9000004A  }
0x213: {  	s0 =	stileid.u32;
	[bflag:$0x2] =	sbarrier.arrive $0xFFFF  }
0x214: {  	p0 =	sne.s32 s0, $0x0;
	s0 =	rddreg [dreg:$0x2]  }
0x215: {  	s0 =	sadd.s32 @!p0 $0x100000, s0  }
0x216: {  	[sflag:s0] =	ssyncadd.tile.s32 @!p0 $0x1;
	_ =	shalt  }
.Lfunc_end2:
_tile_overlayer_lowered:
.L_overlay_start_2:
0x217: {  	(tag) =	ssettag $0x2  }
0x218: {  	s0 =	rddreg [dreg:$0x0];
	s2 =	stileid.u32  }
0x219: {  	s1 =	rddreg [dreg:$0x1];
	p0 =	sne.s32 s2, $0x0  }
0x21a: {  	s3 =	rddreg [dreg:$0x2];
	[bflag:$0x3] =	sbarrier.arrive $0xFFFF;
	s2 =	simm.s32 @!p0 $0x1C01  }
0x21b: {  	[timem:s3], [sflag:s2] =	dma.local @!p0 [hbm:s0], s1  }
0x21c: {  	s0 =	simm.s32 @!p0 $0x1  }
0x21d: {  	_ =	swait.ge @!p0 [sflag:s0], s1  }
0x21e: {  	s1 =	ssub.s32 @!p0 $0x0, s1;
	[sflag:s0] =	ssyncset.done @!p0 $0x0  }
0x21f: {  	[sflag:s0] =	ssyncadd.s32 @!p0 s1  }
0x220: {  	[bflag:$0x3] =	sbarrier.arrive $0xFFFF  }
0x221: {  	_ =	shalt  }

// kernel: kernel.7.cloned.1.call-start
scs
__scs_entry_jumppad:
0x0: {  	(pc) =	sbr.rel $0x88, $3  }
0x1: {  	(tag) =	ssettag $0x0;
	lr =	simm.s32 $0x1  }
0x2: {  	[smem:$0x3F9E] =	sst lr;
	_ =	strace $0xD0000000  }
0x3: {  	_ = 	snop  }
0x4: {  	_ = 	snop  }
0x5: {  	_ = 	snop  }
0x6: {  	_ = 	snop  }
0x7: {  	_ = 	snop  }
__scs_overlays_trampoline_lowered:
0x8: {  	[smem:$0x3FAD] =	sst s0  }
0x9: {  	[smem:$0x3FAE] =	sst s1  }
0xa: {  	[smem:$0x3FAF] =	sst s2  }
0xb: {  	[smem:$0x3FB0] =	sst s3  }
0xc: {  	[smem:$0x3FB1] =	sst s4  }
0xd: {  	[smem:$0x3FB2] =	sst s5  }
0xe: {  	[smem:$0x3FB3] =	sst s6  }
0xf: {  	[smem:$0x3FB4] =	sst s7  }
0x10: {  	[smem:$0x3FB5] =	sst s8  }
0x11: {  	[smem:$0x3FB6] =	sst s9;
	s0 =	simm.s32 @!p0 $0x0  }
0x12: {  	s1 =	sld [smem:$0x3F9C];
	s0 =	simm.s32 @p0 $0x1  }
0x13: {  	[smem:$0x3FB7] =	sst s0;
	s0 =	simm.s32 @!p1 $0x0  }
0x14: {  	s2 =	sld [smem:$0x3F9B];
	s0 =	simm.s32 @p1 $0x1  }
0x15: {  	[smem:$0x3FB8] =	sst s0;
	s0 =	simm.s32 @!p2 $0x0  }
0x16: {  	s3 =	sld [smem:$0x3FDB];
	s0 =	simm.s32 @p2 $0x1  }
0x17: {  	s4 =	simm.s32 $0x1BF5;
	[smem:$0x3FBA] =	sst s0  }
0x18: {  	s0 =	sld [smem:$0x3F9D];
	_ =	swait.ge [sflag:s4], $0x0  }
0x19: {  	s7 =	sld [smem:$0x3F9E]  }
0x1a: {  	s8 =	sadd.s32 $0xFFFFE003, lr  }
0x1b: {  	s9 =	sadd.s32 $0xFFFFFEF7, lr;
	s5 =	simm.s32 $0xFFFFFFFF;
	p2 =	slt.u32 s8, $0xFFFFF086  }
0x1c: {  	p1 =	slt.u32 s9, $0xF7A;
	s5 =	simm.s32 @!p2 $0x0  }
0x1d: {  	s5 =	simm.s32 @p1 $0x1;
	p0 =	seq.s32 s7, s2  }
0x1e: {  	s7 =	smul.u32 @!p0 $0xF7A, s2;
	p2 =	seq.s32 @!p0 s5, $0x0  }
0x1f: {  	s9 =	smul.u32 $0xF7A, s1;
	s8 =	simm.s32 @!p0 $0x1BF5;
	p2 =	por !p2, p0  }
0x20: {  	[sflag:s8] =	ssyncset.s32 @!p0 $0xFFFFF086;
	s6 =	sadd.s32 @!p0 s3, s7;
	s7 =	simm.s32 @!p0 $0x108  }
0x21: {  	s3 =	sadd.s32 s3, s9;
	s6 =	sadd.s32 @!p0 $0x88, s6;
	s7 =	simm.s32 @p2 $0x1082  }
0x22: {  	[simem:s7], [sflag:s8] =	dma.local @!p0 [hbm:s6], $0xF7A  }
0x23: {  	s9 =	sor.u32 $0xD0000000, s2;
	s6 =	simm.s32 $0x108;
	_ =	swait.ge @!p0 [sflag:s8], $0x0  }
0x24: {  	s3 =	sadd.s32 $0x88, s3;
	s6 =	simm.s32 @!p1 $0x1082;
	[sflag:s4] =	ssyncset.s32 $0xFFFFF086  }
0x25: {  	[simem:s6], [sflag:s4] =	dma.local [hbm:s3], $0xF7A  }
0x26: {  	[smem:$0x3F9E] =	sst s1;
	(tag) =	ssettag s2;
	_ =	strace s9  }
0x27: {  	s1 =	sld [smem:$0x3FAE]  }
0x28: {  	s2 =	sld [smem:$0x3FAF]  }
0x29: {  	s4 =	sld [smem:$0x3FB1]  }
0x2a: {  	p0 =	seq.s32 s5, $0x0;
	s5 =	sld [smem:$0x3FB2]  }
0x2b: {  	s6 =	sld [smem:$0x3FB3]  }
0x2c: {  	s7 =	sld [smem:$0x3FB4]  }
0x2d: {  	s3 =	simm.s32 $0x108;
	s8 =	sld [smem:$0x3FB5]  }
0x2e: {  	s3 =	simm.s32 @!p0 $0x1082;
	s9 =	sld [smem:$0x3FB6]  }
0x2f: {  	lr =	sadd.s32 s0, s3;
	s0 =	sld [smem:$0x3FAD]  }
0x30: {  	s3 =	sld [smem:$0x3FB0]  }
0x31: {  	[smem:$0x3FB9] =	sst s10  }
0x32: {  	s10 =	sld [smem:$0x3FB7];
	_ =	sdelay $0x3  }
0x33: {  	p0 =	seq.s32 s10, $0x1;
	s10 =	sld [smem:$0x3FB9];
	_ =	sdelay $0x3  }
0x34: {  	[smem:$0x3FB9] =	sst s10  }
0x35: {  	s10 =	sld [smem:$0x3FB8];
	_ =	sdelay $0x3  }
0x36: {  	p1 =	seq.s32 s10, $0x1;
	s10 =	sld [smem:$0x3FB9];
	_ =	sdelay $0x3  }
0x37: {  	[smem:$0x3FB9] =	sst s10  }
0x38: {  	s10 =	sld [smem:$0x3FBA]  }
0x39: {  	_ = 	snop;
	(pc) =	sbr.ind lr, $3  }
0x3a: {  	_ = 	snop  }
0x3b: {  	_ = 	snop  }
0x3c: {  	p2 =	seq.s32 s10, $0x1;
	s10 =	sld [smem:$0x3FB9]  }
0x3d: {  	_ =	shalt  }
0x3e: {  	_ =	shalt  }
0x3f: {  	_ =	shalt  }
0x40: {  	_ =	shalt  }
0x41: {  	_ =	shalt  }
0x42: {  	_ =	shalt  }
0x43: {  	_ =	shalt  }
0x44: {  	_ =	shalt  }
0x45: {  	_ =	shalt  }
0x46: {  	_ =	shalt  }
0x47: {  	_ =	shalt  }
0x48: {  	_ =	shalt  }
0x49: {  	_ =	shalt  }
0x4a: {  	_ =	shalt  }
0x4b: {  	_ =	shalt  }
0x4c: {  	_ =	shalt  }
0x4d: {  	_ =	shalt  }
0x4e: {  	_ =	shalt  }
0x4f: {  	_ =	shalt  }
0x50: {  	_ =	shalt  }
0x51: {  	_ =	shalt  }
0x52: {  	_ =	shalt  }
0x53: {  	_ =	shalt  }
0x54: {  	_ =	shalt  }
0x55: {  	_ =	shalt  }
0x56: {  	_ =	shalt  }
0x57: {  	_ =	shalt  }
0x58: {  	_ =	shalt  }
0x59: {  	_ =	shalt  }
0x5a: {  	_ =	shalt  }
0x5b: {  	_ =	shalt  }
0x5c: {  	_ =	shalt  }
0x5d: {  	_ =	shalt  }
0x5e: {  	_ =	shalt  }
0x5f: {  	_ =	shalt  }
0x60: {  	_ =	shalt  }
0x61: {  	_ =	shalt  }
0x62: {  	_ =	shalt  }
0x63: {  	_ =	shalt  }
0x64: {  	_ =	shalt  }
0x65: {  	_ =	shalt  }
0x66: {  	_ =	shalt  }
0x67: {  	_ =	shalt  }
0x68: {  	_ =	shalt  }
0x69: {  	_ =	shalt  }
0x6a: {  	_ =	shalt  }
0x6b: {  	_ =	shalt  }
0x6c: {  	_ =	shalt  }
0x6d: {  	_ =	shalt  }
0x6e: {  	_ =	shalt  }
0x6f: {  	_ =	shalt  }
0x70: {  	_ =	shalt  }
0x71: {  	_ =	shalt  }
0x72: {  	_ =	shalt  }
0x73: {  	_ =	shalt  }
0x74: {  	_ =	shalt  }
0x75: {  	_ =	shalt  }
0x76: {  	_ =	shalt  }
0x77: {  	_ =	shalt  }
0x78: {  	_ =	shalt  }
0x79: {  	_ =	shalt  }
0x7a: {  	_ =	shalt  }
0x7b: {  	_ =	shalt  }
0x7c: {  	_ =	shalt  }
0x7d: {  	_ =	shalt  }
0x7e: {  	_ =	shalt  }
0x7f: {  	_ =	shalt  }
0x80: {  	_ =	shalt  }
0x81: {  	_ =	shalt  }
0x82: {  	_ =	shalt  }
0x83: {  	_ =	shalt  }
0x84: {  	_ =	shalt  }
0x85: {  	_ =	shalt  }
0x86: {  	_ =	shalt  }
0x87: {  	_ =	shalt  }
.Lfunc_end0:
.L_simem_size_0:
called_computation.1_lowered:
.L_overlay_start_0:
0x88: {  	s2 =	sld [smem:$0x3FD9]  }
0x89: {  	s3 =	sld [smem:$0x3FFE];
	_ =	sdelay $0x1  }
0x8a: {  	s1 =	srdreg.scid  }
0x8b: {  	s0 =	sand.u32 $0x1, s1  }
0x8c: {  	s16 =	sshll.u32 s0, $0xA;
	s2 =	sadd.s32 s3, s2  }
0x8d: {  	s2 =	sadd.s32 s2, s16  }
0x8e: {  	[smem:$0x3FC5] =	sst s2  }
0x8f: {  	_ = 	snop  }
0x90: {  	(tm) =	ssettm $0x1  }
0x91: {  	s17 =	sld [smem:$0x3FFB];
	_ =	sdelay $0x3  }
0x92: {  	_ =	strace s17  }
0x93: {  	s2 =	sld [smem:$0x3FFC];
	_ =	sdelay $0x3  }
0x94: {  	_ =	strace s2  }
0x95: {  	s2 =	sld [smem:$0x3FFD];
	_ =	sdelay $0x3  }
0x96: {  	_ =	strace s2  }
0x97: {  	_ =	strace $0x8FFFFFFF  }
0x98: {  	s18 =	sld [smem:$0x3FDB];
	_ =	sdelay $0x1  }
0x99: {  	s19 =	simm.s32 $_scs_section_size  }
0x9a: {  	s4 =	simm.s32 $_size__tile_overlayer_lowered;
	s5 =	simm.s32 $_tile_overlayer_lowered  }
0x9b: {  	s22 =	simm.s32 $0x1BFF;
	s21 =	sshll.u32 s5, $0x1;
	s2 =	sadd.s32 s19, s18  }
0x9c: {  	s6 =	simm.s32 $0x0;
	s20 =	sshll.u32 s4, $0x1;
	s4 =	sadd.s32 s21, s2  }
0x9d: {  	[timem:s6], [sflag:s22] =	dma.local [hbm:s4], s20  }
0x9e: {  	_ =	swait.ge [sflag:s22], s20  }
0x9f: {  	s3 =	ssub.s32 $0x0, s20;
	[sflag:s22] =	ssyncset.done $0x0  }
0xa0: {  	[sflag:s22] =	ssyncadd.s32 s3;
	_ =	sdelay $0x1  }
0xa1: {  	s23 =	simm.s32 $0x1B8B  }
0xa2: {  	_ =	swait.ge [sflag:s23], $0x1  }
0xa3: {  	[sflag:s23] =	ssyncset.done $0x0  }
0xa4: {  	s25 =	simm.s32 $0x1B8E;
	s24 =	sld [smem:$0x3FFE];
	[sflag:s23] =	ssyncadd.s32 $0xFFFFFFFF  }
0xa5: {  	s26 =	simm.s32 $execute0_lowered;
	[smem:$0x3FD2] =	sst s25  }
0xa6: {  	s4 =	sshll.u32 s26, $0x1;
	_ =	strace $0x80000046;
	[dreg:$0x1] =	wrdreg $0xFFFFFFFF  }
0xa7: {  	s28 =	simm.s32 $_size_execute0_lowered;
	s2 =	sadd.s32 s2, s4;
	[dreg:$0x0] =	wrdreg $0x0  }
0xa8: {  	s4 =	sshll.u32 s28, $0x1;
	[dreg:$0x2] =	wrdreg s2  }
0xa9: {  	[dreg:$0x3] =	wrdreg s4  }
0xaa: {  	[dreg:$0x4] =	wrdreg $0xC0  }
0xab: {  	_ =	task [dreg:s6], $0x5FFFF  }
0xac: {  	[dreg:$0x1] =	wrdreg $0xFFFFFFFF  }
0xad: {  	[dreg:$0x0] =	wrdreg $0x60  }
0xae: {  	[dreg:$0x2] =	wrdreg s24  }
0xaf: {  	[dreg:$0x3] =	wrdreg $0xA  }
0xb0: {  	_ =	task.clear_ibuf [dreg:s6], $0x4FFFF;
	_ =	strace $0x90000046  }
0xb1: {  	s29 =	simm.s32 $0xA;
	_ =	strace $0x80000048  }
0xb2: {  	_ =	swait.ge [sflag:s29], $0x1  }
0xb3: {  	[sflag:s29] =	ssyncadd.s32 $0xFFFFFFFF  }
0xb4: {  	_ =	strace $0x90000048  }
0xb5: {  	_ =	sfence  }
0xb6: {  	s30 =	sld [smem:$0x0];
	_ =	sdelay $0x2  }
0xb7: {  	s31 =	sshll.u32 s1, $0xD;
	s1 =	sshrl.u32 s1, $0x2  }
0xb8: {  	s3 =	sand.u32 $0x4000, s31;
	s1 =	sadd.s32 s1, s30  }
0xb9: {  	s0 =	sor.u32 s3, s0;
	s1 =	sshll.u32 s1, $0x11  }
0xba: {  	s0 =	sor.u32 s1, s0  }
0xbb: {  	s0 =	sadd.s32 $0x8F2B, s0  }
0xbc: {  	[sflag:s0] =	ssyncadd.remote.s32 $0x1  }
0xbd: {  	_ =	sfence.sel $0xFFFF  }
0xbe: {  	[dreg:$0x0] =	wrdreg $0xFFFFFFFF;
	(pc) =	sbr.abs _section_cstart, $3  }
0xbf: {  	[dreg:$0x1] =	wrdreg $0xFFFFFFFF  }
0xc0: {  	_ =	task.clear_ibuf [dreg:s6], $0x2FFFF;
	_ =	strace $0x9FFFFFFF  }
0xc1: {  	(tm) =	ssettm $0x7FFFFFFF  }
tec
execute0_lowered:
.L_overlay_start_1:
0x0: {  	(tag) =	ssettag $0x1  }
0x1: {  	s0 =	rddreg [dreg:$0x0];
	s1 =	srdreg.scid  }
0x2: {  	s3 =	stileid.u32;
	s10 =	simm.s32 $0x10000;
	s1 =	sand.u32 $0x1, s1  }
0x3: {  	s2 =	sshll.u32 s3, $0x5;
	s3 =	sshll.u32 s3, $0xA;
	s4 =	sshll.u32 s1, $0x4  }
0x4: {  	s5 =	sand.u32 $0x60, s2;
	s2 =	simm.s32 $0x0;
	s1 =	ssub.s32 $0x2, s1  }
0x5: {  	s3 =	sand.u32 $0x3000, s3;
	s4 =	sor.u32 s4, s5;
	s26 =	sshrl.u32 s1, $0x1  }
0x6: {  	v0 =	vimm.s32 $0xEDCBA987;
	[smem:$0x7FF] =	sst s2;
	s3 =	sor.u32 s3, s4;
	s1 =	ssub.s32 s1, s26  }
0x7: {  	v1 =	vimm.s32 $0x65432100;
	v0 =	vunpack.c.l.s4.s8 v0;
	_ =	strace $0x80000047;
	s0 =	sadd.s32 s3, s0;
	s31 =	smax.u32 s1, $0x1  }
.Ltmp0:
0x8: {  	v1 =	vunpack.c.l.s4.s8 v1;
	s28 =	sadd.s32 $0xA200, s0;
	[dreg:$0x6] =	wrdreg s31;
	(pc) =	sbr.rel .LBB2_1-.Ltmp0, $4  }
0x9: {  	s9 =	simm.s32 $0x1;
	v3 =	vunpack.c.0.s8.s32 v0;
	s29 =	sadd.s32 $0xE200, s0;
	[dreg:$0x2] =	wrdreg s28  }
0xa: {  	s12 =	simm.s32 $0x11000;
	v2 =	vimm.f32 $1.000000000e+00;
	v4 =	vunpack.c.0.s8.s32 v1;
	s30 =	sadd.s32 $0x2200, s0;
	[dreg:$0x3] =	wrdreg s29  }
0xb: {  	vm0 =	vmmov $0x1;
	v0 =	vlaneseq.u32;
	s5 =	simm.s32 $0x0;
	v3 =	vand.u32 $0xF, v3;
	s0 =	sadd.s32 $0x12200, s0;
	[dreg:$0x4] =	wrdreg s30  }
0xc: {  	v1 =	vimm.s32 $0x0;
	s1 =	simm.s32 $0x80;
	s3 =	simm.s32 $0x400;
	v3 =	vcombine.low v4, v3;
	v4 =	vimm.f32 $0.0e+00;
	[dreg:$0x5] =	wrdreg s0  }
.LBB2_22:
0xd: {  	s0 =	rddreg [dreg:$0x5]  }
0xe: {  	s1 =	simm.s32 $0x80;
	s3 =	simm.s32 $0x400;
	s4 =	simm.s32 $0x14000  }
0xf: {  	[hbm4b:s0+s1] =	stream.strided.scatter [tilespmem:s4], [sflag:$0x1], $0x1000, s3, s1, $0x38;
	[tilespmem:$0x15080] =	vst v63  }
0x10: {  	_ =	swait.ge [sflag:s9], $0x1000  }
0x11: {  	s5 =	sadd.s32 $0x1, s5;
	s31 =	rddreg [dreg:$0x6]  }
0x12: {  	p0 =	sne.s32 s5, s31  }
.Ltmp1:
0x13: {  	_ = 	snop;
	(pc) =	sbr.rel @!p0 .LBB2_23-.Ltmp1, $3  }
0x14: {  	_ =	sdelay $0x1  }
0x15: {  	[sflag:s9] =	ssyncset.done $0x0  }
0x16: {  	[sflag:s9] =	ssyncadd.s32 $0xFFFFF000  }
.LBB2_1:
0x17: {  	[dreg:$0x7] =	wrdreg s5  }
0x18: {  	s0 =	rddreg [dreg:$0x2]  }
0x19: {  	[tilespmem:s10], [sflag:$0x1] =	stream.strided.gather [hbm4b:s0+s1], $0x1000, s3, s1, $0x38;
	[tilespmem:$0x15080] =	vst v63  }
0x1a: {  	_ =	swait.ge [sflag:s9], $0x1000  }
0x1b: {  	[sflag:s9] =	ssyncset.done $0x0  }
0x1c: {  	s28 =	rddreg [dreg:$0x3];
	[sflag:s9] =	ssyncadd.s32 $0xFFFFF000  }
0x1d: {  	[tilespmem:s12], [sflag:$0x1] =	stream.strided.gather [hbm4b:s28+s1], $0x1000, s3, s1, $0x38;
	[tilespmem:$0x15080] =	vst v63  }
0x1e: {  	_ =	swait.ge [sflag:s9], $0x1000  }
0x1f: {  	[sflag:s9] =	ssyncset.done $0x0  }
0x20: {  	s4 =	simm.s32 $0x13000;
	s29 =	rddreg [dreg:$0x4];
	[sflag:s9] =	ssyncadd.s32 $0xFFFFF000  }
0x21: {  	[tilespmem:s4], [sflag:$0x1] =	stream.strided.gather [hbm4b:s29+s1], $0x1000, s3, s1, $0x38;
	[tilespmem:$0x15080] =	vst v63  }
0x22: {  	_ =	swait.ge [sflag:s9], $0x1000  }
0x23: {  	[sflag:s9] =	ssyncset.done $0x0  }
0x24: {  	s1 =	simm.s32 $0x10020;
	[sflag:s9] =	ssyncadd.s32 $0xFFFFF000  }
0x25: {  	v5 =	vld [tilespmem:s1+$0x10];
	_ =	sdelay $0x1  }
0x26: {  	v7 =	vld [tilespmem:s1+$0x0]  }
0x27: {  	v6 =	vld [tilespmem:s1+$0xFFFFFFF0]  }
0x28: {  	s0 =	simm.s32 $0x10060;
	v8 =	vld [tilespmem:s1+$0xFFFFFFE0]  }
0x29: {  	v13 =	vld [tilespmem:s0+$0x10];
	v12 =	vand.u32 $0xFFFF, v5;
	_ =	sdelay $0x1  }
0x2a: {  	v11 =	vld [tilespmem:s0+$0x0];
	v10 =	vand.u32 $0xFFFF, v7  }
0x2b: {  	s30 =	simm.s32 $0x30;
	s31 =	simm.s32 $0x20;
	v5 =	vld [tilespmem:s0+$0xFFFFFFF0];
	v6 =	vand.u32 $0xFFFF, v6  }
0x2c: {  	s5 =	simm.s32 $0x100A0;
	s8 =	simm.s32 $0x10;
	s17 =	simm.s32 $0x0;
	v14 =	vor.u32 s30, v0;
	v9 =	vld [tilespmem:s0+$0xFFFFFFE0];
	v7 =	vand.u32 $0xFFFF, v8  }
0x2d: {  	s6 =	simm.s32 $0x0;
	s7 =	simm.s32 $0x0;
	s4 =	simm.s32 $0x4;
	v8 =	vand.u32 $0xFFFF, v13;
	[tilespmem:v12+s2+$0x0] =	vst.idx.msk $0xffff, v14;
	v12 =	vor.u32 s31, v0  }
.LBB2_2:
0x2e: {  	s4 =	sadd.s32 $0x4, s4  }
0x2f: {  	v13 =	vld [tilespmem:s5+$0x10];
	v14 =	vor.u32 s8, v0;
	[tilespmem:v10+s17+$0x0] =	vst.idx.msk $0xffff, v12;
	s6 =	sadd.s32 $0x40, s6;
	s3 =	simm.s32 $0x11020;
	p0 =	slt.u32 s4, $0xFC  }
.Ltmp2:
0x30: {  	v12 =	vor.u32 s7, v0;
	v10 =	vand.u32 $0xFFFF, v11;
	[tilespmem:v6+s17+$0x0] =	vst.idx.msk $0xffff, v14;
	v6 =	vand.u32 $0xFFFF, v5;
	v5 =	vld [tilespmem:s5+$0xFFFFFFF0];
	s7 =	smov.u32 s6;
	(pc) =	sbr.rel @p0 .LBB2_2-.Ltmp2, $4  }
0x31: {  	s8 =	sadd.s32 $0x30, s6;
	v11 =	vld [tilespmem:s5+$0x0];
	[tilespmem:v7+s17+$0x0] =	vst.idx.msk $0xffff, v12;
	v7 =	vand.u32 $0xFFFF, v9  }
0x32: {  	s17 =	simm.s32 $0x0;
	v12 =	vor.u32 s8, v0;
	v9 =	vld [tilespmem:s5+$0xFFFFFFE0]  }
0x33: {  	s9 =	sadd.s32 $0x20, s6;
	[tilespmem:v8+s17+$0x0] =	vst.idx.msk $0xffff, v12  }
0x34: {  	s8 =	sadd.s32 $0x10, s6;
	s5 =	sadd.s32 $0x40, s5;
	v12 =	vor.u32 s9, v0;
	v8 =	vand.u32 $0xFFFF, v13  }
0x35: {  	_ =	sdelay $0x2  }
0x36: {  	v5 =	vand.u32 $0xFFFF, v5  }
0x37: {  	v13 =	vor.u32 s8, v0;
	[tilespmem:v10+s17+$0x0] =	vst.idx.msk $0xffff, v12;
	s4 =	sadd.s32 $0x40, s6;
	v11 =	vand.u32 $0xFFFF, v11  }
0x38: {  	v10 =	vor.u32 s7, v0;
	[tilespmem:v6+s17+$0x0] =	vst.idx.msk $0xffff, v13;
	s5 =	sadd.s32 $0x30, s4;
	v6 =	vand.u32 $0xFFFF, v9  }
0x39: {  	[tilespmem:v7+s17+$0x0] =	vst.idx.msk $0xffff, v10;
	s6 =	sadd.s32 $0x10, s4;
	v7 =	vor.u32 s5, v0  }
0x3a: {  	s21 =	sadd.s32 $0x20, s4;
	[tilespmem:v8+s17+$0x0] =	vst.idx.msk $0xffff, v7;
	v8 =	vor.u32 s6, v0  }
0x3b: {  	v7 =	vor.u32 s21, v0;
	[tilespmem:v5+s17+$0x0] =	vst.idx.msk $0xffff, v8  }
0x3c: {  	[tilespmem:v11+s17+$0x0] =	vst.idx.msk $0xffff, v7;
	v7 =	vor.u32 s4, v0  }
0x3d: {  	[tilespmem:v6+s17+$0x0] =	vst.idx.msk $0xffff, v7  }
0x3e: {  	v5 =	vld [tilespmem:s1+$0x10];
	_ =	sdelay $0x1  }
0x3f: {  	v6 =	vld [tilespmem:s1+$0x0]  }
0x40: {  	v7 =	vld [tilespmem:s1+$0xFFFFFFF0]  }
0x41: {  	v8 =	vld [tilespmem:s1+$0xFFFFFFE0]  }
0x42: {  	v11 =	vld [tilespmem:s3+$0x10];
	v9 =	vand.u32 $0xFFFF, v5  }
0x43: {  	v12 =	vld [tilespmem:s3+$0x0]  }
0x44: {  	v13 =	vld [tilespmem:s3+$0xFFFFFFF0];
	v10 =	vand.u32 $0xFFFF, v6  }
0x45: {  	v16 =	vld [tilespmem:s3+$0xFFFFFFE0]  }
0x46: {  	v14 =	vld [tilespmem:s0+$0x10];
	v15 =	vand.u32 $0xFFFF, v7  }
0x47: {  	v9 =	vld.idx.msk [tilespmem:v9+s2+$0x0], $0xffff  }
0x48: {  	v17 =	vld [tilespmem:s0+$0xFFFFFFF0];
	v18 =	vand.u32 $0xFFFF, v8  }
0x49: {  	s26 =	simm.s32 $0x11060;
	v19 =	vld.idx.msk [tilespmem:v10+s2+$0x0], $0xffff  }
0x4a: {  	v50 =	vld [tilespmem:s26+$0x10]  }
0x4b: {  	v20 =	vld.idx.msk [tilespmem:v15+s2+$0x0], $0xffff  }
0x4c: {  	v10 =	vld [tilespmem:s0+$0x0]  }
0x4d: {  	s22 =	simm.s32 $0x12020;
	v18 =	vld.idx.msk [tilespmem:v18+s2+$0x0], $0xffff  }
0x4e: {  	v15 =	vld [tilespmem:s0+$0xFFFFFFE0];
	[tilespmem:s22+$0x10] =	vst v9  }
0x4f: {  	v21 =	vld.idx.msk [tilespmem:v9+s10+$0x0], $0xffff  }
0x50: {  	s23 =	simm.s32 $0x30;
	s24 =	simm.s32 $0x20;
	[tilespmem:s22+$0x0] =	vst v19;
	v22 =	vld.idx.msk [tilespmem:v9+s12+$0x0], $0xffff  }
0x51: {  	v24 =	vor.u32 s17, v0;
	s25 =	simm.s32 $0x10;
	v26 =	vor.u32 s23, v0;
	v27 =	vor.u32 s24, v0;
	v23 =	vld.idx.msk [tilespmem:v19+s10+$0x0], $0xffff  }
0x52: {  	v30 =	vor.u32 s25, v0;
	v28 =	vand.u32 $0xFFFF, v14;
	v31 =	vand.u32 $0xFFFF, v17;
	[tilespmem:s22+$0xFFFFFFF0] =	vst v20;
	v25 =	vld.idx.msk [tilespmem:v19+s12+$0x0], $0xffff  }
0x53: {  	v32 =	vand.u32 $0xFFFF, v10;
	v34 =	vand.u32 $0xFFFF, v15;
	vm1 =	vne.s32 v19, v27;
	v29 =	vld.idx.msk [tilespmem:v20+s10+$0x0], $0xffff  }
0x54: {  	[tilespmem:s22+$0xFFFFFFE0] =	vst v18;
	vm2 =	vne.s32 v9, v26;
	vm4 =	vne.s32 v20, v30;
	v51 =	vsel vm1, $0x1, v1;
	v33 =	vld.idx.msk [tilespmem:v20+s12+$0x0], $0xffff  }
0x55: {  	vm3 =	vne.s32 v18, v24;
	v26 =	vor.u32 $0x80000000, v51;
	v35 =	vld.idx.msk [tilespmem:v18+s10+$0x0], $0xffff;
	v20 =	vsel vm4, $0x1, v1  }
0x56: {  	v19 =	vld.idx.msk [tilespmem:v18+s12+$0x0], $0xffff;
	v9 =	vsel vm2, $0x1, v1;
	v18 =	vsel vm3, $0x1, v1;
	v20 =	vor.u32 $0x80000000, v20  }
0x57: {  	v52 =	vld [tilespmem:s26+$0x0];
	v53 =	vor.u32 $0x80000000, v9;
	v18 =	vor.u32 $0x80000000, v18;
	vm1 =	vne.s32 v21, v5  }
0x58: {  	v36 =	vld [tilespmem:s26+$0xFFFFFFF0];
	vm2 =	vne.s32 v22, v11;
	vm3 =	vne.s32 v29, v7;
	vm4 =	vne.s32 v23, v6  }
0x59: {  	v9 =	vld [tilespmem:s26+$0xFFFFFFE0];
	(xrf0) =	vmax.scan.msk.u32 $0xffff, v53;
	vm5 =	vne.s32 v25, v12;
	vm7 =	vne.s32 v33, v13;
	vm1 =	vmor vm1, vm2  }
0x5a: {  	s28 =	simm.s32 $0x100A0;
	(xrf0) =	vmax.scan.msk.u32 $0xffff, v26;
	v11 =	vld.idx.msk [tilespmem:v28+s2+$0x0], $0xffff;
	vm6 =	vne.s32 v35, v8;
	v6 =	vsel vm1, $0x1, v1;
	vm1 =	vmor vm3, vm7  }
0x5b: {  	(xrf0) =	vmax.scan.msk.u32 $0xffff, v20;
	v5 =	vld [tilespmem:s28+$0x10];
	vm2 =	vne.s32 v19, v16;
	vm4 =	vmor vm4, vm5;
	v13 =	vsel vm1, $0x1, v1  }
0x5c: {  	v12 =	vld.idx.msk [tilespmem:v32+s2+$0x0], $0xffff;
	(xrf0) =	vmax.scan.msk.u32 $0xffff, v18;
	v7 =	vsel vm4, $0x1, v1;
	v8 =	vor.u32 $0x80000000, v6;
	v13 =	vor.u32 $0x80000000, v13  }
0x5d: {  	v21 =	vld.idx.msk [tilespmem:v31+s2+$0x0], $0xffff;
	vm2 =	vmor vm6, vm2;
	v7 =	vor.u32 $0x80000000, v7;
	(xrf0) =	vmax.scan.msk.u32 $0xffff, v8  }
0x5e: {  	v22 =	vld.idx.msk [tilespmem:v34+s2+$0x0], $0xffff;
	v8 =	vsel vm2, $0x1, v1;
	(xrf0) =	vmax.scan.msk.u32 $0xffff, v7  }
0x5f: {  	v6 =	vld [tilespmem:s28+$0x0];
	v8 =	vor.u32 $0x80000000, v8;
	(xrf0) =	vmax.scan.msk.u32 $0xffff, v13;
	v13, _, _ =	vpop (xrf0)  }
0x60: {  	s19 =	simm.s32 $0x12060;
	v7 =	vld [tilespmem:s28+$0xFFFFFFF0];
	(xrf0) =	vmax.scan.msk.u32 $0xffff, v8;
	v16, _, _ =	vpop (xrf0);
	(v2sf) =	vpush v13, $0xF  }
0x61: {  	[tilespmem:s19+$0x10] =	vst v11;
	v8 =	vld [tilespmem:s28+$0xFFFFFFE0];
	v13, _, _ =	vpop (xrf0);
	(v2sf) =	vpush v16, $0xF  }
0x62: {  	v23 =	vld.idx.msk [tilespmem:v11+s10+$0x0], $0xffff;
	v16, _, _ =	vpop (xrf0);
	(v2sf) =	vpush v13, $0xF  }
0x63: {  	s20 =	simm.s32 $0x40;
	[tilespmem:s19+$0x0] =	vst v12;
	v54 =	vld.idx.msk [tilespmem:v11+s12+$0x0], $0xffff;
	(v2sf) =	vpush v16, $0xF;
	v13, _, _ =	vpop (xrf0)  }
0x64: {  	s30 =	simm.s32 $0x60;
	s31 =	simm.s32 $0x50;
	v55 =	vor.u32 s20, v0;
	v56 =	vld.idx.msk [tilespmem:v12+s10+$0x0], $0xffff;
	v16, _, _ =	vpop (xrf0);
	(v2sf) =	vpush v13, $0xF  }
0x65: {  	v59 =	vor.u32 s31, v0;
	v20 =	vor.u32 s30, v0;
	[tilespmem:s19+$0xFFFFFFF0] =	vst v21;
	v57 =	vld.idx.msk [tilespmem:v12+s12+$0x0], $0xffff;
	v18, _, _ =	vpop (xrf0);
	(v2sf) =	vpush v16, $0xF  }
0x66: {  	v58 =	vand.u32 $0xFFFF, v5;
	vm1 =	vne.s32 v12, v20;
	v60 =	vld.idx.msk [tilespmem:v21+s10+$0x0], $0xffff;
	v16, _, _ =	vpop (xrf0);
	(v2sf) =	vpush v18, $0xF  }
0x67: {  	[tilespmem:s19+$0xFFFFFFE0] =	vst v22;
	vm3 =	vne.s32 v22, v55;
	v62 =	vsel vm1, $0x1, v1;
	v61 =	vld.idx.msk [tilespmem:v21+s12+$0x0], $0xffff;
	(v2sf) =	vpush v16, $0xF  }
0x68: {  	s29 =	simm.s32 $0x70;
	vm4 =	vne.s32 v21, v59;
	v26 =	vor.u32 $0x80000000, v62;
	v19 =	vand.u32 $0xFFFF, v6;
	v34 =	vld.idx.msk [tilespmem:v22+s10+$0x0], $0xffff  }
0x69: {  	s21 =	simm.s32 $0x110A0;
	v20 =	vld.idx.msk [tilespmem:v22+s12+$0x0], $0xffff;
	v21 =	vsel vm3, $0x1, v1;
	v22 =	vsel vm4, $0x1, v1;
	v13 =	vor.u32 s29, v0  }
0x6a: {  	v22 =	vor.u32 $0x80000000, v22;
	v21 =	vor.u32 $0x80000000, v21;
	vm2 =	vne.s32 v11, v13;
	v11 =	vld [tilespmem:s21+$0x10]  }
0x6b: {  	v13 =	vld [tilespmem:s21+$0x0];
	vm6 =	vne.s32 v23, v14;
	vm7 =	vne.s32 v54, v50;
	v12 =	vsel vm2, $0x1, v1  }
0x6c: {  	v14 =	vld [tilespmem:s21+$0xFFFFFFE0];
	vm1 =	vne.s32 v60, v17;
	vm3 =	vne.s32 v56, v10;
	v63 =	vor.u32 $0x80000000, v12  }
0x6d: {  	vm4 =	vne.s32 v57, v52;
	v10 =	vld.idx.msk [tilespmem:v58+s2+$0x0], $0xffff;
	vm5 =	vne.s32 v61, v36;
	v18 =	vand.u32 $0xFFFF, v7;
	(xrf0) =	vmax.scan.msk.u32 $0xffff, v63  }
0x6e: {  	s18 =	simm.s32 $0x0;
	s1 =	simm.s32 $0x100E0;
	s0 =	simm.s32 $0x8;
	vm2 =	vne.s32 v34, v15;
	vm6 =	vmor vm6, vm7;
	v16 =	vand.u32 $0xFFFF, v8;
	v12 =	vld [tilespmem:s21+$0xFFFFFFF0];
	(xrf0) =	vmax.scan.msk.u32 $0xffff, v26  }
.LBB2_4:
0x6f: {  	v15 =	vld [tilespmem:s1+$0x10];
	vm7 =	vne.s32 v20, v9;
	vm3 =	vmor vm3, vm4;
	v9 =	vsel vm6, $0x1, v1;
	(xrf0) =	vmax.scan.msk.u32 $0xffff, v22;
	s3 =	spop (v2sf);
	v17 =	vmovc v6  }
0x70: {  	vm1 =	vmor vm1, vm5;
	v23 =	vmovc v7;
	v20 =	vld.idx.msk [tilespmem:v19+s2+$0x0], $0xffff;
	v19 =	vsel vm3, $0x1, v1;
	v9 =	vor.u32 $0x80000000, v9;
	(xrf0) =	vmax.scan.msk.u32 $0xffff, v21;
	s4 =	spop (v2sf)  }
0x71: {  	v24 =	vmovc v8;
	vm2 =	vmor vm2, vm7;
	v7 =	vsel vm1, $0x1, v1;
	v6 =	vld [tilespmem:s1+$0x0];
	v19 =	vor.u32 $0x80000000, v19;
	(xrf0) =	vmax.scan.msk.u32 $0xffff, v9;
	s5 =	spop (v2sf)  }
0x72: {  	v25 =	vmovc v11;
	v26 =	vmov v13;
	v8 =	vsel vm2, $0x1, v1;
	v21 =	vld.idx.msk [tilespmem:v18+s2+$0x0], $0xffff;
	v18 =	vor.u32 $0x80000000, v7;
	(xrf0) =	vmax.scan.msk.u32 $0xffff, v19;
	s6 =	spop (v2sf)  }
0x73: {  	s20 =	sadd.s32 $0x40, s20;
	v27 =	vmov v12;
	v8 =	vor.u32 $0x80000000, v8;
	v7 =	vld [tilespmem:s1+$0xFFFFFFF0];
	(xrf0) =	vmax.scan.msk.u32 $0xffff, v18;
	v11, _, _ =	vpop (xrf0);
	s7 =	spop (v2sf);
	v9 =	vmov v14  }
0x74: {  	s19 =	sadd.s32 $0x40, s19;
	s8 =	sadd.s32 $0x30, s20;
	v12 =	vld.idx.msk [tilespmem:v16+s2+$0x0], $0xffff;
	(xrf0) =	vmax.scan.msk.u32 $0xffff, v8;
	v13, _, _ =	vpop (xrf0);
	(v2sf) =	vpush v11, $0xF;
	s9 =	spop (v2sf)  }
0x75: {  	s11 =	sadd.s32 $0x10, s20;
	s13 =	sadd.s32 $0x20, s20;
	v8 =	vld [tilespmem:s1+$0xFFFFFFE0];
	[tilespmem:s19+$0x10] =	vst v10;
	v11, _, _ =	vpop (xrf0);
	(v2sf) =	vpush v13, $0xF;
	s14 =	spop (v2sf)  }
0x76: {  	s3 =	sxor.u32 $0x80000000, s3;
	s4 =	sxor.u32 $0x80000000, s4;
	v14 =	vld.idx.msk [tilespmem:v10+s10+$0x0], $0xffff;
	v13, _, _ =	vpop (xrf0);
	(v2sf) =	vpush v11, $0xF;
	s15 =	spop (v2sf)  }
0x77: {  	s5 =	sxor.u32 $0x80000000, s5;
	s6 =	sxor.u32 $0x80000000, s6;
	[tilespmem:s19+$0x0] =	vst v20;
	v28 =	vld.idx.msk [tilespmem:v10+s12+$0x0], $0xffff;
	(v2sf) =	vpush v13, $0xF;
	v11, _, _ =	vpop (xrf0);
	s15 =	sxor.u32 $0x80000000, s15  }
0x78: {  	v22 =	vor.u32 s8, v0;
	s6 =	sor.u32 s18, s6;
	s8 =	sxor.u32 $0x80000000, s14;
	v13 =	vor.u32 s20, v0;
	v29 =	vld.idx.msk [tilespmem:v20+s10+$0x0], $0xffff;
	v16, _, _ =	vpop (xrf0);
	(v2sf) =	vpush v11, $0xF;
	s14 =	sor.u32 s17, s15  }
0x79: {  	s9 =	sxor.u32 $0x80000000, s9;
	s5 =	sor.u32 s5, s6;
	v11 =	vor.u32 s13, v0;
	[tilespmem:s19+$0xFFFFFFF0] =	vst v21;
	v30 =	vld.idx.msk [tilespmem:v20+s12+$0x0], $0xffff;
	v18, _, _ =	vpop (xrf0);
	(v2sf) =	vpush v16, $0xF;
	s8 =	sor.u32 s8, s14  }
0x7a: {  	v32 =	vor.u32 s11, v0;
	v31 =	vand.u32 $0xFFFF, v15;
	s6 =	sxor.u32 $0x80000000, s7;
	s4 =	sor.u32 s4, s5;
	v33 =	vld.idx.msk [tilespmem:v21+s10+$0x0], $0xffff;
	v16, _, _ =	vpop (xrf0);
	(v2sf) =	vpush v18, $0xF;
	s7 =	sor.u32 s9, s8  }
0x7b: {  	v19 =	vand.u32 $0xFFFF, v6;
	s18 =	sor.u32 s3, s4;
	v18 =	vand.u32 $0xFFFF, v7;
	[tilespmem:s19+$0xFFFFFFE0] =	vst v12;
	v34 =	vld.idx.msk [tilespmem:v21+s12+$0x0], $0xffff;
	(v2sf) =	vpush v16, $0xF;
	s17 =	sor.u32 s6, s7  }
0x7c: {  	s0 =	sadd.s32 $0x4, s0;
	vm2 =	vne.s32 v10, v22;
	vm1 =	vne.s32 v20, v11;
	v16 =	vand.u32 $0xFFFF, v8;
	v35 =	vld.idx.msk [tilespmem:v12+s10+$0x0], $0xffff  }
0x7d: {  	s21 =	sadd.s32 $0x40, s21;
	p0 =	slt.u32 s0, $0xFC;
	vm4 =	vne.s32 v21, v32;
	v10 =	vsel vm2, $0x1, v1;
	vm3 =	vne.s32 v12, v13;
	v20 =	vld.idx.msk [tilespmem:v12+s12+$0x0], $0xffff  }
.Ltmp3:
0x7e: {  	v32 =	vsel vm1, $0x1, v1;
	v21 =	vsel vm3, $0x1, v1;
	v12 =	vsel vm4, $0x1, v1;
	v11 =	vld [tilespmem:s21+$0x10];
	(pc) =	sbr.rel @p0 .LBB2_4-.Ltmp3, $4  }
0x7f: {  	v10 =	vor.u32 $0x80000000, v10;
	v32 =	vor.u32 $0x80000000, v32;
	v22 =	vor.u32 $0x80000000, v12;
	v13 =	vld [tilespmem:s21+$0x0]  }
0x80: {  	vm6 =	vne.s32 v14, v5;
	v5 =	vmovc v15;
	v21 =	vor.u32 $0x80000000, v21;
	vm7 =	vne.s32 v28, v25;
	v12 =	vld [tilespmem:s21+$0xFFFFFFF0]  }
0x81: {  	vm3 =	vne.s32 v29, v17;
	vm4 =	vne.s32 v30, v26;
	vm1 =	vne.s32 v33, v23;
	v14 =	vld [tilespmem:s21+$0xFFFFFFE0];
	(xrf0) =	vmax.scan.msk.u32 $0xffff, v10  }
0x82: {  	s1 =	sadd.s32 $0x40, s1;
	vm6 =	vmor vm6, vm7;
	vm5 =	vne.s32 v34, v27;
	vm2 =	vne.s32 v35, v24;
	v10 =	vld.idx.msk [tilespmem:v31+s2+$0x0], $0xffff;
	(xrf0) =	vmax.scan.msk.u32 $0xffff, v32  }
0x83: {  	_ =	sdelay $0x3  }
0x84: {  	v15 =	vld.idx.msk [tilespmem:v19+s2+$0x0], $0xffff;
	_ =	sdelay $0x1  }
0x85: {  	v43 =	vld.idx.msk [tilespmem:v18+s2+$0x0], $0xffff  }
0x86: {  	vm7 =	vne.s32 v20, v9  }
0x87: {  	vm3 =	vmor vm3, vm4;
	v41 =	vsel vm6, $0x1, v1;
	(xrf0) =	vmax.scan.msk.u32 $0xffff, v22;
	vm1 =	vmor vm1, vm5;
	v16 =	vld.idx.msk [tilespmem:v16+s2+$0x0], $0xffff;
	s0 =	sadd.s32 $0x40, s19  }
0x88: {  	s1 =	sadd.s32 $0x40, s20;
	v17 =	vsel vm3, $0x1, v1;
	v9 =	vor.u32 $0x80000000, v41;
	vm2 =	vmor vm2, vm7;
	[tilespmem:s0+$0x10] =	vst v10  }
0x89: {  	(xrf0) =	vmax.scan.msk.u32 $0xffff, v21;
	v42 =	vsel vm1, $0x1, v1;
	v55 =	vor.u32 s1, v0;
	v17 =	vor.u32 $0x80000000, v17;
	v49 =	vld.idx.msk [tilespmem:v10+s10+$0x0], $0xffff  }
0x8a: {  	s3 =	sadd.s32 $0x30, s1;
	s4 =	sadd.s32 $0x10, s1;
	s5 =	sadd.s32 $0x20, s1;
	(xrf0) =	vmax.scan.msk.u32 $0xffff, v9;
	v44 =	vsel vm2, $0x1, v1;
	v19 =	vor.u32 $0x80000000, v42;
	[tilespmem:s0+$0x0] =	vst v15;
	v51 =	vld.idx.msk [tilespmem:v10+s12+$0x0], $0xffff  }
0x8b: {  	v56 =	vor.u32 s3, v0;
	v57 =	vor.u32 s5, v0;
	v25 =	vor.u32 s4, v0;
	(xrf0) =	vmax.scan.msk.u32 $0xffff, v17;
	v53 =	vld.idx.msk [tilespmem:v15+s10+$0x0], $0xffff  }
0x8c: {  	v45 =	vor.u32 $0x80000000, v44;
	(xrf0) =	vmax.scan.msk.u32 $0xffff, v19;
	v46, _, _ =	vpop (xrf0);
	vm2 =	vne.s32 v10, v56;
	[tilespmem:s0+$0xFFFFFFF0] =	vst v43;
	v23 =	vld.idx.msk [tilespmem:v15+s12+$0x0], $0xffff  }
0x8d: {  	(xrf0) =	vmax.scan.msk.u32 $0xffff, v45;
	v47, _, _ =	vpop (xrf0);
	(v2sf) =	vpush v46, $0xF;
	vm1 =	vne.s32 v15, v57;
	vm3 =	vne.s32 v16, v55;
	v26 =	vld.idx.msk [tilespmem:v43+s10+$0x0], $0xffff  }
0x8e: {  	[tilespmem:s0+$0xFFFFFFE0] =	vst v16;
	vm11 =	vne.s32 v43, v25;
	v60 =	vsel vm2, $0x1, v1;
	v48, _, _ =	vpop (xrf0);
	(v2sf) =	vpush v47, $0xF;
	v58 =	vld.idx.msk [tilespmem:v43+s12+$0x0], $0xffff  }
0x8f: {  	v62 =	vsel vm3, $0x1, v1;
	v63 =	vsel vm11, $0x1, v1;
	v21 =	vsel vm1, $0x1, v1;
	v50, _, _ =	vpop (xrf0);
	v59 =	vld.idx.msk [tilespmem:v16+s10+$0x0], $0xffff  }
0x90: {  	v9 =	vor.u32 $0x80000000, v60;
	(v2sf) =	vpush v48, $0xF;
	v19 =	vor.u32 $0x80000000, v63;
	v52, _, _ =	vpop (xrf0);
	v61 =	vld.idx.msk [tilespmem:v16+s12+$0x0], $0xffff  }
0x91: {  	v21 =	vor.u32 $0x80000000, v21;
	v54, _, _ =	vpop (xrf0);
	vm1 =	vne.s32 v49, v5;
	vm2 =	vne.s32 v51, v11  }
0x92: {  	(v2sf) =	vpush v50, $0xF;
	v16 =	vor.u32 $0x80000000, v62;
	v24, _, _ =	vpop (xrf0);
	vm1 =	vmor vm1, vm2  }
0x93: {  	(v2sf) =	vpush v52, $0xF;
	v27, _, _ =	vpop (xrf0);
	(xrf0) =	vmax.scan.msk.u32 $0xffff, v9;
	v5 =	vsel vm1, $0x1, v1;
	vm3 =	vne.s32 v26, v7  }
0x94: {  	(xrf0) =	vmax.scan.msk.u32 $0xffff, v21;
	vm12 =	vne.s32 v53, v6;
	vm13 =	vne.s32 v23, v13;
	vm14 =	vne.s32 v59, v8  }
0x95: {  	vm15 =	vne.s32 v58, v12;
	vm2 =	vne.s32 v61, v14;
	(xrf0) =	vmax.scan.msk.u32 $0xffff, v19;
	vm4 =	vmor vm12, vm13  }
0x96: {  	v5 =	vor.u32 $0x80000000, v5;
	(xrf0) =	vmax.scan.msk.u32 $0xffff, v16;
	vm2 =	vmor vm14, vm2;
	v6 =	vsel vm4, $0x1, v1  }
0x97: {  	vm1 =	vmor vm3, vm15;
	(xrf0) =	vmax.scan.msk.u32 $0xffff, v5;
	v5 =	vsel vm2, $0x1, v1;
	v6 =	vor.u32 $0x80000000, v6  }
0x98: {  	s21 =	spop (v2sf);
	(v2sf) =	vpush v54, $0xF;
	v7 =	vsel vm1, $0x1, v1;
	v5 =	vor.u32 $0x80000000, v5  }
0x99: {  	s22 =	spop (v2sf);
	(v2sf) =	vpush v24, $0xF;
	v7 =	vor.u32 $0x80000000, v7;
	(xrf0) =	vmax.scan.msk.u32 $0xffff, v6  }
0x9a: {  	s23 =	spop (v2sf);
	(v2sf) =	vpush v27, $0xF;
	(xrf0) =	vmax.scan.msk.u32 $0xffff, v7;
	v6, _, _ =	vpop (xrf0)  }
0x9b: {  	s24 =	spop (v2sf);
	(xrf0) =	vmax.scan.msk.u32 $0xffff, v5;
	v5, _, _ =	vpop (xrf0);
	(v2sf) =	vpush v6, $0xF  }
0x9c: {  	v6, _, _ =	vpop (xrf0);
	(v2sf) =	vpush v5, $0xF  }
0x9d: {  	s25 =	spop (v2sf);
	v5, _, _ =	vpop (xrf0);
	(v2sf) =	vpush v6, $0xF  }
0x9e: {  	(v2sf) =	vpush v5, $0xF;
	v5, _, _ =	vpop (xrf0)  }
0x9f: {  	s6 =	spop (v2sf);
	v6, _, _ =	vpop (xrf0);
	(v2sf) =	vpush v5, $0xF  }
0xa0: {  	s7 =	spop (v2sf);
	v5, _, _ =	vpop (xrf0);
	(v2sf) =	vpush v6, $0xF  }
0xa1: {  	s8 =	spop (v2sf);
	v6, _, _ =	vpop (xrf0);
	(v2sf) =	vpush v5, $0xF  }
0xa2: {  	s9 =	spop (v2sf);
	(v2sf) =	vpush v6, $0xF  }
0xa3: {  	s11 =	spop (v2sf)  }
0xa4: {  	s1 =	sxor.u32 $0x80000000, s22;
	s4 =	sxor.u32 $0x80000000, s24;
	s13 =	spop (v2sf)  }
0xa5: {  	s3 =	sxor.u32 $0x80000000, s23;
	s4 =	sor.u32 s18, s4;
	s14 =	spop (v2sf)  }
0xa6: {  	s29 =	sxor.u32 $0x80000000, s25;
	s0 =	sxor.u32 $0x80000000, s21;
	s15 =	spop (v2sf)  }
0xa7: {  	s6 =	sxor.u32 $0x80000000, s6;
	s8 =	sxor.u32 $0x80000000, s8;
	s16 =	spop (v2sf)  }
0xa8: {  	s7 =	sxor.u32 $0x80000000, s7;
	s8 =	sor.u32 s17, s8;
	s26 =	spop (v2sf)  }
0xa9: {  	s3 =	sor.u32 s3, s4;
	s7 =	sor.u32 s7, s8;
	s28 =	spop (v2sf)  }
0xaa: {  	s4 =	sxor.u32 $0x80000000, s11;
	s11 =	sxor.u32 $0x80000000, s14;
	s14 =	spop (v2sf)  }
0xab: {  	s1 =	sor.u32 s1, s3;
	s30 =	sor.u32 s6, s7;
	s20 =	spop (v2sf)  }
0xac: {  	s0 =	sor.u32 s0, s1;
	s31 =	sor.u32 s29, s30;
	s21 =	spop (v2sf)  }
0xad: {  	s7 =	sxor.u32 $0x80000000, s9;
	s18 =	sxor.u32 $0x80000000, s13;
	s23 =	spop (v2sf)  }
0xae: {  	s0 =	sor.u32 s0, s11;
	s9 =	sxor.u32 $0x80000000, s28;
	s25 =	spop (v2sf)  }
0xaf: {  	s19 =	sxor.u32 $0x80000000, s26;
	s3 =	sor.u32 s31, s9;
	s26 =	spop (v2sf)  }
0xb0: {  	s22 =	sxor.u32 $0x80000000, s16;
	s3 =	sor.u32 s19, s3;
	s28 =	spop (v2sf)  }
0xb1: {  	s24 =	sxor.u32 $0x80000000, s15;
	s3 =	sor.u32 s22, s3;
	s30 =	spop (v2sf)  }
0xb2: {  	s0 =	sor.u32 s18, s0;
	s3 =	sor.u32 s24, s3;
	s8 =	sxor.u32 $0x80000000, s30  }
0xb3: {  	s0 =	sor.u32 s4, s0;
	s4 =	sxor.u32 $0x80000000, s28;
	s3 =	sor.u32 s3, s8  }
0xb4: {  	s1 =	sxor.u32 $0x80000000, s26;
	s3 =	sor.u32 s4, s3  }
0xb5: {  	s31 =	sxor.u32 $0x80000000, s25;
	s1 =	sor.u32 s1, s3  }
0xb6: {  	s1 =	sor.u32 s31, s1  }
0xb7: {  	p0 =	sgt.s32 s1, $0x0  }
.Ltmp4:
0xb8: {  	s0 =	sor.u32 s7, s0;
	s9 =	sxor.u32 $0x80000000, s23;
	(pc) =	sbr.rel @!p0 .LBB2_12-.Ltmp4, $4  }
0xb9: {  	s5 =	sxor.u32 $0x80000000, s21;
	s0 =	sor.u32 s0, s9  }
0xba: {  	s29 =	sxor.u32 $0x80000000, s20;
	s0 =	sor.u32 s5, s0  }
0xbb: {  	s7 =	sxor.u32 $0x80000000, s14;
	s0 =	sor.u32 s29, s0  }
0xbc: {  	s0 =	sor.u32 s7, s0;
	s3 =	simm.s32 $0x1  }
.LBB2_6:
0xbd: {  	p0 =	slt.u32 s3, $0x5;
	s0 =	simm.s32 $0x10000;
	s1 =	simm.s32 $0x11000  }
0xbe: {  	s1 =	smov.u32 @p0 s0  }
0xbf: {  	s24 =	simm.s32 $0x12020;
	v6 =	vld [tilespmem:s1+$0x0]  }
0xc0: {  	s0 =	simm.s32 $0xC;
	v7 =	vld [tilespmem:s24+$0xFFFFFFE0]  }
0xc1: {  	s25 =	sshll.u32 s3, $0x2;
	s0 =	simm.s32 @!p0 $0xFFFFFFEC  }
0xc2: {  	s0 =	sadd.s32 s25, s0  }
0xc3: {  	v5 =	vmov s0  }
0xc4: {  	v6 =	vshra.s32 v6, v5  }
0xc5: {  	v7 =	vshll.u32 v7, $0x4;
	v6 =	vand.u32 $0xF, v6  }
0xc6: {  	v6 =	vor.u32 v7, v6;
	_ =	sdelay $0x1  }
0xc7: {  	s1 =	simm.s32 $0x11040;
	s0 =	simm.s32 $0x10040  }
0xc8: {  	s18 =	simm.s32 $0x0;
	[dreg:$0x8] =	wrdreg s3;
	s1 =	smov.u32 @p0 s0  }
0xc9: {  	s23 =	simm.s32 $0x12060;
	v9 =	vor.u32 s18, v0;
	s0 =	simm.s32 $0x10010;
	v7 =	vld [tilespmem:s1+$0x0];
	s1 =	simm.s32 $0x11010  }
0xca: {  	v8 =	vld [tilespmem:s23+$0xFFFFFFE0];
	s1 =	smov.u32 @p0 s0;
	[tilespmem:v6+s18+$0x0] =	vst.idx.msk $0xffff, v9  }
0xcb: {  	v6 =	vld [tilespmem:s1+$0x0]  }
0xcc: {  	v10 =	vld [tilespmem:s24+$0xFFFFFFF0];
	_ =	sdelay $0x1  }
0xcd: {  	v7 =	vshra.s32 v7, v5  }
0xce: {  	v8 =	vshll.u32 v8, $0x4;
	v7 =	vand.u32 $0xF, v7  }
0xcf: {  	v7 =	vor.u32 v8, v7;
	v6 =	vshra.s32 v6, v5  }
0xd0: {  	s0 =	simm.s32 $0x10080;
	s1 =	simm.s32 $0x11080;
	v8 =	vshll.u32 v10, $0x4;
	v6 =	vand.u32 $0xF, v6  }
0xd1: {  	s1 =	smov.u32 @p0 s0;
	v8 =	vor.u32 v8, v6  }
0xd2: {  	s30 =	simm.s32 $0x40;
	s19 =	simm.s32 $0x120A0;
	v10 =	vld [tilespmem:s1+$0x0]  }
0xd3: {  	v11 =	vld [tilespmem:s19+$0xFFFFFFE0];
	s0 =	simm.s32 $0x10050;
	s1 =	simm.s32 $0x11050;
	v6 =	vor.u32 s30, v0  }
0xd4: {  	s26 =	simm.s32 $0x10;
	s1 =	smov.u32 @p0 s0;
	[tilespmem:v7+s18+$0x0] =	vst.idx.msk $0xffff, v6  }
0xd5: {  	v12 =	vor.u32 s26, v0;
	s3 =	simm.s32 $0x10020;
	s0 =	simm.s32 $0x11020;
	v7 =	vld [tilespmem:s1+$0x0]  }
0xd6: {  	v13 =	vld [tilespmem:s23+$0xFFFFFFF0];
	s0 =	smov.u32 @p0 s3;
	[tilespmem:v8+s18+$0x0] =	vst.idx.msk $0xffff, v12  }
0xd7: {  	v10 =	vshra.s32 v10, v5;
	v8 =	vld [tilespmem:s0+$0x0]  }
0xd8: {  	v11 =	vshll.u32 v11, $0x4;
	v10 =	vand.u32 $0xF, v10;
	v12 =	vld [tilespmem:s24+$0x0]  }
0xd9: {  	v10 =	vor.u32 v11, v10  }
0xda: {  	v7 =	vshra.s32 v7, v5  }
0xdb: {  	s6 =	simm.s32 $0x10060;
	v11 =	vshll.u32 v13, $0x4;
	s1 =	simm.s32 $0x110C0;
	s0 =	simm.s32 $0x100C0;
	v7 =	vand.u32 $0xF, v7  }
0xdc: {  	s20 =	simm.s32 $0x100A0;
	s5 =	simm.s32 $0x80;
	s1 =	smov.u32 @p0 s0;
	v7 =	vor.u32 v11, v7;
	v8 =	vshra.s32 v8, v5  }
0xdd: {  	s7 =	simm.s32 $0x120E0;
	v13 =	vor.u32 s5, v0;
	s0 =	simm.s32 $0x10090;
	v11 =	vshll.u32 v12, $0x4;
	v12 =	vld [tilespmem:s1+$0x0];
	s1 =	simm.s32 $0x11090;
	v8 =	vand.u32 $0xF, v8  }
0xde: {  	s21 =	simm.s32 $0x110A0;
	s22 =	simm.s32 $0x8;
	v14 =	vld [tilespmem:s7+$0xFFFFFFE0];
	[tilespmem:v10+s18+$0x0] =	vst.idx.msk $0xffff, v13;
	s1 =	smov.u32 @p0 s0;
	v8 =	vor.u32 v11, v8  }
0xdf: {  	s28 =	simm.s32 $0x50;
	s4 =	simm.s32 $0x11060;
	s15 =	simm.s32 $0xC;
	v13 =	vld [tilespmem:s1+$0x0]  }
0xe0: {  	s29 =	simm.s32 $0x20;
	s8 =	simm.s32 $0x11030;
	s16 =	simm.s32 $0x10120;
	v15 =	vld [tilespmem:s19+$0xFFFFFFF0];
	v10 =	vor.u32 s28, v0  }
0xe1: {  	s17 =	simm.s32 $0x11120;
	s9 =	simm.s32 $0x11060;
	s4 =	smov.u32 @p0 s6;
	[tilespmem:v7+s18+$0x0] =	vst.idx.msk $0xffff, v10  }
0xe2: {  	s31 =	simm.s32 $0x80;
	s14 =	simm.s32 $0x120E0;
	s6 =	simm.s32 $0x10030;
	v7 =	vor.u32 s29, v0;
	v10 =	vld [tilespmem:s4+$0x0]  }
0xe3: {  	s11 =	simm.s32 $0x10060;
	s13 =	simm.s32 $0x0;
	s8 =	smov.u32 @p0 s6;
	v11 =	vld [tilespmem:s23+$0x0];
	v12 =	vshra.s32 v12, v5;
	[tilespmem:v8+s18+$0x0] =	vst.idx.msk $0xffff, v7  }
0xe4: {  	s6 =	simm.s32 $0x12060;
	s3 =	simm.s32 $0x120A0;
	s0 =	simm.s32 $0x100E0;
	v13 =	vshra.s32 v13, v5;
	v8 =	vand.u32 $0xF, v12;
	v12 =	vshll.u32 v14, $0x4;
	v7 =	vld [tilespmem:s8+$0x0]  }
0xe5: {  	s1 =	simm.s32 $0x110E0;
	s4 =	simm.s32 $0x110A0;
	v13 =	vand.u32 $0xF, v13;
	v14 =	vshll.u32 v15, $0x4;
	s8 =	simm.s32 $0x100A0;
	v12 =	vor.u32 v12, v8;
	v8 =	vld [tilespmem:s24+$0x10]  }
.LBB2_7:
0xe6: {  	s26 =	sadd.s32 $0xFFFFFFE0, s16;
	s29 =	sadd.s32 $0xFFFFFFE0, s17;
	s15 =	sadd.s32 $0x4, s15  }
0xe7: {  	v13 =	vor.u32 v14, v13;
	v10 =	vshra.s32 v10, v5;
	s25 =	smov.u32 s0;
	s0 =	smov.u32 s16;
	s28 =	smov.u32 s9  }
0xe8: {  	s5 =	sadd.s32 $0x40, s5;
	s29 =	smov.u32 @p0 s26;
	p1 =	slt.u32 s15, $0xFC;
	v10 =	vand.u32 $0xF, v10;
	v11 =	vshll.u32 v11, $0x4  }
0xe9: {  	s7 =	sadd.s32 $0x40, s7;
	v15 =	vor.u32 s5, v0;
	s9 =	sadd.s32 $0xFFFFFFF0, s25;
	s26 =	sadd.s32 $0xFFFFFFF0, s1;
	v14 =	vld [tilespmem:s29+$0x0];
	v16 =	vor.u32 v11, v10;
	v7 =	vshra.s32 v7, v5  }
0xea: {  	s26 =	smov.u32 @p0 s9;
	s29 =	sadd.s32 $0x10, s31;
	s9 =	smov.u32 s4;
	v17 =	vld [tilespmem:s7+$0xFFFFFFE0];
	[tilespmem:v12+s18+$0x0] =	vst.idx.msk $0xffff, v15;
	v7 =	vand.u32 $0xF, v7;
	v8 =	vshll.u32 v8, $0x4  }
0xeb: {  	s4 =	smov.u32 s1;
	s1 =	smov.u32 s17;
	v10 =	vor.u32 s29, v0;
	v15 =	vld [tilespmem:s26+$0x0];
	v18 =	vor.u32 v8, v7;
	s26 =	smov.u32 s9  }
0xec: {  	s29 =	sadd.s32 $0x20, s30;
	v19 =	vld [tilespmem:s14+$0xFFFFFFF0];
	[tilespmem:v13+s18+$0x0] =	vst.idx.msk $0xffff, v10;
	s26 =	smov.u32 @p0 s8  }
.Ltmp5:
0xed: {  	s11 =	sadd.s32 $0x10, s11;
	v7 =	vor.u32 s29, v0;
	v10 =	vld [tilespmem:s26+$0x0];
	s26 =	sadd.s32 $0x10, s28;
	(pc) =	sbr.rel @p1 .LBB2_7-.Ltmp5, $4  }
0xee: {  	v8 =	vshra.s32 v14, v5;
	v11 =	vld [tilespmem:s3+$0x0];
	[tilespmem:v16+s18+$0x0] =	vst.idx.msk $0xffff, v7;
	s26 =	smov.u32 @p0 s11;
	s11 =	sadd.s32 $0x30, s13;
	s13 =	smov.u32 s30  }
0xef: {  	s30 =	smov.u32 s31;
	s31 =	smov.u32 s5;
	v8 =	vand.u32 $0xF, v8;
	v12 =	vshll.u32 v17, $0x4;
	v7 =	vld [tilespmem:s26+$0x0];
	v13 =	vor.u32 s11, v0;
	s11 =	smov.u32 s8  }
0xf0: {  	v12 =	vor.u32 v12, v8;
	v14 =	vshra.s32 v15, v5;
	v8 =	vld [tilespmem:s6+$0x10];
	[tilespmem:v18+s18+$0x0] =	vst.idx.msk $0xffff, v13;
	s6 =	smov.u32 s3;
	s3 =	smov.u32 s14;
	s14 =	smov.u32 s7  }
0xf1: {  	s16 =	sadd.s32 $0x40, s16;
	s17 =	sadd.s32 $0x40, s17;
	s8 =	smov.u32 s25;
	v13 =	vand.u32 $0xF, v14;
	v14 =	vshll.u32 v19, $0x4  }
0xf2: {  	_ =	sdelay $0x1  }
0xf3: {  	s5 =	sadd.s32 $0x40, s5  }
0xf4: {  	s7 =	sadd.s32 $0xFFFFFFF0, s0;
	s15 =	sadd.s32 $0xFFFFFFF0, s1;
	v15 =	vor.u32 s5, v0  }
0xf5: {  	s15 =	smov.u32 @p0 s7;
	[tilespmem:v12+s18+$0x0] =	vst.idx.msk $0xffff, v15  }
0xf6: {  	v12 =	vld [tilespmem:s15+$0x0]  }
0xf7: {  	v15 =	vld [tilespmem:s14+$0xFFFFFFF0];
	_ =	sdelay $0x3  }
0xf8: {  	v13 =	vor.u32 v14, v13;
	v12 =	vshra.s32 v12, v5  }
0xf9: {  	v14 =	vshll.u32 v15, $0x4;
	v12 =	vand.u32 $0xF, v12  }
0xfa: {  	v12 =	vor.u32 v14, v12  }
0xfb: {  	s16 =	sadd.s32 $0x10, s31  }
0xfc: {  	s7 =	smov.u32 s4;
	v14 =	vor.u32 s16, v0  }
0xfd: {  	s17 =	sadd.s32 $0x10, s5;
	s7 =	smov.u32 @p0 s8;
	[tilespmem:v13+s18+$0x0] =	vst.idx.msk $0xffff, v14  }
0xfe: {  	v14 =	vor.u32 s17, v0;
	v13 =	vld [tilespmem:s7+$0x0];
	s7 =	smov.u32 s1  }
0xff: {  	v15 =	vld [tilespmem:s3+$0x0];
	s7 =	smov.u32 @p0 s0;
	[tilespmem:v12+s18+$0x0] =	vst.idx.msk $0xffff, v14  }
0x100: {  	v12 =	vld [tilespmem:s7+$0x0]  }
0x101: {  	v14 =	vld [tilespmem:s14+$0x0]  }
0x102: {  	v10 =	vshra.s32 v10, v5  }
0x103: {  	v10 =	vand.u32 $0xF, v10;
	v11 =	vshll.u32 v11, $0x4  }
0x104: {  	v10 =	vor.u32 v11, v10;
	v11 =	vshra.s32 v13, v5  }
0x105: {  	v13 =	vshll.u32 v15, $0x4;
	v11 =	vand.u32 $0xF, v11;
	v12 =	vshra.s32 v12, v5  }
0x106: {  	v11 =	vor.u32 v13, v11;
	v13 =	vshll.u32 v14, $0x4;
	v12 =	vand.u32 $0xF, v12  }
0x107: {  	s25 =	sadd.s32 $0x20, s30;
	v12 =	vor.u32 v13, v12  }
0x108: {  	s9 =	sadd.s32 $0x10, s9;
	s7 =	sadd.s32 $0x10, s11;
	v14 =	vor.u32 s25, v0  }
0x109: {  	s26 =	sadd.s32 $0x20, s31;
	s9 =	smov.u32 @p0 s7;
	v15 =	vld [tilespmem:s3+$0x10];
	[tilespmem:v10+s18+$0x0] =	vst.idx.msk $0xffff, v14  }
0x10a: {  	s4 =	sadd.s32 $0x10, s4;
	s29 =	sadd.s32 $0x20, s5;
	s7 =	sadd.s32 $0x10, s8;
	v10 =	vld [tilespmem:s9+$0x0];
	v13 =	vor.u32 s26, v0  }
0x10b: {  	s1 =	sadd.s32 $0x10, s1;
	s0 =	sadd.s32 $0x10, s0;
	s4 =	smov.u32 @p0 s7;
	v14 =	vld [tilespmem:s6+$0x10];
	[tilespmem:v11+s18+$0x0] =	vst.idx.msk $0xffff, v13;
	v13 =	vor.u32 s29, v0  }
0x10c: {  	s1 =	smov.u32 @p0 s0;
	v11 =	vld [tilespmem:s4+$0x0];
	[tilespmem:v12+s18+$0x0] =	vst.idx.msk $0xffff, v13  }
0x10d: {  	v12 =	vld [tilespmem:s1+$0x0]  }
0x10e: {  	v7 =	vshra.s32 v7, v5;
	v13 =	vld [tilespmem:s14+$0x10]  }
0x10f: {  	v7 =	vand.u32 $0xF, v7;
	v10 =	vshra.s32 v10, v5  }
0x110: {  	v8 =	vshll.u32 v8, $0x4;
	v14 =	vshll.u32 v14, $0x4;
	v10 =	vand.u32 $0xF, v10  }
0x111: {  	v7 =	vor.u32 v8, v7;
	v8 =	vor.u32 v14, v10;
	v10 =	vshra.s32 v11, v5  }
0x112: {  	v11 =	vshll.u32 v15, $0x4;
	v10 =	vand.u32 $0xF, v10;
	v12 =	vshra.s32 v12, v5  }
0x113: {  	v10 =	vor.u32 v11, v10;
	v11 =	vand.u32 $0xF, v12;
	v12 =	vshll.u32 v13, $0x4  }
0x114: {  	s3 =	sadd.s32 $0x30, s30;
	v11 =	vor.u32 v12, v11  }
0x115: {  	s1 =	sadd.s32 $0x30, s13;
	v13 =	vor.u32 s3, v0  }
0x116: {  	s4 =	sadd.s32 $0x30, s31;
	v12 =	vor.u32 s1, v0;
	[tilespmem:v8+s18+$0x0] =	vst.idx.msk $0xffff, v13  }
0x117: {  	s5 =	sadd.s32 $0x30, s5;
	[tilespmem:v7+s18+$0x0] =	vst.idx.msk $0xffff, v12;
	v7 =	vor.u32 s4, v0  }
0x118: {  	v8 =	vor.u32 s5, v0;
	[tilespmem:v10+s18+$0x0] =	vst.idx.msk $0xffff, v7  }
0x119: {  	s6 =	simm.s32 $0x10020;
	[tilespmem:v11+s18+$0x0] =	vst.idx.msk $0xffff, v8  }
0x11a: {  	s7 =	simm.s32 $0x11020;
	v10 =	vld [tilespmem:s6+$0x0]  }
0x11b: {  	v11 =	vld [tilespmem:s7+$0x0]  }
0x11c: {  	v7 =	vld [tilespmem:s24+$0x0]  }
0x11d: {  	v12 =	vld [tilespmem:s7+$0xFFFFFFE0]  }
0x11e: {  	v13 =	vld [tilespmem:s6+$0xFFFFFFE0];
	_ =	sdelay $0x1  }
0x11f: {  	v14 =	vld [tilespmem:s24+$0xFFFFFFE0];
	v8 =	vpsel p0, v10, v11  }
0x120: {  	v8 =	vshra.s32 v8, v5  }
0x121: {  	v15 =	vld [tilespmem:s7+$0x10];
	v7 =	vshll.u32 v7, $0x4;
	v8 =	vand.u32 $0xF, v8  }
0x122: {  	v20 =	vld [tilespmem:s7+$0xFFFFFFF0];
	v7 =	vor.u32 v7, v8;
	v8 =	vpsel p0, v13, v12  }
0x123: {  	v21 =	vld [tilespmem:s6+$0xFFFFFFF0];
	v8 =	vshra.s32 v8, v5  }
0x124: {  	v17 =	vld [tilespmem:s24+$0xFFFFFFF0];
	v14 =	vshll.u32 v14, $0x4;
	v8 =	vand.u32 $0xF, v8  }
0x125: {  	v22 =	vld [tilespmem:s6+$0x10];
	v8 =	vor.u32 v14, v8  }
0x126: {  	v19 =	vld [tilespmem:s24+$0x10]  }
0x127: {  	s9 =	simm.s32 $0x10060;
	v14 =	vld.idx.msk [tilespmem:v7+s2+$0x0], $0xffff  }
0x128: {  	v16 =	vld [tilespmem:s9+$0x0];
	v18 =	vpsel p0, v21, v20  }
0x129: {  	v25 =	vld [tilespmem:s23+$0x0];
	v18 =	vshra.s32 v18, v5  }
0x12a: {  	v17 =	vshll.u32 v17, $0x4;
	v24 =	vpsel p0, v22, v15;
	v23 =	vld.idx.msk [tilespmem:v8+s2+$0x0], $0xffff;
	v8 =	vand.u32 $0xF, v18  }
0x12b: {  	s8 =	simm.s32 $0x11060;
	v55 =	vld [tilespmem:s23+$0x10];
	v26 =	vor.u32 v17, v8;
	v8 =	vshra.s32 v24, v5  }
0x12c: {  	s11 =	simm.s32 $0x20;
	v18 =	vld [tilespmem:s8+$0x0];
	v17 =	vshll.u32 v19, $0x4;
	v8 =	vand.u32 $0xF, v8  }
0x12d: {  	v19 =	vor.u32 v17, v8;
	v17 =	vor.u32 s11, v0;
	v8 =	vld [tilespmem:s8+$0xFFFFFFF0]  }
0x12e: {  	[tilespmem:s24+$0x0] =	vst v14;
	vm1 =	vne.s32 v14, v17;
	v17 =	vld [tilespmem:s8+$0xFFFFFFE0]  }
0x12f: {  	v24 =	vld.idx.msk [tilespmem:v14+s12+$0x0], $0xffff  }
0x130: {  	v27 =	vld.idx.msk [tilespmem:v14+s10+$0x0], $0xffff  }
0x131: {  	v14 =	vsel vm1, $0x1, v1;
	[tilespmem:s24+$0xFFFFFFE0] =	vst v23;
	vm1 =	vne.s32 v23, v9;
	v9 =	vld.idx.msk [tilespmem:v26+s2+$0x0], $0xffff  }
0x132: {  	v14 =	vor.u32 $0x80000000, v14;
	v26 =	vsel vm1, $0x1, v1;
	v28 =	vld.idx.msk [tilespmem:v23+s10+$0x0], $0xffff  }
0x133: {  	(xrf0) =	vmax.scan.msk.u32 $0xffff, v14;
	v14 =	vor.u32 $0x80000000, v26;
	v26 =	vld.idx.msk [tilespmem:v19+s2+$0x0], $0xffff  }
0x134: {  	v29 =	vpsel p0, v16, v18;
	(xrf0) =	vmax.scan.msk.u32 $0xffff, v14;
	v19 =	vld [tilespmem:s9+$0xFFFFFFE0]  }
0x135: {  	s13 =	simm.s32 $0x10;
	vm1 =	vne.s32 v24, v11;
	v11 =	vshra.s32 v29, v5;
	vm2 =	vne.s32 v27, v10;
	v10 =	vld.idx.msk [tilespmem:v23+s12+$0x0], $0xffff  }
0x136: {  	s14 =	simm.s32 $0x30;
	v23 =	vshll.u32 v25, $0x4;
	v24 =	vor.u32 s13, v0;
	v27 =	vld [tilespmem:s23+$0xFFFFFFF0];
	v14 =	vand.u32 $0xF, v11  }
0x137: {  	v25 =	vor.u32 s14, v0;
	vm1 =	vmor vm2, vm1;
	v14 =	vor.u32 v23, v14;
	v23 =	vld [tilespmem:s23+$0xFFFFFFE0]  }
0x138: {  	v11 =	vld [tilespmem:s9+$0xFFFFFFF0];
	vm2 =	vne.s32 v9, v24;
	v24 =	vsel vm1, $0x1, v1  }
0x139: {  	v7 =	vld [tilespmem:s8+$0x10];
	[tilespmem:s24+$0xFFFFFFF0] =	vst v9;
	v51 =	vsel vm2, $0x1, v1;
	v30, _, _ =	vpop (xrf0);
	vm1 =	vne.s32 v28, v13;
	v13 =	vor.u32 $0x80000000, v24  }
0x13a: {  	v52 =	vor.u32 $0x80000000, v51;
	vm2 =	vne.s32 v26, v25;
	v24 =	vld.idx.msk [tilespmem:v9+s10+$0x0], $0xffff;
	v25, _, _ =	vpop (xrf0);
	(xrf0) =	vmax.scan.msk.u32 $0xffff, v13;
	v13 =	vpsel p0, v19, v17  }
0x13b: {  	[tilespmem:s24+$0x10] =	vst v26;
	v53 =	vld.idx.msk [tilespmem:v9+s12+$0x0], $0xffff;
	v54 =	vsel vm2, $0x1, v1;
	(xrf0) =	vmax.scan.msk.u32 $0xffff, v52;
	v9 =	vshra.s32 v13, v5  }
0x13c: {  	(v2sf) =	vpush v25, $0xF;
	v25 =	vld.idx.msk [tilespmem:v26+s12+$0x0], $0xffff;
	v9 =	vand.u32 $0xF, v9;
	v23 =	vshll.u32 v23, $0x4  }
0x13d: {  	s15 =	simm.s32 $0x60;
	v27 =	vshll.u32 v27, $0x4;
	v13 =	vpsel p0, v11, v8;
	v26 =	vld.idx.msk [tilespmem:v26+s10+$0x0], $0xffff;
	v23 =	vor.u32 v23, v9  }
0x13e: {  	vm2 =	vne.s32 v10, v12;
	v12 =	vor.u32 s15, v0;
	v13 =	vshra.s32 v13, v5;
	v32 =	vld.idx.msk [tilespmem:v14+s2+$0x0], $0xffff  }
0x13f: {  	(v2sf) =	vpush v30, $0xF;
	vm1 =	vmor vm1, vm2;
	v14 =	vld [tilespmem:s9+$0x10];
	v31 =	vand.u32 $0xF, v13  }
0x140: {  	v9 =	vor.u32 $0x80000000, v54;
	v13 =	vsel vm1, $0x1, v1;
	vm2 =	vne.s32 v24, v21;
	v10, _, _ =	vpop (xrf0)  }
0x141: {  	(xrf0) =	vmax.scan.msk.u32 $0xffff, v9;
	vm1 =	vne.s32 v53, v20;
	v21 =	vor.u32 $0x80000000, v13;
	v20, _, _ =	vpop (xrf0);
	(v2sf) =	vpush v10, $0xF  }
0x142: {  	v24 =	vor.u32 v27, v31;
	vm1 =	vmor vm2, vm1;
	(v2sf) =	vpush v20, $0xF;
	v20 =	vld.idx.msk [tilespmem:v23+s2+$0x0], $0xffff  }
0x143: {  	vm2 =	vne.s32 v25, v15;
	v23 =	vsel vm1, $0x1, v1;
	vm1 =	vne.s32 v26, v22  }
0x144: {  	v13 =	vld [tilespmem:s21+$0x0];
	v27 =	vshll.u32 v55, $0x4;
	(xrf0) =	vmax.scan.msk.u32 $0xffff, v21;
	v15 =	vpsel p0, v14, v7;
	vm1 =	vmor vm1, vm2  }
0x145: {  	v10 =	vld [tilespmem:s20+$0x0];
	[tilespmem:s23+$0x0] =	vst v32;
	v15 =	vshra.s32 v15, v5;
	v22 =	vor.u32 $0x80000000, v23;
	v21 =	vsel vm1, $0x1, v1  }
0x146: {  	v23 =	vld [tilespmem:s19+$0x0];
	v15 =	vand.u32 $0xF, v15;
	(xrf0) =	vmax.scan.msk.u32 $0xffff, v22;
	vm1 =	vne.s32 v32, v12;
	v21 =	vor.u32 $0x80000000, v21  }
0x147: {  	v24 =	vld.idx.msk [tilespmem:v24+s2+$0x0], $0xffff;
	v25, _, _ =	vpop (xrf0);
	v27 =	vor.u32 v27, v15;
	(xrf0) =	vmax.scan.msk.u32 $0xffff, v21;
	v21 =	vsel vm1, $0x1, v1;
	vm1 =	vne.s32 v20, v6  }
0x148: {  	v26 =	vld.idx.msk [tilespmem:v32+s12+$0x0], $0xffff;
	v6 =	vor.u32 $0x80000000, v21;
	v21 =	vsel vm1, $0x1, v1  }
0x149: {  	v22 =	vld.idx.msk [tilespmem:v32+s10+$0x0], $0xffff;
	(v2sf) =	vpush v25, $0xF  }
0x14a: {  	v15 =	vld [tilespmem:s21+$0xFFFFFFF0]  }
0x14b: {  	v12 =	vld [tilespmem:s21+$0xFFFFFFE0];
	(xrf0) =	vmax.scan.msk.u32 $0xffff, v6;
	v6 =	vor.u32 $0x80000000, v21;
	v21, _, _ =	vpop (xrf0)  }
0x14c: {  	v27 =	vld.idx.msk [tilespmem:v27+s2+$0x0], $0xffff;
	(v2sf) =	vpush v21, $0xF  }
0x14d: {  	v56 =	vpsel p0, v10, v13;
	[tilespmem:s23+$0xFFFFFFE0] =	vst v20;
	vm1 =	vne.s32 v26, v18;
	v26 =	vld [tilespmem:s19+$0xFFFFFFF0];
	v57, _, _ =	vpop (xrf0)  }
0x14e: {  	v18 =	vshra.s32 v56, v5;
	v25 =	vld.idx.msk [tilespmem:v20+s10+$0x0], $0xffff;
	(xrf0) =	vmax.scan.msk.u32 $0xffff, v6;
	(v2sf) =	vpush v57, $0xF  }
0x14f: {  	vm2 =	vne.s32 v22, v16;
	v18 =	vand.u32 $0xF, v18;
	v58 =	vld.idx.msk [tilespmem:v20+s12+$0x0], $0xffff;
	v16, _, _ =	vpop (xrf0)  }
0x150: {  	s16 =	simm.s32 $0x50;
	v20 =	vshll.u32 v23, $0x4;
	vm1 =	vmor vm2, vm1;
	v6 =	vld [tilespmem:s20+$0xFFFFFFE0];
	(v2sf) =	vpush v16, $0xF  }
0x151: {  	v23 =	vld [tilespmem:s19+$0xFFFFFFE0];
	v18 =	vor.u32 v20, v18;
	v20 =	vsel vm1, $0x1, v1;
	v21 =	vor.u32 s16, v0  }
0x152: {  	vm2 =	vne.s32 v24, v21;
	v16 =	vld [tilespmem:s20+$0xFFFFFFF0]  }
0x153: {  	s25 =	simm.s32 $0x70;
	v9 =	vld [tilespmem:s21+$0x10];
	[tilespmem:s23+$0xFFFFFFF0] =	vst v24;
	s17 =	spop (v2sf);
	v59, _, _ =	vpop (xrf0);
	v60 =	vsel vm2, $0x1, v1;
	vm1 =	vne.s32 v25, v19;
	v19 =	vor.u32 $0x80000000, v20  }
0x154: {  	v22 =	vor.u32 s25, v0;
	s26 =	spop (v2sf);
	v21 =	vld.idx.msk [tilespmem:v24+s10+$0x0], $0xffff;
	[tilespmem:s23+$0x10] =	vst v27;
	v25 =	vor.u32 $0x80000000, v60;
	(xrf0) =	vmax.scan.msk.u32 $0xffff, v19;
	v20, _, _ =	vpop (xrf0)  }
0x155: {  	vm2 =	vne.s32 v27, v22;
	v22 =	vld.idx.msk [tilespmem:v24+s12+$0x0], $0xffff;
	s24 =	spop (v2sf);
	v61 =	vpsel p0, v6, v12;
	(xrf0) =	vmax.scan.msk.u32 $0xffff, v25;
	(v2sf) =	vpush v20, $0xF  }
0x156: {  	s25 =	simm.s32 $0x120A0;
	s0 =	sxor.u32 $0x80000000, s17;
	v26 =	vshll.u32 v26, $0x4;
	v63 =	vsel vm2, $0x1, v1;
	s29 =	spop (v2sf);
	v24 =	vshra.s32 v61, v5;
	v20 =	vld.idx.msk [tilespmem:v27+s12+$0x0], $0xffff  }
0x157: {  	s0 =	sor.u32 s18, s0;
	s30 =	sxor.u32 $0x80000000, s26;
	s1 =	sxor.u32 $0x80000000, s29;
	v19 =	vand.u32 $0xF, v24;
	v24 =	vshll.u32 v23, $0x4;
	v23 =	vld.idx.msk [tilespmem:v27+s10+$0x0], $0xffff;
	v62 =	vpsel p0, v16, v15  }
0x158: {  	s23 =	simm.s32 $0x80;
	s0 =	sor.u32 s1, s0;
	v27 =	vor.u32 $0x80000000, v63;
	v25 =	vor.u32 v24, v19;
	v19 =	vld.idx.msk [tilespmem:v18+s2+$0x0], $0xffff;
	v30 =	vshra.s32 v62, v5;
	s31 =	spop (v2sf)  }
0x159: {  	vm2 =	vne.s32 v58, v17;
	s26 =	sor.u32 s30, s0;
	s0 =	simm.s32 $0xA0;
	v18 =	vld [tilespmem:s20+$0x10];
	(v2sf) =	vpush v59, $0xF;
	(xrf0) =	vmax.scan.msk.u32 $0xffff, v27;
	v24 =	vand.u32 $0xF, v30;
	s28 =	sxor.u32 $0x80000000, s31  }
.LBB2_9:
0x15a: {  	s22 =	sadd.s32 $0x4, s22;
	v17 =	vor.u32 s0, v0;
	v27 =	vld [tilespmem:s19+$0x10];
	s21 =	sadd.s32 $0x40, s21;
	vm1 =	vmor vm1, vm2;
	vm2 =	vne.s32 v21, v11;
	v11, _, _ =	vpop (xrf0)  }
0x15b: {  	s20 =	sadd.s32 $0x40, s20;
	v21 =	vld [tilespmem:s21+$0x10];
	p1 =	slt.u32 s22, $0xFC;
	v28 =	vsel vm1, $0x1, v1;
	vm1 =	vne.s32 v22, v8;
	v8, _, _ =	vpop (xrf0);
	(v2sf) =	vpush v11, $0xF;
	s0 =	spop (v2sf)  }
0x15c: {  	v11 =	vmovc v16;
	v22 =	vld [tilespmem:s20+$0x0];
	v28 =	vor.u32 $0x80000000, v28;
	vm1 =	vmor vm2, vm1;
	(v2sf) =	vpush v8, $0xF;
	s0 =	sxor.u32 $0x80000000, s0;
	v8 =	vmovc v15  }
0x15d: {  	vm2 =	vne.s32 v20, v7;
	v16 =	vld.idx.msk [tilespmem:v25+s2+$0x0], $0xffff;
	v29 =	vsel vm1, $0x1, v1;
	vm1 =	vne.s32 v23, v14;
	(xrf0) =	vmax.scan.msk.u32 $0xffff, v28;
	s1 =	spop (v2sf)  }
0x15e: {  	s19 =	sadd.s32 $0x40, s19;
	v7 =	vmovc v9;
	s0 =	sor.u32 s18, s0;
	v20 =	vld [tilespmem:s21+$0x0];
	[tilespmem:s25+$0x0] =	vst v19;
	v23 =	vpsel p0, v18, v9;
	v25 =	vor.u32 $0x80000000, v29;
	vm1 =	vmor vm1, vm2;
	s1 =	sxor.u32 $0x80000000, s1;
	v14 =	vmovc v18  }
0x15f: {  	v24 =	vor.u32 v26, v24;
	s3 =	sxor.u32 $0x80000000, s24;
	v18 =	vld [tilespmem:s19+$0x0];
	v28 =	vshra.s32 v23, v5;
	v23 =	vsel vm1, $0x1, v1;
	(xrf0) =	vmax.scan.msk.u32 $0xffff, v25;
	v15, _, _ =	vpop (xrf0);
	s0 =	sor.u32 s1, s0;
	s1 =	spop (v2sf)  }
0x160: {  	v27 =	vshll.u32 v27, $0x4;
	v25 =	vld.idx.msk [tilespmem:v19+s12+$0x0], $0xffff;
	v26 =	vand.u32 $0xF, v28;
	v23 =	vor.u32 $0x80000000, v23;
	s1 =	sxor.u32 $0x80000000, s1;
	s0 =	sor.u32 s3, s0;
	v9 =	vmovc v21  }
0x161: {  	vm1 =	vne.s32 v19, v17;
	v21 =	vld.idx.msk [tilespmem:v19+s10+$0x0], $0xffff;
	v17 =	vor.u32 v27, v26;
	(xrf0) =	vmax.scan.msk.u32 $0xffff, v23;
	(v2sf) =	vpush v15, $0xF;
	s18 =	sor.u32 s1, s0;
	s0 =	sor.u32 s28, s26  }
0x162: {  	v19 =	vor.u32 s23, v0;
	v26 =	vsel vm1, $0x1, v1;
	v15 =	vld [tilespmem:s21+$0xFFFFFFF0]  }
0x163: {  	vm1 =	vne.s32 v16, v19;
	v19 =	vor.u32 $0x80000000, v26;
	v27 =	vld [tilespmem:s21+$0xFFFFFFE0];
	[tilespmem:s25+$0xFFFFFFE0] =	vst v16;
	v23, _, _ =	vpop (xrf0)  }
0x164: {  	v28 =	vsel vm1, $0x1, v1;
	v24 =	vld.idx.msk [tilespmem:v24+s2+$0x0], $0xffff;
	(xrf0) =	vmax.scan.msk.u32 $0xffff, v19;
	(v2sf) =	vpush v23, $0xF;
	s1 =	spop (v2sf)  }
0x165: {  	v23 =	vor.u32 $0x80000000, v28;
	v19 =	vld.idx.msk [tilespmem:v16+s10+$0x0], $0xffff;
	s1 =	sxor.u32 $0x80000000, s1;
	v26, _, _ =	vpop (xrf0)  }
0x166: {  	v28 =	vpsel p0, v22, v20;
	vm1 =	vne.s32 v25, v13;
	v17 =	vld.idx.msk [tilespmem:v17+s2+$0x0], $0xffff;
	(xrf0) =	vmax.scan.msk.u32 $0xffff, v23;
	(v2sf) =	vpush v26, $0xF  }
0x167: {  	v25 =	vshra.s32 v28, v5;
	vm2 =	vne.s32 v21, v10;
	v10 =	vmov v22;
	v23 =	vld [tilespmem:s20+$0xFFFFFFE0];
	v21, _, _ =	vpop (xrf0)  }
0x168: {  	s3 =	sadd.s32 $0x10, s23;
	v18 =	vshll.u32 v18, $0x4;
	v13 =	vmovc v20;
	v22 =	vand.u32 $0xF, v25;
	v28 =	vld.idx.msk [tilespmem:v16+s12+$0x0], $0xffff;
	s4 =	spop (v2sf);
	(v2sf) =	vpush v21, $0xF  }
0x169: {  	v20 =	vor.u32 s3, v0;
	s3 =	sadd.s32 $0x30, s23;
	v18 =	vor.u32 v18, v22;
	vm1 =	vmor vm2, vm1;
	v16 =	vld [tilespmem:s20+$0xFFFFFFF0]  }
0x16a: {  	v22 =	vor.u32 s3, v0;
	v30 =	vsel vm1, $0x1, v1;
	vm2 =	vne.s32 v24, v20;
	v25 =	vld [tilespmem:s19+$0xFFFFFFE0];
	[tilespmem:s25+$0xFFFFFFF0] =	vst v24;
	v29, _, _ =	vpop (xrf0);
	s24 =	spop (v2sf)  }
0x16b: {  	vm1 =	vne.s32 v19, v6;
	v31 =	vsel vm2, $0x1, v1;
	v19 =	vor.u32 $0x80000000, v30;
	v26 =	vld [tilespmem:s19+$0xFFFFFFF0];
	s3 =	spop (v2sf)  }
0x16c: {  	s0 =	sor.u32 s0, s1;
	v30 =	vor.u32 $0x80000000, v31;
	vm2 =	vne.s32 v17, v22;
	v21 =	vld.idx.msk [tilespmem:v24+s10+$0x0], $0xffff;
	[tilespmem:s25+$0x10] =	vst v17;
	v20, _, _ =	vpop (xrf0);
	(xrf0) =	vmax.scan.msk.u32 $0xffff, v19;
	s3 =	sxor.u32 $0x80000000, s3;
	s25 =	smov.u32 s19  }
.Ltmp6:
0x16d: {  	v19 =	vpsel p0, v23, v27;
	v6 =	vmovc v23;
	v22 =	vld.idx.msk [tilespmem:v24+s12+$0x0], $0xffff;
	(v2sf) =	vpush v20, $0xF;
	(xrf0) =	vmax.scan.msk.u32 $0xffff, v30;
	s0 =	sor.u32 s3, s0;
	(pc) =	sbr.rel @p1 .LBB2_9-.Ltmp6, $4  }
0x16e: {  	v19 =	vshra.s32 v19, v5;
	v30 =	vsel vm2, $0x1, v1;
	v23 =	vpsel p0, v16, v15;
	v20 =	vld.idx.msk [tilespmem:v17+s12+$0x0], $0xffff  }
0x16f: {  	s1 =	sxor.u32 $0x80000000, s4;
	v19 =	vand.u32 $0xF, v19;
	v24 =	vshll.u32 v25, $0x4;
	v31 =	vshra.s32 v23, v5;
	v23 =	vld.idx.msk [tilespmem:v17+s10+$0x0], $0xffff  }
0x170: {  	s23 =	sadd.s32 $0x40, s23;
	s26 =	sor.u32 s1, s0;
	v17 =	vor.u32 $0x80000000, v30;
	v25 =	vor.u32 v24, v19;
	v24 =	vand.u32 $0xF, v31;
	v19 =	vld.idx.msk [tilespmem:v18+s2+$0x0], $0xffff;
	s1 =	spop (v2sf)  }
0x171: {  	vm2 =	vne.s32 v28, v12;
	v12 =	vmovc v27;
	s0 =	sadd.s32 $0x20, s23;
	v26 =	vshll.u32 v26, $0x4;
	v18 =	vld [tilespmem:s20+$0x10];
	(v2sf) =	vpush v29, $0xF;
	(xrf0) =	vmax.scan.msk.u32 $0xffff, v17;
	s28 =	sxor.u32 $0x80000000, s1  }
0x172: {  	_ = 	snop  }
0x173: {  	v17 =	vld [tilespmem:s19+$0x10];
	_ =	sdelay $0x2  }
0x174: {  	v27 =	vpsel p0, v18, v9  }
0x175: {  	v24 =	vor.u32 v26, v24;
	v5 =	vshra.s32 v27, v5  }
0x176: {  	v17 =	vshll.u32 v17, $0x4;
	v5 =	vand.u32 $0xF, v5  }
0x177: {  	v5 =	vor.u32 v17, v5  }
0x178: {  	v40 =	vld.idx.msk [tilespmem:v25+s2+$0x0], $0xffff;
	_ =	sdelay $0x1  }
0x179: {  	v24 =	vld.idx.msk [tilespmem:v24+s2+$0x0], $0xffff  }
0x17a: {  	vm1 =	vmor vm1, vm2;
	vm2 =	vne.s32 v22, v8;
	v45 =	vor.u32 s0, v0  }
0x17b: {  	v42, _, _ =	vpop (xrf0);
	v48 =	vor.u32 s23, v0;
	v41 =	vsel vm1, $0x1, v1;
	vm1 =	vne.s32 v21, v11;
	[tilespmem:s25+$0x0] =	vst v19;
	v5 =	vld.idx.msk [tilespmem:v5+s2+$0x0], $0xffff  }
0x17c: {  	(v2sf) =	vpush v42, $0xF;
	vm1 =	vmor vm1, vm2;
	vm2 =	vne.s32 v20, v7;
	v7 =	vld.idx.msk [tilespmem:v19+s12+$0x0], $0xffff  }
0x17d: {  	v43, _, _ =	vpop (xrf0);
	v25 =	vor.u32 $0x80000000, v41;
	v44 =	vsel vm1, $0x1, v1;
	vm1 =	vne.s32 v23, v14;
	v46 =	vld.idx.msk [tilespmem:v19+s10+$0x0], $0xffff  }
0x17e: {  	(v2sf) =	vpush v43, $0xF;
	vm1 =	vmor vm1, vm2;
	v11 =	vor.u32 $0x80000000, v44;
	[tilespmem:s25+$0xFFFFFFE0] =	vst v40  }
0x17f: {  	(xrf0) =	vmax.scan.msk.u32 $0xffff, v25;
	v47 =	vsel vm1, $0x1, v1;
	vm1 =	vne.s32 v19, v45;
	vm2 =	vne.s32 v40, v48;
	v50 =	vld.idx.msk [tilespmem:v40+s10+$0x0], $0xffff  }
0x180: {  	v49, _, _ =	vpop (xrf0);
	v20 =	vor.u32 $0x80000000, v47;
	v19 =	vsel vm1, $0x1, v1;
	v52 =	vsel vm2, $0x1, v1;
	v17 =	vld.idx.msk [tilespmem:v40+s12+$0x0], $0xffff;
	[tilespmem:s25+$0xFFFFFFF0] =	vst v24  }
0x181: {  	s6 =	sadd.s32 $0x10, s23;
	(xrf0) =	vmax.scan.msk.u32 $0xffff, v11;
	(v2sf) =	vpush v49, $0xF;
	v53 =	vor.u32 $0x80000000, v19;
	v54 =	vor.u32 $0x80000000, v52;
	v55 =	vld.idx.msk [tilespmem:v24+s10+$0x0], $0xffff  }
0x182: {  	s7 =	sadd.s32 $0x30, s23;
	vm1 =	vne.s32 v7, v13;
	vm2 =	vne.s32 v46, v10;
	v7 =	vor.u32 s6, v0;
	v56 =	vld.idx.msk [tilespmem:v24+s12+$0x0], $0xffff;
	[tilespmem:s25+$0x10] =	vst v5  }
0x183: {  	(xrf0) =	vmax.scan.msk.u32 $0xffff, v20;
	vm1 =	vmor vm2, vm1;
	vm2 =	vne.s32 v24, v7;
	v7 =	vor.u32 s7, v0;
	v57 =	vld.idx.msk [tilespmem:v5+s12+$0x0], $0xffff  }
0x184: {  	v58 =	vsel vm1, $0x1, v1;
	v59 =	vsel vm2, $0x1, v1;
	vm1 =	vne.s32 v5, v7;
	v5 =	vld.idx.msk [tilespmem:v5+s10+$0x0], $0xffff  }
0x185: {  	(xrf0) =	vmax.scan.msk.u32 $0xffff, v53;
	vm2 =	vne.s32 v50, v6;
	v6 =	vsel vm1, $0x1, v1;
	vm1 =	vne.s32 v17, v12  }
0x186: {  	(xrf0) =	vmax.scan.msk.u32 $0xffff, v54;
	v60 =	vor.u32 $0x80000000, v59;
	v7 =	vor.u32 $0x80000000, v58;
	vm1 =	vmor vm2, vm1  }
0x187: {  	v51, _, _ =	vpop (xrf0);
	(xrf0) =	vmax.scan.msk.u32 $0xffff, v7;
	vm2 =	vne.s32 v55, v16;
	v7 =	vsel vm1, $0x1, v1;
	vm1 =	vne.s32 v56, v15  }
0x188: {  	v61, _, _ =	vpop (xrf0);
	(xrf0) =	vmax.scan.msk.u32 $0xffff, v60;
	v6 =	vor.u32 $0x80000000, v6;
	v7 =	vor.u32 $0x80000000, v7;
	vm1 =	vmor vm2, vm1  }
0x189: {  	v62, _, _ =	vpop (xrf0);
	(xrf0) =	vmax.scan.msk.u32 $0xffff, v6;
	v6 =	vsel vm1, $0x1, v1;
	vm1 =	vne.s32 v5, v18;
	vm2 =	vne.s32 v57, v9  }
0x18a: {  	(v2sf) =	vpush v51, $0xF;
	vm1 =	vmor vm1, vm2  }
0x18b: {  	(v2sf) =	vpush v61, $0xF;
	v6 =	vor.u32 $0x80000000, v6;
	v5, _, _ =	vpop (xrf0);
	(xrf0) =	vmax.scan.msk.u32 $0xffff, v7;
	v63 =	vsel vm1, $0x1, v1  }
0x18c: {  	(v2sf) =	vpush v62, $0xF;
	v7, _, _ =	vpop (xrf0);
	(xrf0) =	vmax.scan.msk.u32 $0xffff, v6;
	v6 =	vor.u32 $0x80000000, v63  }
0x18d: {  	(v2sf) =	vpush v7, $0xF  }
0x18e: {  	(v2sf) =	vpush v5, $0xF;
	v5, _, _ =	vpop (xrf0);
	(xrf0) =	vmax.scan.msk.u32 $0xffff, v6  }
0x18f: {  	(v2sf) =	vpush v5, $0xF;
	v6, _, _ =	vpop (xrf0)  }
0x190: {  	v5, _, _ =	vpop (xrf0);
	(v2sf) =	vpush v6, $0xF  }
0x191: {  	s8 =	spop (v2sf);
	(v2sf) =	vpush v5, $0xF;
	v5, _, _ =	vpop (xrf0)  }
0x192: {  	s1 =	spop (v2sf);
	(v2sf) =	vpush v5, $0xF;
	v5, _, _ =	vpop (xrf0)  }
0x193: {  	s3 =	spop (v2sf);
	(v2sf) =	vpush v5, $0xF  }
0x194: {  	s4 =	spop (v2sf);
	v5, _, _ =	vpop (xrf0)  }
0x195: {  	s5 =	spop (v2sf);
	(v2sf) =	vpush v5, $0xF  }
0x196: {  	s9 =	spop (v2sf)  }
0x197: {  	s0 =	sxor.u32 $0x80000000, s8;
	s11 =	spop (v2sf)  }
0x198: {  	s0 =	sor.u32 s18, s0;
	s1 =	sxor.u32 $0x80000000, s1;
	s13 =	spop (v2sf)  }
0x199: {  	s0 =	sor.u32 s1, s0;
	s6 =	sxor.u32 $0x80000000, s24;
	s8 =	spop (v2sf)  }
0x19a: {  	s3 =	sxor.u32 $0x80000000, s3;
	s0 =	sor.u32 s6, s0;
	s14 =	spop (v2sf)  }
0x19b: {  	s7 =	sor.u32 s28, s26;
	s4 =	sxor.u32 $0x80000000, s4;
	s15 =	spop (v2sf)  }
0x19c: {  	s0 =	sor.u32 s3, s0;
	s4 =	sor.u32 s7, s4;
	s16 =	spop (v2sf)  }
0x19d: {  	s5 =	sxor.u32 $0x80000000, s5;
	s1 =	sxor.u32 $0x80000000, s9;
	s17 =	spop (v2sf)  }
0x19e: {  	s6 =	sxor.u32 $0x80000000, s11;
	s8 =	sxor.u32 $0x80000000, s8;
	s18 =	spop (v2sf)  }
0x19f: {  	s0 =	sor.u32 s0, s8;
	s7 =	sxor.u32 $0x80000000, s14;
	s19 =	spop (v2sf)  }
0x1a0: {  	s4 =	sor.u32 s6, s4;
	s0 =	sor.u32 s7, s0;
	s20 =	spop (v2sf)  }
0x1a1: {  	s6 =	sxor.u32 $0x80000000, s15;
	s0 =	sor.u32 s1, s0;
	s22 =	spop (v2sf)  }
0x1a2: {  	s0 =	sor.u32 s6, s0;
	s23 =	sxor.u32 $0x80000000, s22;
	s24 =	spop (v2sf)  }
0x1a3: {  	s4 =	sor.u32 s5, s4;
	s5 =	sxor.u32 $0x80000000, s24;
	s0 =	sor.u32 s0, s23  }
0x1a4: {  	s25 =	sxor.u32 $0x80000000, s18;
	s26 =	spop (v2sf);
	s0 =	sor.u32 s5, s0  }
0x1a5: {  	s30 =	rddreg [dreg:$0x8];
	s28 =	sxor.u32 $0x80000000, s26;
	s0 =	sor.u32 s25, s0  }
0x1a6: {  	p0 =	sgt.u32 s30, $0x8;
	s0 =	sor.u32 s28, s0  }
0x1a7: {  	p1 =	sgt.s32 @!p0 s0, $0x0  }
0x1a8: {  	s3 =	sxor.u32 $0x80000000, s13;
	p1 =	por p0, !p1  }
.Ltmp7:
0x1a9: {  	s3 =	sor.u32 s3, s4;
	s21 =	sxor.u32 $0x80000000, s16;
	(pc) =	sbr.rel @!p1 .LBB2_6-.Ltmp7, $4  }
0x1aa: {  	s3 =	sor.u32 s3, s21;
	s1 =	sxor.u32 $0x80000000, s19  }
0x1ab: {  	s29 =	sxor.u32 $0x80000000, s17;
	s1 =	sor.u32 s1, s3  }
0x1ac: {  	s31 =	sxor.u32 $0x80000000, s20;
	s1 =	sor.u32 s29, s1  }
0x1ad: {  	s3 =	sadd.s32 $0x1, s30;
	s0 =	sor.u32 s31, s1  }
0x1ae: {  	s0 =	smov.u32 @p0 s0  }
.LBB2_12:
0x1af: {  	p0 =	sne.s32 s0, $0x0  }
.Ltmp8:
0x1b0: {  	_ = 	snop;
	(pc) =	sbr.rel @!p0 .LBB2_13-.Ltmp8, $1  }
0x1b1: {  	_ =	sdelay $0x3  }
0x1b2: {  	p0 =	slt.s32 s0, $0x1  }
.Ltmp9:
0x1b3: {  	_ = 	snop;
	(pc) =	sbr.rel @p0 .LBB2_22-.Ltmp9, $2  }
0x1b4: {  	_ =	sdelay $0x2  }
0x1b5: {  	s9 =	simm.s32 $0x1;
	s5 =	rddreg [dreg:$0x7]  }
0x1b6: {  	s1 =	simm.s32 $0xFF0;
	s3 =	simm.s32 $0x12FF0;
	s4 =	simm.s32 $0x15000  }
.LBB2_18:
0x1b7: {  	v5 =	vld [tilespmem:s3+$0x0];
	_ =	sdelay $0x4  }
0x1b8: {  	v5 =	vshll.u32 v5, $0xC  }
0x1b9: {  	v5 =	vor.u32 s1, v5  }
0x1ba: {  	v5 =	vor.u32 v0, v5  }
0x1bb: {  	(xrf1) =	vsort.ascd.msk.u32 $0xffff, v5, v5;
	_ =	sdelay $0xd  }
0x1bc: {  	v5, _, _ =	vpop (xrf1)  }
0x1bd: {  	[tilespmem:$0x15000] =	vst v5  }
0x1be: {  	v6 =	vld.idx.msk [tilespmem:v3+s4+$0x0], $0xffff;
	_ =	sdelay $0x4  }
0x1bf: {  	v7 =	vshra.s32 v5, $0xC;
	v6 =	vshra.s32 v6, $0xC  }
0x1c0: {  	vm1 =	vne.s32 v7, v6  }
0x1c1: {  	vm1 =	vmor vm1, vm0  }
0x1c2: {  	p0 =	sne.s32 s1, $0x0  }
.Ltmp10:
0x1c3: {  	_ = 	snop;
	(pc) =	sbr.rel @p0 .LBB2_18-.Ltmp10, $3  }
0x1c4: {  	_ =	sdelay $0x1  }
0x1c5: {  	s0 =	simm.s32 $0x0;
	v5 =	vand.u32 $0xFFF, v5  }
0x1c6: {  	s3 =	sadd.s32 $0xFFFFFFF0, s3;
	s1 =	sadd.s32 $0xFFFFFFF0, s1;
	[tilespmem:v7+s0+$0x0] =	vst.idx.msk vm1, v5  }
0x1c7: {  	s1 =	simm.s32 $0x12020  }
0x1c8: {  	v5 =	vld [tilespmem:s1+$0x10]  }
0x1c9: {  	v6 =	vld [tilespmem:s1+$0xFFFFFFE0]  }
0x1ca: {  	v7 =	vld [tilespmem:s1+$0xFFFFFFF0]  }
0x1cb: {  	s28 =	simm.s32 $0x13020;
	v8 =	vld [tilespmem:s1+$0x0]  }
0x1cc: {  	s3 =	simm.s32 $0x12060;
	v10 =	vld [tilespmem:s28+$0x10]  }
0x1cd: {  	v11 =	vld [tilespmem:s3+$0x10]  }
0x1ce: {  	v12 =	vld [tilespmem:s3+$0xFFFFFFE0]  }
0x1cf: {  	v13 =	vld [tilespmem:s3+$0xFFFFFFF0]  }
0x1d0: {  	v15 =	vld [tilespmem:s28+$0xFFFFFFE0]  }
0x1d1: {  	v16 =	vld [tilespmem:s28+$0xFFFFFFF0]  }
0x1d2: {  	v9 =	vld.idx.msk [tilespmem:v5+s2+$0x0], $0xffff  }
0x1d3: {  	v6 =	vld.idx.msk [tilespmem:v6+s2+$0x0], $0xffff  }
0x1d4: {  	v7 =	vld.idx.msk [tilespmem:v7+s2+$0x0], $0xffff  }
0x1d5: {  	s29 =	simm.s32 $0x30;
	v5 =	vld [tilespmem:s3+$0x0]  }
0x1d6: {  	v14 =	vld.idx.msk [tilespmem:v8+s2+$0x0], $0xffff;
	v8 =	vor.u32 s29, v0  }
0x1d7: {  	s30 =	simm.s32 $0x10;
	vm1 =	veq.s32 v9, v8;
	v9 =	vld [tilespmem:s28+$0x0]  }
0x1d8: {  	v17 =	vor.u32 s0, v0;
	s1 =	simm.s32 $0x13060;
	vm2 =	vne.s32 v10, $0x0;
	v10 =	vor.u32 s30, v0;
	v8 =	vld.idx.msk [tilespmem:v11+s2+$0x0], $0xffff  }
0x1d9: {  	s31 =	simm.s32 $0x20;
	vm4 =	veq.s32 v6, v17;
	vm2 =	vmand vm1, vm2;
	vm1 =	veq.s32 v7, v10;
	v10 =	vld [tilespmem:s1+$0x10]  }
0x1da: {  	s0 =	simm.s32 $0x14020;
	s5 =	simm.s32 $0x4;
	v6 =	vor.u32 s31, v0;
	v7 =	vld.idx.msk [tilespmem:v12+s2+$0x0], $0xffff;
	v11 =	vsel vm2, $0x3F800000, v4;
	vm2 =	vne.s32 v15, $0x0  }
0x1db: {  	s6 =	simm.s32 $0x120A0;
	s4 =	simm.s32 $0x40;
	s3 =	simm.s32 $0x14020;
	vm3 =	veq.s32 v14, v6;
	v6 =	vld.idx.msk [tilespmem:v13+s2+$0x0], $0xffff;
	[tilespmem:s0+$0x10] =	vst v11;
	vm2 =	vmand vm4, vm2;
	vm4 =	vne.s32 v16, $0x0  }
.LBB2_20:
0x1dc: {  	v11 =	vld [tilespmem:s6+$0x10];
	s5 =	sadd.s32 $0x4, s5;
	v12 =	vor.u32 s4, v0;
	s7 =	sadd.s32 $0x10, s4;
	s8 =	sadd.s32 $0x30, s4;
	vm1 =	vmand vm1, vm4;
	vm4 =	vne.s32 v9, $0x0  }
0x1dd: {  	v13 =	vld [tilespmem:s6+$0xFFFFFFE0];
	p0 =	slt.u32 s5, $0xFC;
	v9 =	vor.u32 s7, v0;
	s7 =	sadd.s32 $0x20, s4;
	v14 =	vor.u32 s8, v0;
	vm3 =	vmand vm3, vm4  }
0x1de: {  	v15 =	vld [tilespmem:s6+$0xFFFFFFF0];
	v16 =	vor.u32 s7, v0;
	vm4 =	veq.s32 v8, v14;
	vm5 =	vne.s32 v10, $0x0  }
0x1df: {  	v8 =	vsel vm2, $0x3F800000, v4;
	v14 =	vsel vm1, $0x3F800000, v4;
	v10 =	vld [tilespmem:s6+$0x0];
	vm4 =	vmand vm4, vm5  }
0x1e0: {  	s3 =	sadd.s32 $0x40, s3;
	vm2 =	veq.s32 v7, v12;
	v7 =	vsel vm3, $0x3F800000, v4;
	v12 =	vld.idx.msk [tilespmem:v5+s2+$0x0], $0xffff;
	v5 =	vsel vm4, $0x3F800000, v4;
	[tilespmem:s0+$0xFFFFFFE0] =	vst v8  }
0x1e1: {  	vm1 =	veq.s32 v6, v9;
	v17 =	vld [tilespmem:s1+$0xFFFFFFE0];
	[tilespmem:s3+$0x10] =	vst v5  }
0x1e2: {  	v18 =	vld [tilespmem:s1+$0xFFFFFFF0];
	[tilespmem:s0+$0xFFFFFFF0] =	vst v14  }
.Ltmp11:
0x1e3: {  	v9 =	vld [tilespmem:s1+$0x0];
	[tilespmem:s0+$0x0] =	vst v7;
	s0 =	smov.u32 s3;
	(pc) =	sbr.rel @p0 .LBB2_20-.Ltmp11, $4  }
0x1e4: {  	s1 =	sadd.s32 $0x40, s1;
	v8 =	vld.idx.msk [tilespmem:v11+s2+$0x0], $0xffff;
	v5 =	vmov v10  }
0x1e5: {  	v10 =	vld [tilespmem:s1+$0x10]  }
0x1e6: {  	vm3 =	veq.s32 v12, v16;
	v7 =	vld.idx.msk [tilespmem:v13+s2+$0x0], $0xffff;
	vm4 =	vne.s32 v17, $0x0  }
0x1e7: {  	s4 =	sadd.s32 $0x40, s4;
	s6 =	sadd.s32 $0x40, s6;
	v6 =	vld.idx.msk [tilespmem:v15+s2+$0x0], $0xffff;
	vm2 =	vmand vm2, vm4;
	vm4 =	vne.s32 v18, $0x0  }
0x1e8: {  	_ =	sdelay $0x3  }
0x1e9: {  	v5 =	vld.idx.msk [tilespmem:v5+s2+$0x0], $0xffff  }
0x1ea: {  	s5 =	sadd.s32 $0x30, s4;
	vm1 =	vmand vm1, vm4;
	v12 =	vld [tilespmem:s1+$0xFFFFFFE0];
	vm13 =	vne.s32 v9, $0x0  }
0x1eb: {  	v58 =	vld [tilespmem:s1+$0xFFFFFFF0];
	v59 =	vor.u32 s4, v0;
	v13 =	vsel vm2, $0x3F800000, v4;
	v11 =	vor.u32 s5, v0  }
0x1ec: {  	s29 =	sadd.s32 $0x10, s4;
	v60 =	vld [tilespmem:s1+$0x0];
	vm3 =	vmand vm3, vm13;
	vm5 =	veq.s32 v8, v11;
	vm6 =	vne.s32 v10, $0x0  }
0x1ed: {  	s30 =	sadd.s32 $0x20, s4;
	v61 =	vor.u32 s29, v0;
	v62 =	vsel vm1, $0x3F800000, v4;
	vm14 =	vmand vm5, vm6  }
0x1ee: {  	[tilespmem:s0+$0xFFFFFFE0] =	vst v13;
	vm2 =	veq.s32 v7, v59;
	v7 =	vor.u32 s30, v0;
	v63 =	vsel vm14, $0x3F800000, v4  }
0x1ef: {  	s31 =	sadd.s32 $0x40, s3;
	[tilespmem:s0+$0xFFFFFFF0] =	vst v62;
	vm1 =	veq.s32 v6, v61;
	v6 =	vsel vm3, $0x3F800000, v4;
	vm3 =	vne.s32 v12, $0x0  }
0x1f0: {  	[tilespmem:s31+$0x10] =	vst v63;
	vm15 =	veq.s32 v5, v7;
	vm2 =	vmand vm2, vm3;
	vm3 =	vne.s32 v58, $0x0  }
.Ltmp12:
0x1f1: {  	[tilespmem:s0+$0x0] =	vst v6;
	vm1 =	vmand vm1, vm3;
	vm3 =	vne.s32 v60, $0x0;
	v5 =	vsel vm2, $0x3F800000, v4;
	(pc) =	sbr.rel .LBB2_22-.Ltmp12, $4  }
0x1f2: {  	vm2 =	vmand vm15, vm3;
	v6 =	vsel vm1, $0x3F800000, v4;
	[tilespmem:s31+$0xFFFFFFE0] =	vst v5  }
0x1f3: {  	v5 =	vsel vm2, $0x3F800000, v4;
	[tilespmem:s31+$0xFFFFFFF0] =	vst v6  }
0x1f4: {  	[tilespmem:s31+$0x0] =	vst v5  }
0x1f5: {  	s5 =	rddreg [dreg:$0x7]  }
.LBB2_13:
0x1f6: {  	s0 =	simm.s32 $0x13020  }
0x1f7: {  	v5 =	vld [tilespmem:s0+$0xFFFFFFE0]  }
0x1f8: {  	v7 =	vld [tilespmem:s0+$0x10]  }
0x1f9: {  	v8 =	vld [tilespmem:s0+$0x0]  }
0x1fa: {  	v9 =	vld [tilespmem:s0+$0xFFFFFFF0];
	_ =	sdelay $0x1  }
0x1fb: {  	s1 =	simm.s32 $0x13060;
	vm1 =	veq.s32 v5, $0x0  }
0x1fc: {  	s0 =	simm.s32 $0x14020;
	v6 =	vld [tilespmem:s1+$0xFFFFFFE0];
	v10 =	vsel vm1, $0x0, v2;
	vm1 =	veq.s32 v7, $0x0  }
0x1fd: {  	v5 =	vld [tilespmem:s1+$0x10];
	vm2 =	veq.s32 v8, $0x0;
	[tilespmem:s0+$0xFFFFFFE0] =	vst v10;
	v8 =	vsel vm1, $0x0, v2  }
0x1fe: {  	v7 =	vld [tilespmem:s1+$0x0];
	vm1 =	veq.s32 v9, $0x0;
	v10 =	vsel vm2, $0x0, v2;
	[tilespmem:s0+$0x10] =	vst v8  }
0x1ff: {  	s3 =	simm.s32 $0x4;
	s9 =	simm.s32 $0x1;
	v8 =	vld [tilespmem:s1+$0xFFFFFFF0];
	v9 =	vsel vm1, $0x0, v2;
	[tilespmem:s0+$0x0] =	vst v10  }
.LBB2_14:
0x200: {  	s3 =	sadd.s32 $0x4, s3  }
0x201: {  	[tilespmem:s0+$0xFFFFFFF0] =	vst v9;
	s0 =	sadd.s32 $0x40, s0;
	p0 =	slt.u32 s3, $0xFC  }
.Ltmp13:
0x202: {  	s1 =	sadd.s32 $0x40, s1;
	vm1 =	veq.s32 v6, $0x0;
	(pc) =	sbr.rel @p0 .LBB2_14-.Ltmp13, $4  }
0x203: {  	v6 =	vld [tilespmem:s1+$0xFFFFFFE0];
	v9 =	vsel vm1, $0x0, v2;
	vm1 =	veq.s32 v5, $0x0  }
0x204: {  	v5 =	vld [tilespmem:s1+$0x10];
	[tilespmem:s0+$0xFFFFFFE0] =	vst v9;
	vm2 =	veq.s32 v7, $0x0;
	v9 =	vsel vm1, $0x0, v2  }
0x205: {  	v7 =	vld [tilespmem:s1+$0x0];
	vm1 =	veq.s32 v8, $0x0;
	v10 =	vsel vm2, $0x0, v2;
	[tilespmem:s0+$0x10] =	vst v9  }
0x206: {  	v8 =	vld [tilespmem:s1+$0xFFFFFFF0];
	v9 =	vsel vm1, $0x0, v2;
	[tilespmem:s0+$0x0] =	vst v10  }
0x207: {  	_ = 	snop  }
0x208: {  	vm1 =	veq.s32 v6, $0x0  }
0x209: {  	[tilespmem:s0+$0xFFFFFFF0] =	vst v9;
	s31 =	sadd.s32 $0x40, s0;
	v6 =	vsel vm1, $0x0, v2;
	vm1 =	veq.s32 v5, $0x0  }
.Ltmp14:
0x20a: {  	[tilespmem:s31+$0xFFFFFFE0] =	vst v6;
	vm2 =	veq.s32 v7, $0x0;
	v5 =	vsel vm1, $0x0, v2;
	(pc) =	sbr.rel .LBB2_22-.Ltmp14, $4  }
0x20b: {  	vm1 =	veq.s32 v8, $0x0;
	v6 =	vsel vm2, $0x0, v2;
	[tilespmem:s31+$0x10] =	vst v5  }
0x20c: {  	v5 =	vsel vm1, $0x0, v2;
	[tilespmem:s31+$0x0] =	vst v6  }
0x20d: {  	[tilespmem:s31+$0xFFFFFFF0] =	vst v5  }
0x20e: {  	s5 =	rddreg [dreg:$0x7]  }
.LBB2_23:
0x20f: {  	_ =	sfence.sel $0x180000  }
0x210: {  	[bflag:$0x0] =	sbarrier.arrive $0xFFFF  }
0x211: {  	_ =	strace $0x90000047  }
0x212: {  	s0 =	stileid.u32;
	[bflag:$0x2] =	sbarrier.arrive $0xFFFF  }
0x213: {  	p0 =	sne.s32 s0, $0x0;
	s0 =	rddreg [dreg:$0x1]  }
0x214: {  	s0 =	sadd.s32 @!p0 $0x100000, s0  }
0x215: {  	[sflag:s0] =	ssyncadd.tile.s32 @!p0 $0x1;
	_ =	shalt  }
.Lfunc_end2:
_tile_overlayer_lowered:
.L_overlay_start_2:
0x216: {  	(tag) =	ssettag $0x2  }
0x217: {  	s0 =	rddreg [dreg:$0x0];
	s2 =	stileid.u32  }
0x218: {  	s1 =	rddreg [dreg:$0x1];
	p0 =	sne.s32 s2, $0x0  }
0x219: {  	s3 =	rddreg [dreg:$0x2];
	[bflag:$0x3] =	sbarrier.arrive $0xFFFF;
	s2 =	simm.s32 @!p0 $0x1C01  }
0x21a: {  	[timem:s3], [sflag:s2] =	dma.local @!p0 [hbm:s0], s1  }
0x21b: {  	s0 =	simm.s32 @!p0 $0x1  }
0x21c: {  	_ =	swait.ge @!p0 [sflag:s0], s1  }
0x21d: {  	s1 =	ssub.s32 @!p0 $0x0, s1;
	[sflag:s0] =	ssyncset.done @!p0 $0x0  }
0x21e: {  	[sflag:s0] =	ssyncadd.s32 @!p0 s1  }
0x21f: {  	[bflag:$0x3] =	sbarrier.arrive $0xFFFF  }
0x220: {  	_ =	shalt  }

</sc_bundles>
